<compile_context>
chip_gen: v7x
topology: tpu7x:2x2x1
jax: 0.10.2.dev20260603
libtpu: 0.0.44.dev20260713+nightly
codegen_flags: <defaults>
</compile_context>

<pallas_src>
import functools

import jax
import jax.numpy as jnp
from jax import lax
from jax.experimental import pallas as pl
from jax.experimental.pallas import tpu as pltpu
from jax.experimental.pallas import tpu_sc as plsc

C = 256
G = 16
K = 16
BQ = 128
S = BQ * K
_BIG = 3.0e38


def _mm(a, b, precision=None):
    return lax.dot_general(a, b, (((1,), (1,)), ((), ())),
                           preferred_element_type=jnp.float32,
                           precision=precision)


def _ln(x, g, b, eps=1e-5):
    m = jnp.mean(x, axis=-1, keepdims=True)
    v = jnp.mean((x - m) ** 2, axis=-1, keepdims=True)
    return (x - m) / jnp.sqrt(v + eps) * g + b



def _knn_body(cq_ref, qsq_ref, keys_ref, ksq_ref, o_ref):
    npad = keys_ref.shape[0]
    cross = _mm(cq_ref[...], keys_ref[...])
    d2 = qsq_ref[...] + ksq_ref[...] - 2.0 * cross
    col = lax.broadcasted_iota(jnp.int32, (BQ, npad), 1)
    for i in range(K):
        amin = jnp.argmin(d2, axis=1).astype(jnp.int32).reshape(BQ, 1)
        o_ref[:, i:i + 1] = amin
        if i + 1 < K:
            d2 = jnp.where(col == amin, _BIG, d2)


def _knn_call(coordp, sqp, interpret=False):
    npad = coordp.shape[0]
    grid = npad // BQ
    sq_col = sqp.reshape(npad, 1)
    sq_row = sqp.reshape(1, npad)
    return pl.pallas_call(
        _knn_body,
        grid=(grid,),
        in_specs=[
            pl.BlockSpec((BQ, 128), lambda j: (j, 0)),
            pl.BlockSpec((BQ, 1), lambda j: (j, 0)),
            pl.BlockSpec((npad, 128), lambda j: (0, 0)),
            pl.BlockSpec((1, npad), lambda j: (0, 0)),
        ],
        out_specs=pl.BlockSpec((BQ, K), lambda j: (j, 0)),
        out_shape=jax.ShapeDtypeStruct((npad, K), jnp.int32),
        interpret=interpret,
    )(coordp, sq_col, coordp, sq_row)



def _gather_rows_db(table, idx, chunk=64):
    B = idx.shape[0]
    D = table.shape[1]
    info = plsc.get_sparse_core_info()
    nw = info.num_cores * info.num_subcores
    bpw = B // nw
    nch = bpw // chunk
    assert bpw % chunk == 0 and B % nw == 0 and chunk % 8 == 0
    assert nch % 2 == 1 and nch >= 3

    mesh = plsc.VectorSubcoreMesh(core_axis_name="c", subcore_axis_name="s")

    @functools.partial(
        pl.kernel, mesh=mesh,
        out_type=jax.ShapeDtypeStruct((B, D), jnp.float32),
        scratch_types=[
            pltpu.VMEM((chunk,), jnp.int32),
            pltpu.VMEM((chunk,), jnp.int32),
            pltpu.VMEM((chunk, D), jnp.float32),
            pltpu.VMEM((chunk, D), jnp.float32),
            pltpu.SemaphoreType.DMA,
            pltpu.SemaphoreType.DMA,
        ],
    )
    def gk(table_hbm, idx_hbm, out_hbm, idx0, idx1, r0, r1, sem0, sem1):
        wid = lax.axis_index("s") * info.num_cores + lax.axis_index("c")
        base = wid * bpw

        pltpu.sync_copy(idx_hbm.at[pl.ds(base, chunk)], idx0)
        pltpu.async_copy(table_hbm.at[idx0], r0, sem0)

        def pair(ip, carry):
            o0 = base + 2 * ip * chunk
            pltpu.sync_copy(idx_hbm.at[pl.ds(o0 + chunk, chunk)], idx1)
            pltpu.async_copy(table_hbm.at[idx1], r1, sem1)
            pltpu.make_async_copy(table_hbm.at[idx0], r0, sem0).wait()
            pltpu.sync_copy(r0, out_hbm.at[pl.ds(o0, chunk)])
            pltpu.sync_copy(idx_hbm.at[pl.ds(o0 + 2 * chunk, chunk)], idx0)
            pltpu.async_copy(table_hbm.at[idx0], r0, sem0)
            pltpu.make_async_copy(table_hbm.at[idx1], r1, sem1).wait()
            pltpu.sync_copy(r1, out_hbm.at[pl.ds(o0 + chunk, chunk)])
            return carry

        lax.fori_loop(0, (nch - 1) // 2, pair, 0)
        pltpu.make_async_copy(table_hbm.at[idx0], r0, sem0).wait()
        pltpu.sync_copy(r0, out_hbm.at[pl.ds(base + (nch - 1) * chunk, chunk)])

    return gk(table, idx)


def _pos_call(cx, cy, cz, idx, chunk=1264):
    B = idx.shape[0]
    npadt = cx.shape[0]
    info = plsc.get_sparse_core_info()
    nw = info.num_cores * info.num_subcores
    bpw = B // nw
    nch = bpw // chunk
    assert bpw % chunk == 0 and chunk % 16 == 0

    mesh = plsc.VectorSubcoreMesh(core_axis_name="c", subcore_axis_name="s")
    shape_b = jax.ShapeDtypeStruct((B,), jnp.float32)

    @functools.partial(
        pl.kernel, mesh=mesh,
        out_type=(shape_b, shape_b, shape_b),
        compiler_params=pltpu.CompilerParams(needs_layout_passes=False),
        scratch_types=[
            pltpu.VMEM((npadt,), jnp.float32),
            pltpu.VMEM((npadt,), jnp.float32),
            pltpu.VMEM((npadt,), jnp.float32),
            pltpu.VMEM((chunk,), jnp.int32),
            pltpu.VMEM((chunk,), jnp.float32),
            pltpu.VMEM((chunk,), jnp.float32),
            pltpu.VMEM((chunk,), jnp.float32),
        ],
    )
    def pk(cx_hbm, cy_hbm, cz_hbm, idx_hbm, ox_hbm, oy_hbm, oz_hbm,
           xs, ys, zs, idx_v, bx, by, bz):
        wid = lax.axis_index("s") * info.num_cores + lax.axis_index("c")
        base = wid * bpw
        pltpu.sync_copy(cx_hbm, xs)
        pltpu.sync_copy(cy_hbm, ys)
        pltpu.sync_copy(cz_hbm, zs)
        zv = lax.broadcasted_iota(jnp.int32, (16,), 0) * 0

        def body(i, carry):
            off = base + i * chunk
            pltpu.sync_copy(idx_hbm.at[pl.ds(off, chunk)], idx_v)

            def sub(j, carry2):
                ii = idx_v[pl.ds(j * 16, 16)]
                qv = zv + (off + j * 16) // K
                bx[pl.ds(j * 16, 16)] = (plsc.load_gather(xs, [ii])
                                         - plsc.load_gather(xs, [qv]))
                by[pl.ds(j * 16, 16)] = (plsc.load_gather(ys, [ii])
                                         - plsc.load_gather(ys, [qv]))
                bz[pl.ds(j * 16, 16)] = (plsc.load_gather(zs, [ii])
                                         - plsc.load_gather(zs, [qv]))
                return carry2

            lax.fori_loop(0, chunk // 16, sub, 0)
            pltpu.sync_copy(bx, ox_hbm.at[pl.ds(off, chunk)])
            pltpu.sync_copy(by, oy_hbm.at[pl.ds(off, chunk)])
            pltpu.sync_copy(bz, oz_hbm.at[pl.ds(off, chunk)])
            return carry

        lax.fori_loop(0, nch, body, 0)

    return pk(cx, cy, cz, idx)



def _kv_body(x_ref, wk_ref, bk_ref, kg_ref, kb_ref, wv_ref, bv_ref, o_ref):
    x = x_ref[...]
    k = _mm(x, wk_ref[...]) + bk_ref[...]
    k = jnp.maximum(_ln(k, kg_ref[...], kb_ref[...]), 0.0)
    v = _mm(x, wv_ref[...]) + bv_ref[...]
    o_ref[:, :C] = k
    o_ref[:, C:] = v


def _kv_call(featp, p, interpret=False):
    npad = featp.shape[0]
    grid = npad // BQ
    full = lambda a: pl.BlockSpec(a.shape, lambda j: tuple(0 for _ in a.shape))
    args = (p['Wk'], p['bk'].reshape(1, C), p['k_g'].reshape(1, C),
            p['k_b'].reshape(1, C), p['Wv'], p['bv'].reshape(1, C))
    return pl.pallas_call(
        _kv_body,
        grid=(grid,),
        in_specs=[pl.BlockSpec((BQ, C), lambda j: (j, 0))] + [full(a) for a in args],
        out_specs=pl.BlockSpec((BQ, 2 * C), lambda j: (j, 0)),
        out_shape=jax.ShapeDtypeStruct((npad, 2 * C), jnp.float32),
        interpret=interpret,
    )(featp, *args)



def _attn_body(x_ref, px_ref, py_ref, pz_ref, kvg_ref,
               wq_ref, bq_ref, qg_ref, qb_ref,
               wp1_ref, bp1_ref, pg_ref, pb_ref, wp2_ref, bp2_ref,
               ww1_ref, bw1_ref, wg_ref, wb_ref, ww2_ref, bw2_ref,
               e_ref,
               n1g_ref, n1b_ref,
               wm1_ref, bm1_ref, wm2_ref, bm2_ref, n3g_ref, n3b_ref,
               *rest):
    x = x_ref[...]
    q = jnp.maximum(_ln(_mm(x, wq_ref[...]) + bq_ref[...],
                        qg_ref[...], qb_ref[...]), 0.0)

    pos_cat = jnp.concatenate([px_ref[...], py_ref[...], pz_ref[...]],
                              axis=1)
    p1 = lax.dot_general(pos_cat, wp1_ref[...], (((1,), (0,)), ((), ())),
                         preferred_element_type=jnp.float32)
    p1 = p1.reshape(S, C) + bp1_ref[...]
    p1 = jnp.maximum(_ln(p1, pg_ref[...], pb_ref[...]), 0.0)
    peb = _mm(p1, wp2_ref[...]) + bp2_ref[...]

    kvg = kvg_ref[...]
    qrep = jnp.broadcast_to(q.reshape(BQ, 1, C), (BQ, K, C)).reshape(S, C)
    rel = kvg[:, :C] - qrep + peb

    wx = _mm(rel, ww1_ref[...]) + bw1_ref[...]
    wx = jnp.maximum(_ln(wx, wg_ref[...], wb_ref[...]), 0.0)
    w = _mm(wx, ww2_ref[...]) + bw2_ref[...]

    w3 = w.reshape(BQ, K, G)
    mx = jnp.max(w3, axis=1, keepdims=True)
    e = jnp.exp(w3 - mx)
    sm = e / jnp.sum(e, axis=1, keepdims=True)

    wfull = lax.dot_general(sm.reshape(S, G), e_ref[...],
                            (((1,), (0,)), ((), ())),
                            preferred_element_type=jnp.float32)
    prod = (kvg[:, C:] + peb) * wfull
    gva = jnp.sum(prod.reshape(BQ, K, C), axis=1)

    f1 = x + _ln(gva, n1g_ref[...], n1b_ref[...])
    h = jnp.maximum(_mm(f1, wm1_ref[...]) + bm1_ref[...], 0.0)
    m = _mm(h, wm2_ref[...]) + bm2_ref[...]
    f2 = f1 + _ln(m, n3g_ref[...], n3b_ref[...])
    out = jnp.maximum(f2, 0.0)
    if len(rest) == 1:
        (o_ref,) = rest
        o_ref[...] = out
    else:
        wk2, bk2, kg2, kb2, wv2, bv2, o_ref, kv_ref = rest
        o_ref[...] = out
        k2 = _mm(out, wk2[...]) + bk2[...]
        kv_ref[:, :C] = jnp.maximum(_ln(k2, kg2[...], kb2[...]), 0.0)
        kv_ref[:, C:] = _mm(out, wv2[...]) + bv2[...]


def _attn_call(featp, pos_xyz, kv_g, p, p_next=None, interpret=False):
    npad = featp.shape[0]
    grid = npad // BQ
    r1 = lambda a: a.reshape(1, -1)
    eye_k = jnp.eye(K, dtype=jnp.float32)
    wp1 = (p['Wp1'].T[:, None, None, :] * eye_k[None, :, :, None]).reshape(
        3 * K, K * C)
    px, py, pz = (a.reshape(npad, K) for a in pos_xyz)
    emat = jnp.repeat(jnp.eye(G, dtype=jnp.float32), C // G, axis=1)
    args = (p['Wq'], r1(p['bq']), r1(p['q_g']), r1(p['q_b']),
            wp1, r1(p['bp1']), r1(p['p_g']), r1(p['p_b']), p['Wp2'], r1(p['bp2']),
            p['Ww1'], r1(p['bw1']), r1(p['w_g']), r1(p['w_b']), p['Ww2'], r1(p['bw2']),
            emat,
            r1(p['n1_g']), r1(p['n1_b']),
            p['Wm1'], r1(p['bm1']), p['Wm2'], r1(p['bm2']),
            r1(p['n3_g']), r1(p['n3_b']))
    if p_next is not None:
        args = args + (p_next['Wk'], r1(p_next['bk']), r1(p_next['k_g']),
                       r1(p_next['k_b']), p_next['Wv'], r1(p_next['bv']))
    full = lambda a: pl.BlockSpec(a.shape, lambda j: tuple(0 for _ in a.shape))
    out_specs = [pl.BlockSpec((BQ, C), lambda j: (j, 0))]
    out_shape = [jax.ShapeDtypeStruct((npad, C), jnp.float32)]
    if p_next is not None:
        out_specs.append(pl.BlockSpec((BQ, 2 * C), lambda j: (j, 0)))
        out_shape.append(jax.ShapeDtypeStruct((npad, 2 * C), jnp.float32))
    res = pl.pallas_call(
        _attn_body,
        grid=(grid,),
        in_specs=[
            pl.BlockSpec((BQ, C), lambda j: (j, 0)),
            pl.BlockSpec((BQ, K), lambda j: (j, 0)),
            pl.BlockSpec((BQ, K), lambda j: (j, 0)),
            pl.BlockSpec((BQ, K), lambda j: (j, 0)),
            pl.BlockSpec((S, 2 * C), lambda j: (j, 0)),
        ] + [full(a) for a in args],
        out_specs=out_specs,
        out_shape=out_shape,
        interpret=interpret,
    )(featp, px, py, pz, kv_g, *args)
    return res if p_next is not None else res[0]



def kernel(coord, feat, offset, params):
    n = coord.shape[0]
    npad = ((n + BQ - 1) // BQ) * BQ

    sq = jnp.sum(coord * coord, axis=1)
    coordp = jnp.zeros((npad, 128), jnp.float32)
    coordp = coordp.at[:n, :3].set(coord)
    coordp = coordp.at[n:, 0].set(1e6)
    sqp = jnp.zeros((npad,), jnp.float32).at[:n].set(sq).at[n:].set(1e12)

    featp = jnp.zeros((npad, C), jnp.float32).at[:n].set(feat)

    idx = _knn_call(coordp, sqp)
    idx_flat = idx.reshape(npad * K)

    cx = jnp.zeros((npad,), jnp.float32).at[:n].set(coord[:, 0]).at[n:].set(1e6)
    cy = jnp.zeros((npad,), jnp.float32).at[:n].set(coord[:, 1])
    cz = jnp.zeros((npad,), jnp.float32).at[:n].set(coord[:, 2])
    pos_xyz = _pos_call(cx, cy, cz, idx_flat)

    kv = _kv_call(featp, params[0])
    f = featp
    for b, p in enumerate(params):
        kv_g = _gather_rows_db(kv, idx_flat)
        p_next = params[b + 1] if b + 1 < len(params) else None
        if p_next is not None:
            f, kv = _attn_call(f, pos_xyz, kv_g, p, p_next)
        else:
            f = _attn_call(f, pos_xyz, kv_g, p)

    return f[:n]

# --- scband reference (transcript-rebuilt; emitter-appended) ---
"""Pipeline reference for scband-decoder-63479616634992 (READ-ONLY COPY).

The authoritative reference and input builder live on the scoring server;
editing this copy changes nothing except your own understanding.
"""

import jax, jax.numpy as jnp
import numpy as np

N = 10000
C = 256
G = 16
K = 16
DEPTH = 2


def _ln(x, g, b, eps=1e-5):
    m = jnp.mean(x, axis=-1, keepdims=True)
    v = jnp.mean((x - m) ** 2, axis=-1, keepdims=True)
    return (x - m) / jnp.sqrt(v + eps) * g + b


def _block_params(key):
    ks = jax.random.split(key, 9)
    def lin(k, i, o):
        return jax.random.normal(k, (o, i), jnp.float32) * 0.02
    return {
        'Wq': lin(ks[0], C, C), 'bq': jnp.zeros(C), 'q_g': jnp.ones(C), 'q_b': jnp.zeros(C),
        'Wk': lin(ks[1], C, C), 'bk': jnp.zeros(C), 'k_g': jnp.ones(C), 'k_b': jnp.zeros(C),
        'Wv': lin(ks[2], C, C), 'bv': jnp.zeros(C),
        'Wp1': lin(ks[3], 3, C), 'bp1': jnp.zeros(C), 'p_g': jnp.ones(C), 'p_b': jnp.zeros(C),
        'Wp2': lin(ks[4], C, C), 'bp2': jnp.zeros(C),
        'Ww1': lin(ks[5], C, G), 'bw1': jnp.zeros(G), 'w_g': jnp.ones(G), 'w_b': jnp.zeros(G),
        'Ww2': lin(ks[6], G, G), 'bw2': jnp.zeros(G),
        'Wm1': lin(ks[7], C, C), 'bm1': jnp.zeros(C),
        'Wm2': lin(ks[8], C, C), 'bm2': jnp.zeros(C),
        'n1_g': jnp.ones(C), 'n1_b': jnp.zeros(C),
        'n3_g': jnp.ones(C), 'n3_b': jnp.zeros(C),
    }


def _knn(coord, k):
    # pointops.knn_query equivalent for a single batch (offset=[N]); indices are
    # non-differentiable constants, matching the CUDA op.
    c = jax.lax.stop_gradient(coord)
    sq = jnp.sum(c * c, axis=1)
    d2 = sq[:, None] + sq[None, :] - 2.0 * (c @ c.T)
    _, idx = jax.lax.top_k(-d2, k)
    return idx


def _gva(feat, coord, ref_idx, p):
    # GroupedVectorAttention with pe_multiplier=False, pe_bias=True, dropout=0
    q = jax.nn.relu(_ln(feat @ p['Wq'].T + p['bq'], p['q_g'], p['q_b']))
    k = jax.nn.relu(_ln(feat @ p['Wk'].T + p['bk'], p['k_g'], p['k_b']))
    v = feat @ p['Wv'].T + p['bv']
    # pointops.grouping: gather neighbors; with_xyz prepends relative coords
    pos = coord[ref_idx] - coord[:, None, :]          # [N, K, 3]
    key_g = k[ref_idx]                                # [N, K, C]
    val_g = v[ref_idx]                                # [N, K, C]
    rel = key_g - q[:, None, :]
    peb = jax.nn.relu(_ln(pos @ p['Wp1'].T + p['bp1'], p['p_g'], p['p_b'])) @ p['Wp2'].T + p['bp2']
    rel = rel + peb
    val_g = val_g + peb
    w = jax.nn.relu(_ln(rel @ p['Ww1'].T + p['bw1'], p['w_g'], p['w_b'])) @ p['Ww2'].T + p['bw2']
    w = jax.nn.softmax(w, axis=1)                     # softmax over neighbors (dim=1)
    mask = jnp.sign(ref_idx + 1).astype(w.dtype)
    w = w * mask[:, :, None]
    n = val_g.shape[0]
    val_g = val_g.reshape(n, val_g.shape[1], G, C // G)
    out = jnp.einsum('nsgi,nsg->ngi', val_g, w)
    return out.reshape(n, C)


def _decoder_block(coord, feat, ref_idx, p):
    identity = feat
    f = _gva(feat, coord, ref_idx, p)
    f = identity + _ln(f, p['n1_g'], p['n1_b'])
    identity = f
    f = jax.nn.relu(f @ p['Wm1'].T + p['bm1']) @ p['Wm2'].T + p['bm2']
    f = _ln(f, p['n3_g'], p['n3_b'])
    f = identity + f
    return jax.nn.relu(f)


def setup_inputs(seed: int = 0) -> dict:
    key = jax.random.key(seed)
    k1, k2, k3 = jax.random.split(key, 3)
    coord = jax.random.normal(k1, (N, 3), jnp.float32)
    feat = jax.random.normal(k2, (N, C), jnp.float32)
    offset = jnp.array([N], dtype=jnp.int32)  # single batch cumulative point count
    pkeys = jax.random.split(k3, DEPTH)
    params = [_block_params(pk) for pk in pkeys]
    return {"coord": coord, "feat": feat, "offset": offset, "params": params}


def reference(coord, feat, offset, params):
    # DecoderBlockSequence.forward with skip_points=None, use_cross_attn=False
    ref_idx = _knn(coord, K)
    f = feat
    for p in params:
        f = _decoder_block(coord, f, ref_idx, p)
    return f

if __name__ == "__main__":
    import jax
    _d = setup_inputs()
    print(jax.jit(kernel)(*tuple(_d.values())))

</pallas_src>

<mosaic_0001>
#map = affine_map<(d0, d1) -> (0, 0)>
#map1 = affine_map<(d0, d1) -> (0)>
module attributes {stable_mosaic.version = 14 : i64} {
  func.func @gk(%arg0: i32, %arg1: i32, %arg2: memref<10112x512xf32, #tpu.memory_space<hbm>>, %arg3: memref<161792xi32, #tpu.memory_space<hbm>>, %arg4: memref<161792x512xf32, #tpu.memory_space<hbm>>, %arg5: memref<64xi32, #tpu.memory_space<vmem>>, %arg6: memref<64xi32, #tpu.memory_space<vmem>>, %arg7: memref<64x512xf32, #tpu.memory_space<vmem>>, %arg8: memref<64x512xf32, #tpu.memory_space<vmem>>, %arg9: memref<!tpu.dma_semaphore, #tpu.memory_space<semaphore_mem>>, %arg10: memref<!tpu.dma_semaphore, #tpu.memory_space<semaphore_mem>>) attributes {dimension_semantics = [#tpu.dimension_semantics<core_parallel>, #tpu.dimension_semantics<subcore_parallel>], iteration_bounds = array<i64: 2, 16>, scalar_prefetch = 0 : i64, scratch_operands = 6 : i64, tpu.core_type = #tpu.core_type<sc_vector_subcore>, window_params = [{transform_indices = #map}, {transform_indices = #map1}, {transform_indices = #map}]} {
    %mul3A = arith.constant 2 : i32
    %mul3A_0 = arith.muli %arg1, %mul3A : i32
    %add3A = arith.addi %mul3A_0, %arg0 : i32
    %mul3A_1 = arith.constant 5056 : i32
    %mul3A_2 = arith.muli %add3A, %mul3A_1 : i32
    "tpu.region"() ({
      %run_scoped3A = tpu.sem_alloc : memref<!tpu.dma_semaphore, #tpu.memory_space<semaphore_mem>>
      %dma_start3A_14 = tpu.memref_slice %arg3[%mul3A_2] : memref<161792xi32, #tpu.memory_space<hbm>> -> memref<64xi32, #tpu.memory_space<hbm>>
      %dma_start3A_15 = tpu.memref_slice %arg3[%mul3A_2] : memref<161792xi32, #tpu.memory_space<hbm>> -> memref<64xi32, #tpu.memory_space<hbm>>
      tpu.enqueue_dma source(%dma_start3A_15 : memref<64xi32, #tpu.memory_space<hbm>>) target(%arg5 : memref<64xi32, #tpu.memory_space<vmem>>) target_semaphore(%run_scoped3A : memref<!tpu.dma_semaphore, #tpu.memory_space<semaphore_mem>>)
      %dma_wait3A_16 = tpu.memref_slice %arg3[%mul3A_2] : memref<161792xi32, #tpu.memory_space<hbm>> -> memref<64xi32, #tpu.memory_space<hbm>>
      %dma_wait3A_17 = tpu.memref_slice %arg3[%mul3A_2] : memref<161792xi32, #tpu.memory_space<hbm>> -> memref<64xi32, #tpu.memory_space<hbm>>
      tpu.wait_dma2 semaphore(%run_scoped3A : memref<!tpu.dma_semaphore, #tpu.memory_space<semaphore_mem>>) src(%dma_wait3A_17 : memref<64xi32, #tpu.memory_space<hbm>>) dst(%arg5 : memref<64xi32, #tpu.memory_space<vmem>>)
      tpu.yield
    }) : () -> ()
    %dma_start3A = arith.constant 0 : i32
    %dma_start3A_3 = arith.constant 0 : i32
    %dma_start3A_4 = tpu.memref_slice %arg2[%dma_start3A, %dma_start3A_3] : memref<10112x512xf32, #tpu.memory_space<hbm>> -> memref<10112x512xf32, #tpu.memory_space<hbm>>
    tpu.enqueue_indirect_dma source(%dma_start3A_4 : memref<10112x512xf32, #tpu.memory_space<hbm>>) target(%arg7 : memref<64x512xf32, #tpu.memory_space<vmem>>) offsets(%arg5 : memref<64xi32, #tpu.memory_space<vmem>>) semaphore(%arg9 : memref<!tpu.dma_semaphore, #tpu.memory_space<semaphore_mem>>)
    %scan3A = arith.constant 0 : i32
    %scan3A_5 = arith.constant 0 : i32
    %scan3A_6 = arith.constant 39 : i32
    %scan3A_7 = arith.addi %scan3A_5, %scan3A_6 : i32
    %scan3A_8 = arith.constant 1 : i32
    scf.for %scan3A_14 = %scan3A_5 to %scan3A_7 step %scan3A_8  : i32 {
      %mul3A_15 = arith.constant 2 : i32
      %mul3A_16 = arith.muli %mul3A_15, %scan3A_14 : i32
      %mul3A_17 = arith.constant 64 : i32
      %mul3A_18 = arith.muli %mul3A_16, %mul3A_17 : i32
      %add3A_19 = arith.addi %mul3A_2, %mul3A_18 : i32
      %add3A_20 = arith.constant 64 : i32
      %add3A_21 = arith.addi %add3A_19, %add3A_20 : i32
      "tpu.region"() ({
        %run_scoped3A = tpu.sem_alloc : memref<!tpu.dma_semaphore, #tpu.memory_space<semaphore_mem>>
        %dma_start3A_38 = tpu.memref_slice %arg3[%add3A_21] : memref<161792xi32, #tpu.memory_space<hbm>> -> memref<64xi32, #tpu.memory_space<hbm>>
        %dma_start3A_39 = tpu.memref_slice %arg3[%add3A_21] : memref<161792xi32, #tpu.memory_space<hbm>> -> memref<64xi32, #tpu.memory_space<hbm>>
        tpu.enqueue_dma source(%dma_start3A_39 : memref<64xi32, #tpu.memory_space<hbm>>) target(%arg6 : memref<64xi32, #tpu.memory_space<vmem>>) target_semaphore(%run_scoped3A : memref<!tpu.dma_semaphore, #tpu.memory_space<semaphore_mem>>)
        %dma_wait3A_40 = tpu.memref_slice %arg3[%add3A_21] : memref<161792xi32, #tpu.memory_space<hbm>> -> memref<64xi32, #tpu.memory_space<hbm>>
        %dma_wait3A_41 = tpu.memref_slice %arg3[%add3A_21] : memref<161792xi32, #tpu.memory_space<hbm>> -> memref<64xi32, #tpu.memory_space<hbm>>
        tpu.wait_dma2 semaphore(%run_scoped3A : memref<!tpu.dma_semaphore, #tpu.memory_space<semaphore_mem>>) src(%dma_wait3A_41 : memref<64xi32, #tpu.memory_space<hbm>>) dst(%arg6 : memref<64xi32, #tpu.memory_space<vmem>>)
        tpu.yield
      }) : () -> ()
      %dma_start3A_22 = arith.constant 0 : i32
      %dma_start3A_23 = arith.constant 0 : i32
      %dma_start3A_24 = tpu.memref_slice %arg2[%dma_start3A_22, %dma_start3A_23] : memref<10112x512xf32, #tpu.memory_space<hbm>> -> memref<10112x512xf32, #tpu.memory_space<hbm>>
      tpu.enqueue_indirect_dma source(%dma_start3A_24 : memref<10112x512xf32, #tpu.memory_space<hbm>>) target(%arg8 : memref<64x512xf32, #tpu.memory_space<vmem>>) offsets(%arg6 : memref<64xi32, #tpu.memory_space<vmem>>) semaphore(%arg10 : memref<!tpu.dma_semaphore, #tpu.memory_space<semaphore_mem>>)
      %dma_wait3A_25 = arith.constant 0 : i32
      %dma_wait3A_26 = arith.constant 0 : i32
      %dma_wait3A_27 = tpu.memref_slice %arg2[%dma_wait3A_25, %dma_wait3A_26] : memref<10112x512xf32, #tpu.memory_space<hbm>> -> memref<10112x512xf32, #tpu.memory_space<hbm>>
      tpu.wait_indirect_dma semaphore(%arg9 : memref<!tpu.dma_semaphore, #tpu.memory_space<semaphore_mem>>) src(%dma_wait3A_27 : memref<10112x512xf32, #tpu.memory_space<hbm>>) dst(%arg7 : memref<64x512xf32, #tpu.memory_space<vmem>>)
      "tpu.region"() ({
        %run_scoped3A = tpu.sem_alloc : memref<!tpu.dma_semaphore, #tpu.memory_space<semaphore_mem>>
        %dma_start3A_38 = arith.constant 0 : i32
        %dma_start3A_39 = tpu.memref_slice %arg4[%add3A_19, %dma_start3A_38] : memref<161792x512xf32, #tpu.memory_space<hbm>> -> memref<64x512xf32, #tpu.memory_space<hbm>>
        %dma_start3A_40 = arith.constant 0 : i32
        %dma_start3A_41 = tpu.memref_slice %arg4[%add3A_19, %dma_start3A_40] : memref<161792x512xf32, #tpu.memory_space<hbm>> -> memref<64x512xf32, #tpu.memory_space<hbm>>
        tpu.enqueue_dma source(%arg7 : memref<64x512xf32, #tpu.memory_space<vmem>>) target(%dma_start3A_41 : memref<64x512xf32, #tpu.memory_space<hbm>>) target_semaphore(%run_scoped3A : memref<!tpu.dma_semaphore, #tpu.memory_space<semaphore_mem>>)
        %dma_wait3A_42 = arith.constant 0 : i32
        %dma_wait3A_43 = tpu.memref_slice %arg4[%add3A_19, %dma_wait3A_42] : memref<161792x512xf32, #tpu.memory_space<hbm>> -> memref<64x512xf32, #tpu.memory_space<hbm>>
        %dma_wait3A_44 = arith.constant 0 : i32
        %dma_wait3A_45 = tpu.memref_slice %arg4[%add3A_19, %dma_wait3A_44] : memref<161792x512xf32, #tpu.memory_space<hbm>> -> memref<64x512xf32, #tpu.memory_space<hbm>>
        tpu.wait_dma2 semaphore(%run_scoped3A : memref<!tpu.dma_semaphore, #tpu.memory_space<semaphore_mem>>) src(%arg7 : memref<64x512xf32, #tpu.memory_space<vmem>>) dst(%dma_wait3A_45 : memref<64x512xf32, #tpu.memory_space<hbm>>)
        tpu.yield
      }) : () -> ()
      %add3A_28 = arith.constant 128 : i32
      %add3A_29 = arith.addi %add3A_19, %add3A_28 : i32
      "tpu.region"() ({
        %run_scoped3A = tpu.sem_alloc : memref<!tpu.dma_semaphore, #tpu.memory_space<semaphore_mem>>
        %dma_start3A_38 = tpu.memref_slice %arg3[%add3A_29] : memref<161792xi32, #tpu.memory_space<hbm>> -> memref<64xi32, #tpu.memory_space<hbm>>
        %dma_start3A_39 = tpu.memref_slice %arg3[%add3A_29] : memref<161792xi32, #tpu.memory_space<hbm>> -> memref<64xi32, #tpu.memory_space<hbm>>
        tpu.enqueue_dma source(%dma_start3A_39 : memref<64xi32, #tpu.memory_space<hbm>>) target(%arg5 : memref<64xi32, #tpu.memory_space<vmem>>) target_semaphore(%run_scoped3A : memref<!tpu.dma_semaphore, #tpu.memory_space<semaphore_mem>>)
        %dma_wait3A_40 = tpu.memref_slice %arg3[%add3A_29] : memref<161792xi32, #tpu.memory_space<hbm>> -> memref<64xi32, #tpu.memory_space<hbm>>
        %dma_wait3A_41 = tpu.memref_slice %arg3[%add3A_29] : memref<161792xi32, #tpu.memory_space<hbm>> -> memref<64xi32, #tpu.memory_space<hbm>>
        tpu.wait_dma2 semaphore(%run_scoped3A : memref<!tpu.dma_semaphore, #tpu.memory_space<semaphore_mem>>) src(%dma_wait3A_41 : memref<64xi32, #tpu.memory_space<hbm>>) dst(%arg5 : memref<64xi32, #tpu.memory_space<vmem>>)
        tpu.yield
      }) : () -> ()
      %dma_start3A_30 = arith.constant 0 : i32
      %dma_start3A_31 = arith.constant 0 : i32
      %dma_start3A_32 = tpu.memref_slice %arg2[%dma_start3A_30, %dma_start3A_31] : memref<10112x512xf32, #tpu.memory_space<hbm>> -> memref<10112x512xf32, #tpu.memory_space<hbm>>
      tpu.enqueue_indirect_dma source(%dma_start3A_32 : memref<10112x512xf32, #tpu.memory_space<hbm>>) target(%arg7 : memref<64x512xf32, #tpu.memory_space<vmem>>) offsets(%arg5 : memref<64xi32, #tpu.memory_space<vmem>>) semaphore(%arg9 : memref<!tpu.dma_semaphore, #tpu.memory_space<semaphore_mem>>)
      %dma_wait3A_33 = arith.constant 0 : i32
      %dma_wait3A_34 = arith.constant 0 : i32
      %dma_wait3A_35 = tpu.memref_slice %arg2[%dma_wait3A_33, %dma_wait3A_34] : memref<10112x512xf32, #tpu.memory_space<hbm>> -> memref<10112x512xf32, #tpu.memory_space<hbm>>
      tpu.wait_indirect_dma semaphore(%arg10 : memref<!tpu.dma_semaphore, #tpu.memory_space<semaphore_mem>>) src(%dma_wait3A_35 : memref<10112x512xf32, #tpu.memory_space<hbm>>) dst(%arg8 : memref<64x512xf32, #tpu.memory_space<vmem>>)
      %add3A_36 = arith.constant 64 : i32
      %add3A_37 = arith.addi %add3A_19, %add3A_36 : i32
      "tpu.region"() ({
        %run_scoped3A = tpu.sem_alloc : memref<!tpu.dma_semaphore, #tpu.memory_space<semaphore_mem>>
        %dma_start3A_38 = arith.constant 0 : i32
        %dma_start3A_39 = tpu.memref_slice %arg4[%add3A_37, %dma_start3A_38] : memref<161792x512xf32, #tpu.memory_space<hbm>> -> memref<64x512xf32, #tpu.memory_space<hbm>>
        %dma_start3A_40 = arith.constant 0 : i32
        %dma_start3A_41 = tpu.memref_slice %arg4[%add3A_37, %dma_start3A_40] : memref<161792x512xf32, #tpu.memory_space<hbm>> -> memref<64x512xf32, #tpu.memory_space<hbm>>
        tpu.enqueue_dma source(%arg8 : memref<64x512xf32, #tpu.memory_space<vmem>>) target(%dma_start3A_41 : memref<64x512xf32, #tpu.memory_space<hbm>>) target_semaphore(%run_scoped3A : memref<!tpu.dma_semaphore, #tpu.memory_space<semaphore_mem>>)
        %dma_wait3A_42 = arith.constant 0 : i32
        %dma_wait3A_43 = tpu.memref_slice %arg4[%add3A_37, %dma_wait3A_42] : memref<161792x512xf32, #tpu.memory_space<hbm>> -> memref<64x512xf32, #tpu.memory_space<hbm>>
        %dma_wait3A_44 = arith.constant 0 : i32
        %dma_wait3A_45 = tpu.memref_slice %arg4[%add3A_37, %dma_wait3A_44] : memref<161792x512xf32, #tpu.memory_space<hbm>> -> memref<64x512xf32, #tpu.memory_space<hbm>>
        tpu.wait_dma2 semaphore(%run_scoped3A : memref<!tpu.dma_semaphore, #tpu.memory_space<semaphore_mem>>) src(%arg8 : memref<64x512xf32, #tpu.memory_space<vmem>>) dst(%dma_wait3A_45 : memref<64x512xf32, #tpu.memory_space<hbm>>)
        tpu.yield
      }) : () -> ()
    }
    %scan3A_9 = arith.constant 39 : i32
    %dma_wait3A = arith.constant 0 : i32
    %dma_wait3A_10 = arith.constant 0 : i32
    %dma_wait3A_11 = tpu.memref_slice %arg2[%dma_wait3A, %dma_wait3A_10] : memref<10112x512xf32, #tpu.memory_space<hbm>> -> memref<10112x512xf32, #tpu.memory_space<hbm>>
    tpu.wait_indirect_dma semaphore(%arg9 : memref<!tpu.dma_semaphore, #tpu.memory_space<semaphore_mem>>) src(%dma_wait3A_11 : memref<10112x512xf32, #tpu.memory_space<hbm>>) dst(%arg7 : memref<64x512xf32, #tpu.memory_space<vmem>>)
    %add3A_12 = arith.constant 4992 : i32
    %add3A_13 = arith.addi %mul3A_2, %add3A_12 : i32
    "tpu.region"() ({
      %run_scoped3A = tpu.sem_alloc : memref<!tpu.dma_semaphore, #tpu.memory_space<semaphore_mem>>
      %dma_start3A_14 = arith.constant 0 : i32
      %dma_start3A_15 = tpu.memref_slice %arg4[%add3A_13, %dma_start3A_14] : memref<161792x512xf32, #tpu.memory_space<hbm>> -> memref<64x512xf32, #tpu.memory_space<hbm>>
      %dma_start3A_16 = arith.constant 0 : i32
      %dma_start3A_17 = tpu.memref_slice %arg4[%add3A_13, %dma_start3A_16] : memref<161792x512xf32, #tpu.memory_space<hbm>> -> memref<64x512xf32, #tpu.memory_space<hbm>>
      tpu.enqueue_dma source(%arg7 : memref<64x512xf32, #tpu.memory_space<vmem>>) target(%dma_start3A_17 : memref<64x512xf32, #tpu.memory_space<hbm>>) target_semaphore(%run_scoped3A : memref<!tpu.dma_semaphore, #tpu.memory_space<semaphore_mem>>)
      %dma_wait3A_18 = arith.constant 0 : i32
      %dma_wait3A_19 = tpu.memref_slice %arg4[%add3A_13, %dma_wait3A_18] : memref<161792x512xf32, #tpu.memory_space<hbm>> -> memref<64x512xf32, #tpu.memory_space<hbm>>
      %dma_wait3A_20 = arith.constant 0 : i32
      %dma_wait3A_21 = tpu.memref_slice %arg4[%add3A_13, %dma_wait3A_20] : memref<161792x512xf32, #tpu.memory_space<hbm>> -> memref<64x512xf32, #tpu.memory_space<hbm>>
      tpu.wait_dma2 semaphore(%run_scoped3A : memref<!tpu.dma_semaphore, #tpu.memory_space<semaphore_mem>>) src(%arg7 : memref<64x512xf32, #tpu.memory_space<vmem>>) dst(%dma_wait3A_21 : memref<64x512xf32, #tpu.memory_space<hbm>>)
      tpu.yield
    }) : () -> ()
    return
  }
}

#map = affine_map<(d0, d1) -> (0)>
module attributes {stable_mosaic.version = 14 : i64} {
  func.func @pk(%arg0: i32, %arg1: i32, %arg2: memref<10112xf32, #tpu.memory_space<hbm>>, %arg3: memref<10112xf32, #tpu.memory_space<hbm>>, %arg4: memref<10112xf32, #tpu.memory_space<hbm>>, %arg5: memref<161792xi32, #tpu.memory_space<hbm>>, %arg6: memref<161792xf32, #tpu.memory_space<hbm>>, %arg7: memref<161792xf32, #tpu.memory_space<hbm>>, %arg8: memref<161792xf32, #tpu.memory_space<hbm>>, %arg9: memref<10112xf32, #tpu.memory_space<vmem>>, %arg10: memref<10112xf32, #tpu.memory_space<vmem>>, %arg11: memref<10112xf32, #tpu.memory_space<vmem>>, %arg12: memref<1264xi32, #tpu.memory_space<vmem>>, %arg13: memref<1264xf32, #tpu.memory_space<vmem>>, %arg14: memref<1264xf32, #tpu.memory_space<vmem>>, %arg15: memref<1264xf32, #tpu.memory_space<vmem>>) attributes {dimension_semantics = [#tpu.dimension_semantics<core_parallel>, #tpu.dimension_semantics<subcore_parallel>], iteration_bounds = array<i64: 2, 16>, scalar_prefetch = 0 : i64, scratch_operands = 7 : i64, tpu.core_type = #tpu.core_type<sc_vector_subcore>, window_params = [{transform_indices = #map}, {transform_indices = #map}, {transform_indices = #map}, {transform_indices = #map}, {transform_indices = #map}, {transform_indices = #map}, {transform_indices = #map}]} {
    %mul3A = arith.constant 2 : i32
    %mul3A_0 = arith.muli %arg1, %mul3A : i32
    %add3A = arith.addi %mul3A_0, %arg0 : i32
    %mul3A_1 = arith.constant 5056 : i32
    %mul3A_2 = arith.muli %add3A, %mul3A_1 : i32
    "tpu.region"() ({
      %run_scoped3A = tpu.sem_alloc : memref<!tpu.dma_semaphore, #tpu.memory_space<semaphore_mem>>
      tpu.enqueue_dma source(%arg2 : memref<10112xf32, #tpu.memory_space<hbm>>) target(%arg9 : memref<10112xf32, #tpu.memory_space<vmem>>) target_semaphore(%run_scoped3A : memref<!tpu.dma_semaphore, #tpu.memory_space<semaphore_mem>>)
      tpu.wait_dma2 semaphore(%run_scoped3A : memref<!tpu.dma_semaphore, #tpu.memory_space<semaphore_mem>>) src(%arg2 : memref<10112xf32, #tpu.memory_space<hbm>>) dst(%arg9 : memref<10112xf32, #tpu.memory_space<vmem>>)
      tpu.yield
    }) : () -> ()
    "tpu.region"() ({
      %run_scoped3A = tpu.sem_alloc : memref<!tpu.dma_semaphore, #tpu.memory_space<semaphore_mem>>
      tpu.enqueue_dma source(%arg3 : memref<10112xf32, #tpu.memory_space<hbm>>) target(%arg10 : memref<10112xf32, #tpu.memory_space<vmem>>) target_semaphore(%run_scoped3A : memref<!tpu.dma_semaphore, #tpu.memory_space<semaphore_mem>>)
      tpu.wait_dma2 semaphore(%run_scoped3A : memref<!tpu.dma_semaphore, #tpu.memory_space<semaphore_mem>>) src(%arg3 : memref<10112xf32, #tpu.memory_space<hbm>>) dst(%arg10 : memref<10112xf32, #tpu.memory_space<vmem>>)
      tpu.yield
    }) : () -> ()
    "tpu.region"() ({
      %run_scoped3A = tpu.sem_alloc : memref<!tpu.dma_semaphore, #tpu.memory_space<semaphore_mem>>
      tpu.enqueue_dma source(%arg4 : memref<10112xf32, #tpu.memory_space<hbm>>) target(%arg11 : memref<10112xf32, #tpu.memory_space<vmem>>) target_semaphore(%run_scoped3A : memref<!tpu.dma_semaphore, #tpu.memory_space<semaphore_mem>>)
      tpu.wait_dma2 semaphore(%run_scoped3A : memref<!tpu.dma_semaphore, #tpu.memory_space<semaphore_mem>>) src(%arg4 : memref<10112xf32, #tpu.memory_space<hbm>>) dst(%arg11 : memref<10112xf32, #tpu.memory_space<vmem>>)
      tpu.yield
    }) : () -> ()
    %iota3A = tpu.iota {dimensions = array<i32: 0>} : vector<16xi32>
    %mul3A_3 = arith.constant 0 : i32
    %mul3A_4 = vector.broadcast %mul3A_3 : i32 to vector<16xi32>
    %mul3A_5 = arith.muli %iota3A, %mul3A_4 : vector<16xi32>
    %scan3A = arith.constant 0 : i32
    %scan3A_6 = arith.constant 0 : i32
    %scan3A_7 = arith.constant 4 : i32
    %scan3A_8 = arith.addi %scan3A_6, %scan3A_7 : i32
    %scan3A_9 = arith.constant 1 : i32
    scf.for %scan3A_11 = %scan3A_6 to %scan3A_8 step %scan3A_9  : i32 {
      %mul3A_12 = arith.constant 1264 : i32
      %mul3A_13 = arith.muli %scan3A_11, %mul3A_12 : i32
      %add3A_14 = arith.addi %mul3A_2, %mul3A_13 : i32
      "tpu.region"() ({
        %run_scoped3A = tpu.sem_alloc : memref<!tpu.dma_semaphore, #tpu.memory_space<semaphore_mem>>
        %dma_start3A = tpu.memref_slice %arg5[%add3A_14] : memref<161792xi32, #tpu.memory_space<hbm>> -> memref<1264xi32, #tpu.memory_space<hbm>>
        %dma_start3A_21 = tpu.memref_slice %arg5[%add3A_14] : memref<161792xi32, #tpu.memory_space<hbm>> -> memref<1264xi32, #tpu.memory_space<hbm>>
        tpu.enqueue_dma source(%dma_start3A_21 : memref<1264xi32, #tpu.memory_space<hbm>>) target(%arg12 : memref<1264xi32, #tpu.memory_space<vmem>>) target_semaphore(%run_scoped3A : memref<!tpu.dma_semaphore, #tpu.memory_space<semaphore_mem>>)
        %dma_wait3A = tpu.memref_slice %arg5[%add3A_14] : memref<161792xi32, #tpu.memory_space<hbm>> -> memref<1264xi32, #tpu.memory_space<hbm>>
        %dma_wait3A_22 = tpu.memref_slice %arg5[%add3A_14] : memref<161792xi32, #tpu.memory_space<hbm>> -> memref<1264xi32, #tpu.memory_space<hbm>>
        tpu.wait_dma2 semaphore(%run_scoped3A : memref<!tpu.dma_semaphore, #tpu.memory_space<semaphore_mem>>) src(%dma_wait3A_22 : memref<1264xi32, #tpu.memory_space<hbm>>) dst(%arg12 : memref<1264xi32, #tpu.memory_space<vmem>>)
        tpu.yield
      }) : () -> ()
      %scan3A_15 = arith.constant 0 : i32
      %scan3A_16 = arith.constant 0 : i32
      %scan3A_17 = arith.constant 79 : i32
      %scan3A_18 = arith.addi %scan3A_16, %scan3A_17 : i32
      %scan3A_19 = arith.constant 1 : i32
      scf.for %scan3A_21 = %scan3A_16 to %scan3A_18 step %scan3A_19  : i32 {
        %mul3A_22 = arith.constant 16 : i32
        %mul3A_23 = arith.muli %scan3A_21, %mul3A_22 : i32
        %get3A = arith.index_cast %mul3A_23 : i32 to index
        %get3A_24 = tpu.vector_load %arg12[%get3A] {strides = array<i32>} : memref<1264xi32, #tpu.memory_space<vmem>>, vector<16xi32>,
        %mul3A_25 = arith.constant 16 : i32
        %mul3A_26 = arith.muli %scan3A_21, %mul3A_25 : i32
        %add3A_27 = arith.addi %add3A_14, %mul3A_26 : i32
        %jit3A = arith.constant 16 : i32
        %div3A = arith.divsi %add3A_27, %jit3A : i32
        %sign3A = arith.constant 0 : i32
        %sign3A_28 = arith.cmpi sgt, %add3A_27, %sign3A : i32
        %sign3A_29 = arith.extui %sign3A_28 : i1 to i32
        %sign3A_30 = arith.constant 0 : i32
        %sign3A_31 = arith.cmpi slt, %add3A_27, %sign3A_30 : i32
        %sign3A_32 = arith.extui %sign3A_31 : i1 to i32
        %sign3A_33 = arith.subi %sign3A_29, %sign3A_32 : i32
        %sign3A_34 = arith.constant 0 : i32
        %sign3A_35 = arith.cmpi sgt, %jit3A, %sign3A_34 : i32
        %sign3A_36 = arith.extui %sign3A_35 : i1 to i32
        %sign3A_37 = arith.constant 0 : i32
        %sign3A_38 = arith.cmpi slt, %jit3A, %sign3A_37 : i32
        %sign3A_39 = arith.extui %sign3A_38 : i1 to i32
        %sign3A_40 = arith.subi %sign3A_36, %sign3A_39 : i32
        %ne3A = arith.cmpi ne, %sign3A_33, %sign3A_40 : i32
        %rem3A = arith.remsi %add3A_27, %jit3A : i32
        %ne3A_41 = arith.constant 0 : i32
        %ne3A_42 = arith.cmpi ne, %rem3A, %ne3A_41 : i32
        %and3A = arith.andi %ne3A, %ne3A_42 : i1
        %sub3A = arith.constant 1 : i32
        %sub3A_43 = arith.subi %div3A, %sub3A : i32
        %select_n3A = arith.select %and3A, %sub3A_43, %div3A : i32
        %add3A_44 = vector.broadcast %select_n3A : i32 to vector<16xi32>
        %add3A_45 = arith.addi %mul3A_5, %add3A_44 : vector<16xi32>
        %gather3A = tpu.vector_load_idx %arg9[%get3A_24] : memref<10112xf32, #tpu.memory_space<vmem>>[vector<16xi32>], vector<16xf32>,
        %gather3A_46 = tpu.vector_load_idx %arg9[%add3A_45] : memref<10112xf32, #tpu.memory_space<vmem>>[vector<16xi32>], vector<16xf32>,
        %sub3A_47 = arith.subf %gather3A, %gather3A_46 : vector<16xf32>
        %mul3A_48 = arith.constant 16 : i32
        %mul3A_49 = arith.muli %scan3A_21, %mul3A_48 : i32
        %swap3A = arith.index_cast %mul3A_49 : i32 to index
        %swap3A_50 = tpu.vector_load %arg13[%swap3A] {strides = array<i32>} : memref<1264xf32, #tpu.memory_space<vmem>>, vector<16xf32>,
        tpu.vector_store %arg13[%swap3A], %sub3A_47 {strides = array<i32>} : memref<1264xf32, #tpu.memory_space<vmem>>, vector<16xf32>,
        %gather3A_51 = tpu.vector_load_idx %arg10[%get3A_24] : memref<10112xf32, #tpu.memory_space<vmem>>[vector<16xi32>], vector<16xf32>,
        %gather3A_52 = tpu.vector_load_idx %arg10[%add3A_45] : memref<10112xf32, #tpu.memory_space<vmem>>[vector<16xi32>], vector<16xf32>,
        %sub3A_53 = arith.subf %gather3A_51, %gather3A_52 : vector<16xf32>
        %mul3A_54 = arith.constant 16 : i32
        %mul3A_55 = arith.muli %scan3A_21, %mul3A_54 : i32
        %swap3A_56 = arith.index_cast %mul3A_55 : i32 to index
        %swap3A_57 = tpu.vector_load %arg14[%swap3A_56] {strides = array<i32>} : memref<1264xf32, #tpu.memory_space<vmem>>, vector<16xf32>,
        tpu.vector_store %arg14[%swap3A_56], %sub3A_53 {strides = array<i32>} : memref<1264xf32, #tpu.memory_space<vmem>>, vector<16xf32>,
        %gather3A_58 = tpu.vector_load_idx %arg11[%get3A_24] : memref<10112xf32, #tpu.memory_space<vmem>>[vector<16xi32>], vector<16xf32>,
        %gather3A_59 = tpu.vector_load_idx %arg11[%add3A_45] : memref<10112xf32, #tpu.memory_space<vmem>>[vector<16xi32>], vector<16xf32>,
        %sub3A_60 = arith.subf %gather3A_58, %gather3A_59 : vector<16xf32>
        %mul3A_61 = arith.constant 16 : i32
        %mul3A_62 = arith.muli %scan3A_21, %mul3A_61 : i32
        %swap3A_63 = arith.index_cast %mul3A_62 : i32 to index
        %swap3A_64 = tpu.vector_load %arg15[%swap3A_63] {strides = array<i32>} : memref<1264xf32, #tpu.memory_space<vmem>>, vector<16xf32>,
        tpu.vector_store %arg15[%swap3A_63], %sub3A_60 {strides = array<i32>} : memref<1264xf32, #tpu.memory_space<vmem>>, vector<16xf32>,
      }
      %scan3A_20 = arith.constant 79 : i32
      "tpu.region"() ({
        %run_scoped3A = tpu.sem_alloc : memref<!tpu.dma_semaphore, #tpu.memory_space<semaphore_mem>>
        %dma_start3A = tpu.memref_slice %arg6[%add3A_14] : memref<161792xf32, #tpu.memory_space<hbm>> -> memref<1264xf32, #tpu.memory_space<hbm>>
        %dma_start3A_21 = tpu.memref_slice %arg6[%add3A_14] : memref<161792xf32, #tpu.memory_space<hbm>> -> memref<1264xf32, #tpu.memory_space<hbm>>
        tpu.enqueue_dma source(%arg13 : memref<1264xf32, #tpu.memory_space<vmem>>) target(%dma_start3A_21 : memref<1264xf32, #tpu.memory_space<hbm>>) target_semaphore(%run_scoped3A : memref<!tpu.dma_semaphore, #tpu.memory_space<semaphore_mem>>)
        %dma_wait3A = tpu.memref_slice %arg6[%add3A_14] : memref<161792xf32, #tpu.memory_space<hbm>> -> memref<1264xf32, #tpu.memory_space<hbm>>
        %dma_wait3A_22 = tpu.memref_slice %arg6[%add3A_14] : memref<161792xf32, #tpu.memory_space<hbm>> -> memref<1264xf32, #tpu.memory_space<hbm>>
        tpu.wait_dma2 semaphore(%run_scoped3A : memref<!tpu.dma_semaphore, #tpu.memory_space<semaphore_mem>>) src(%arg13 : memref<1264xf32, #tpu.memory_space<vmem>>) dst(%dma_wait3A_22 : memref<1264xf32, #tpu.memory_space<hbm>>)
        tpu.yield
      }) : () -> ()
      "tpu.region"() ({
        %run_scoped3A = tpu.sem_alloc : memref<!tpu.dma_semaphore, #tpu.memory_space<semaphore_mem>>
        %dma_start3A = tpu.memref_slice %arg7[%add3A_14] : memref<161792xf32, #tpu.memory_space<hbm>> -> memref<1264xf32, #tpu.memory_space<hbm>>
        %dma_start3A_21 = tpu.memref_slice %arg7[%add3A_14] : memref<161792xf32, #tpu.memory_space<hbm>> -> memref<1264xf32, #tpu.memory_space<hbm>>
        tpu.enqueue_dma source(%arg14 : memref<1264xf32, #tpu.memory_space<vmem>>) target(%dma_start3A_21 : memref<1264xf32, #tpu.memory_space<hbm>>) target_semaphore(%run_scoped3A : memref<!tpu.dma_semaphore, #tpu.memory_space<semaphore_mem>>)
        %dma_wait3A = tpu.memref_slice %arg7[%add3A_14] : memref<161792xf32, #tpu.memory_space<hbm>> -> memref<1264xf32, #tpu.memory_space<hbm>>
        %dma_wait3A_22 = tpu.memref_slice %arg7[%add3A_14] : memref<161792xf32, #tpu.memory_space<hbm>> -> memref<1264xf32, #tpu.memory_space<hbm>>
        tpu.wait_dma2 semaphore(%run_scoped3A : memref<!tpu.dma_semaphore, #tpu.memory_space<semaphore_mem>>) src(%arg14 : memref<1264xf32, #tpu.memory_space<vmem>>) dst(%dma_wait3A_22 : memref<1264xf32, #tpu.memory_space<hbm>>)
        tpu.yield
      }) : () -> ()
      "tpu.region"() ({
        %run_scoped3A = tpu.sem_alloc : memref<!tpu.dma_semaphore, #tpu.memory_space<semaphore_mem>>
        %dma_start3A = tpu.memref_slice %arg8[%add3A_14] : memref<161792xf32, #tpu.memory_space<hbm>> -> memref<1264xf32, #tpu.memory_space<hbm>>
        %dma_start3A_21 = tpu.memref_slice %arg8[%add3A_14] : memref<161792xf32, #tpu.memory_space<hbm>> -> memref<1264xf32, #tpu.memory_space<hbm>>
        tpu.enqueue_dma source(%arg15 : memref<1264xf32, #tpu.memory_space<vmem>>) target(%dma_start3A_21 : memref<1264xf32, #tpu.memory_space<hbm>>) target_semaphore(%run_scoped3A : memref<!tpu.dma_semaphore, #tpu.memory_space<semaphore_mem>>)
        %dma_wait3A = tpu.memref_slice %arg8[%add3A_14] : memref<161792xf32, #tpu.memory_space<hbm>> -> memref<1264xf32, #tpu.memory_space<hbm>>
        %dma_wait3A_22 = tpu.memref_slice %arg8[%add3A_14] : memref<161792xf32, #tpu.memory_space<hbm>> -> memref<1264xf32, #tpu.memory_space<hbm>>
        tpu.wait_dma2 semaphore(%run_scoped3A : memref<!tpu.dma_semaphore, #tpu.memory_space<semaphore_mem>>) src(%arg15 : memref<1264xf32, #tpu.memory_space<vmem>>) dst(%dma_wait3A_22 : memref<1264xf32, #tpu.memory_space<hbm>>)
        tpu.yield
      }) : () -> ()
    }
    %scan3A_10 = arith.constant 4 : i32
    return
  }
}

#map = affine_map<(d0, d1) -> (0, 0)>
#map1 = affine_map<(d0, d1) -> (0)>
module attributes {stable_mosaic.version = 14 : i64} {
  func.func @gk(%arg0: i32, %arg1: i32, %arg2: memref<10112x512xf32, #tpu.memory_space<hbm>>, %arg3: memref<161792xi32, #tpu.memory_space<hbm>>, %arg4: memref<161792x512xf32, #tpu.memory_space<hbm>>, %arg5: memref<64xi32, #tpu.memory_space<vmem>>, %arg6: memref<64xi32, #tpu.memory_space<vmem>>, %arg7: memref<64x512xf32, #tpu.memory_space<vmem>>, %arg8: memref<64x512xf32, #tpu.memory_space<vmem>>, %arg9: memref<!tpu.dma_semaphore, #tpu.memory_space<semaphore_mem>>, %arg10: memref<!tpu.dma_semaphore, #tpu.memory_space<semaphore_mem>>) attributes {dimension_semantics = [#tpu.dimension_semantics<core_parallel>, #tpu.dimension_semantics<subcore_parallel>], iteration_bounds = array<i64: 2, 16>, scalar_prefetch = 0 : i64, scratch_operands = 6 : i64, tpu.core_type = #tpu.core_type<sc_vector_subcore>, window_params = [{transform_indices = #map}, {transform_indices = #map1}, {transform_indices = #map}]} {
    %mul3A = arith.constant 2 : i32
    %mul3A_0 = arith.muli %arg1, %mul3A : i32
    %add3A = arith.addi %mul3A_0, %arg0 : i32
    %mul3A_1 = arith.constant 5056 : i32
    %mul3A_2 = arith.muli %add3A, %mul3A_1 : i32
    "tpu.region"() ({
      %run_scoped3A = tpu.sem_alloc : memref<!tpu.dma_semaphore, #tpu.memory_space<semaphore_mem>>
      %dma_start3A_14 = tpu.memref_slice %arg3[%mul3A_2] : memref<161792xi32, #tpu.memory_space<hbm>> -> memref<64xi32, #tpu.memory_space<hbm>>
      %dma_start3A_15 = tpu.memref_slice %arg3[%mul3A_2] : memref<161792xi32, #tpu.memory_space<hbm>> -> memref<64xi32, #tpu.memory_space<hbm>>
      tpu.enqueue_dma source(%dma_start3A_15 : memref<64xi32, #tpu.memory_space<hbm>>) target(%arg5 : memref<64xi32, #tpu.memory_space<vmem>>) target_semaphore(%run_scoped3A : memref<!tpu.dma_semaphore, #tpu.memory_space<semaphore_mem>>)
      %dma_wait3A_16 = tpu.memref_slice %arg3[%mul3A_2] : memref<161792xi32, #tpu.memory_space<hbm>> -> memref<64xi32, #tpu.memory_space<hbm>>
      %dma_wait3A_17 = tpu.memref_slice %arg3[%mul3A_2] : memref<161792xi32, #tpu.memory_space<hbm>> -> memref<64xi32, #tpu.memory_space<hbm>>
      tpu.wait_dma2 semaphore(%run_scoped3A : memref<!tpu.dma_semaphore, #tpu.memory_space<semaphore_mem>>) src(%dma_wait3A_17 : memref<64xi32, #tpu.memory_space<hbm>>) dst(%arg5 : memref<64xi32, #tpu.memory_space<vmem>>)
      tpu.yield
    }) : () -> ()
    %dma_start3A = arith.constant 0 : i32
    %dma_start3A_3 = arith.constant 0 : i32
    %dma_start3A_4 = tpu.memref_slice %arg2[%dma_start3A, %dma_start3A_3] : memref<10112x512xf32, #tpu.memory_space<hbm>> -> memref<10112x512xf32, #tpu.memory_space<hbm>>
    tpu.enqueue_indirect_dma source(%dma_start3A_4 : memref<10112x512xf32, #tpu.memory_space<hbm>>) target(%arg7 : memref<64x512xf32, #tpu.memory_space<vmem>>) offsets(%arg5 : memref<64xi32, #tpu.memory_space<vmem>>) semaphore(%arg9 : memref<!tpu.dma_semaphore, #tpu.memory_space<semaphore_mem>>)
    %scan3A = arith.constant 0 : i32
    %scan3A_5 = arith.constant 0 : i32
    %scan3A_6 = arith.constant 39 : i32
    %scan3A_7 = arith.addi %scan3A_5, %scan3A_6 : i32
    %scan3A_8 = arith.constant 1 : i32
    scf.for %scan3A_14 = %scan3A_5 to %scan3A_7 step %scan3A_8  : i32 {
      %mul3A_15 = arith.constant 2 : i32
      %mul3A_16 = arith.muli %mul3A_15, %scan3A_14 : i32
      %mul3A_17 = arith.constant 64 : i32
      %mul3A_18 = arith.muli %mul3A_16, %mul3A_17 : i32
      %add3A_19 = arith.addi %mul3A_2, %mul3A_18 : i32
      %add3A_20 = arith.constant 64 : i32
      %add3A_21 = arith.addi %add3A_19, %add3A_20 : i32
      "tpu.region"() ({
        %run_scoped3A = tpu.sem_alloc : memref<!tpu.dma_semaphore, #tpu.memory_space<semaphore_mem>>
        %dma_start3A_38 = tpu.memref_slice %arg3[%add3A_21] : memref<161792xi32, #tpu.memory_space<hbm>> -> memref<64xi32, #tpu.memory_space<hbm>>
        %dma_start3A_39 = tpu.memref_slice %arg3[%add3A_21] : memref<161792xi32, #tpu.memory_space<hbm>> -> memref<64xi32, #tpu.memory_space<hbm>>
        tpu.enqueue_dma source(%dma_start3A_39 : memref<64xi32, #tpu.memory_space<hbm>>) target(%arg6 : memref<64xi32, #tpu.memory_space<vmem>>) target_semaphore(%run_scoped3A : memref<!tpu.dma_semaphore, #tpu.memory_space<semaphore_mem>>)
        %dma_wait3A_40 = tpu.memref_slice %arg3[%add3A_21] : memref<161792xi32, #tpu.memory_space<hbm>> -> memref<64xi32, #tpu.memory_space<hbm>>
        %dma_wait3A_41 = tpu.memref_slice %arg3[%add3A_21] : memref<161792xi32, #tpu.memory_space<hbm>> -> memref<64xi32, #tpu.memory_space<hbm>>
        tpu.wait_dma2 semaphore(%run_scoped3A : memref<!tpu.dma_semaphore, #tpu.memory_space<semaphore_mem>>) src(%dma_wait3A_41 : memref<64xi32, #tpu.memory_space<hbm>>) dst(%arg6 : memref<64xi32, #tpu.memory_space<vmem>>)
        tpu.yield
      }) : () -> ()
      %dma_start3A_22 = arith.constant 0 : i32
      %dma_start3A_23 = arith.constant 0 : i32
      %dma_start3A_24 = tpu.memref_slice %arg2[%dma_start3A_22, %dma_start3A_23] : memref<10112x512xf32, #tpu.memory_space<hbm>> -> memref<10112x512xf32, #tpu.memory_space<hbm>>
      tpu.enqueue_indirect_dma source(%dma_start3A_24 : memref<10112x512xf32, #tpu.memory_space<hbm>>) target(%arg8 : memref<64x512xf32, #tpu.memory_space<vmem>>) offsets(%arg6 : memref<64xi32, #tpu.memory_space<vmem>>) semaphore(%arg10 : memref<!tpu.dma_semaphore, #tpu.memory_space<semaphore_mem>>)
      %dma_wait3A_25 = arith.constant 0 : i32
      %dma_wait3A_26 = arith.constant 0 : i32
      %dma_wait3A_27 = tpu.memref_slice %arg2[%dma_wait3A_25, %dma_wait3A_26] : memref<10112x512xf32, #tpu.memory_space<hbm>> -> memref<10112x512xf32, #tpu.memory_space<hbm>>
      tpu.wait_indirect_dma semaphore(%arg9 : memref<!tpu.dma_semaphore, #tpu.memory_space<semaphore_mem>>) src(%dma_wait3A_27 : memref<10112x512xf32, #tpu.memory_space<hbm>>) dst(%arg7 : memref<64x512xf32, #tpu.memory_space<vmem>>)
      "tpu.region"() ({
        %run_scoped3A = tpu.sem_alloc : memref<!tpu.dma_semaphore, #tpu.memory_space<semaphore_mem>>
        %dma_start3A_38 = arith.constant 0 : i32
        %dma_start3A_39 = tpu.memref_slice %arg4[%add3A_19, %dma_start3A_38] : memref<161792x512xf32, #tpu.memory_space<hbm>> -> memref<64x512xf32, #tpu.memory_space<hbm>>
        %dma_start3A_40 = arith.constant 0 : i32
        %dma_start3A_41 = tpu.memref_slice %arg4[%add3A_19, %dma_start3A_40] : memref<161792x512xf32, #tpu.memory_space<hbm>> -> memref<64x512xf32, #tpu.memory_space<hbm>>
        tpu.enqueue_dma source(%arg7 : memref<64x512xf32, #tpu.memory_space<vmem>>) target(%dma_start3A_41 : memref<64x512xf32, #tpu.memory_space<hbm>>) target_semaphore(%run_scoped3A : memref<!tpu.dma_semaphore, #tpu.memory_space<semaphore_mem>>)
        %dma_wait3A_42 = arith.constant 0 : i32
        %dma_wait3A_43 = tpu.memref_slice %arg4[%add3A_19, %dma_wait3A_42] : memref<161792x512xf32, #tpu.memory_space<hbm>> -> memref<64x512xf32, #tpu.memory_space<hbm>>
        %dma_wait3A_44 = arith.constant 0 : i32
        %dma_wait3A_45 = tpu.memref_slice %arg4[%add3A_19, %dma_wait3A_44] : memref<161792x512xf32, #tpu.memory_space<hbm>> -> memref<64x512xf32, #tpu.memory_space<hbm>>
        tpu.wait_dma2 semaphore(%run_scoped3A : memref<!tpu.dma_semaphore, #tpu.memory_space<semaphore_mem>>) src(%arg7 : memref<64x512xf32, #tpu.memory_space<vmem>>) dst(%dma_wait3A_45 : memref<64x512xf32, #tpu.memory_space<hbm>>)
        tpu.yield
      }) : () -> ()
      %add3A_28 = arith.constant 128 : i32
      %add3A_29 = arith.addi %add3A_19, %add3A_28 : i32
      "tpu.region"() ({
        %run_scoped3A = tpu.sem_alloc : memref<!tpu.dma_semaphore, #tpu.memory_space<semaphore_mem>>
        %dma_start3A_38 = tpu.memref_slice %arg3[%add3A_29] : memref<161792xi32, #tpu.memory_space<hbm>> -> memref<64xi32, #tpu.memory_space<hbm>>
        %dma_start3A_39 = tpu.memref_slice %arg3[%add3A_29] : memref<161792xi32, #tpu.memory_space<hbm>> -> memref<64xi32, #tpu.memory_space<hbm>>
        tpu.enqueue_dma source(%dma_start3A_39 : memref<64xi32, #tpu.memory_space<hbm>>) target(%arg5 : memref<64xi32, #tpu.memory_space<vmem>>) target_semaphore(%run_scoped3A : memref<!tpu.dma_semaphore, #tpu.memory_space<semaphore_mem>>)
        %dma_wait3A_40 = tpu.memref_slice %arg3[%add3A_29] : memref<161792xi32, #tpu.memory_space<hbm>> -> memref<64xi32, #tpu.memory_space<hbm>>
        %dma_wait3A_41 = tpu.memref_slice %arg3[%add3A_29] : memref<161792xi32, #tpu.memory_space<hbm>> -> memref<64xi32, #tpu.memory_space<hbm>>
        tpu.wait_dma2 semaphore(%run_scoped3A : memref<!tpu.dma_semaphore, #tpu.memory_space<semaphore_mem>>) src(%dma_wait3A_41 : memref<64xi32, #tpu.memory_space<hbm>>) dst(%arg5 : memref<64xi32, #tpu.memory_space<vmem>>)
        tpu.yield
      }) : () -> ()
      %dma_start3A_30 = arith.constant 0 : i32
      %dma_start3A_31 = arith.constant 0 : i32
      %dma_start3A_32 = tpu.memref_slice %arg2[%dma_start3A_30, %dma_start3A_31] : memref<10112x512xf32, #tpu.memory_space<hbm>> -> memref<10112x512xf32, #tpu.memory_space<hbm>>
      tpu.enqueue_indirect_dma source(%dma_start3A_32 : memref<10112x512xf32, #tpu.memory_space<hbm>>) target(%arg7 : memref<64x512xf32, #tpu.memory_space<vmem>>) offsets(%arg5 : memref<64xi32, #tpu.memory_space<vmem>>) semaphore(%arg9 : memref<!tpu.dma_semaphore, #tpu.memory_space<semaphore_mem>>)
      %dma_wait3A_33 = arith.constant 0 : i32
      %dma_wait3A_34 = arith.constant 0 : i32
      %dma_wait3A_35 = tpu.memref_slice %arg2[%dma_wait3A_33, %dma_wait3A_34] : memref<10112x512xf32, #tpu.memory_space<hbm>> -> memref<10112x512xf32, #tpu.memory_space<hbm>>
      tpu.wait_indirect_dma semaphore(%arg10 : memref<!tpu.dma_semaphore, #tpu.memory_space<semaphore_mem>>) src(%dma_wait3A_35 : memref<10112x512xf32, #tpu.memory_space<hbm>>) dst(%arg8 : memref<64x512xf32, #tpu.memory_space<vmem>>)
      %add3A_36 = arith.constant 64 : i32
      %add3A_37 = arith.addi %add3A_19, %add3A_36 : i32
      "tpu.region"() ({
        %run_scoped3A = tpu.sem_alloc : memref<!tpu.dma_semaphore, #tpu.memory_space<semaphore_mem>>
        %dma_start3A_38 = arith.constant 0 : i32
        %dma_start3A_39 = tpu.memref_slice %arg4[%add3A_37, %dma_start3A_38] : memref<161792x512xf32, #tpu.memory_space<hbm>> -> memref<64x512xf32, #tpu.memory_space<hbm>>
        %dma_start3A_40 = arith.constant 0 : i32
        %dma_start3A_41 = tpu.memref_slice %arg4[%add3A_37, %dma_start3A_40] : memref<161792x512xf32, #tpu.memory_space<hbm>> -> memref<64x512xf32, #tpu.memory_space<hbm>>
        tpu.enqueue_dma source(%arg8 : memref<64x512xf32, #tpu.memory_space<vmem>>) target(%dma_start3A_41 : memref<64x512xf32, #tpu.memory_space<hbm>>) target_semaphore(%run_scoped3A : memref<!tpu.dma_semaphore, #tpu.memory_space<semaphore_mem>>)
        %dma_wait3A_42 = arith.constant 0 : i32
        %dma_wait3A_43 = tpu.memref_slice %arg4[%add3A_37, %dma_wait3A_42] : memref<161792x512xf32, #tpu.memory_space<hbm>> -> memref<64x512xf32, #tpu.memory_space<hbm>>
        %dma_wait3A_44 = arith.constant 0 : i32
        %dma_wait3A_45 = tpu.memref_slice %arg4[%add3A_37, %dma_wait3A_44] : memref<161792x512xf32, #tpu.memory_space<hbm>> -> memref<64x512xf32, #tpu.memory_space<hbm>>
        tpu.wait_dma2 semaphore(%run_scoped3A : memref<!tpu.dma_semaphore, #tpu.memory_space<semaphore_mem>>) src(%arg8 : memref<64x512xf32, #tpu.memory_space<vmem>>) dst(%dma_wait3A_45 : memref<64x512xf32, #tpu.memory_space<hbm>>)
        tpu.yield
      }) : () -> ()
    }
    %scan3A_9 = arith.constant 39 : i32
    %dma_wait3A = arith.constant 0 : i32
    %dma_wait3A_10 = arith.constant 0 : i32
    %dma_wait3A_11 = tpu.memref_slice %arg2[%dma_wait3A, %dma_wait3A_10] : memref<10112x512xf32, #tpu.memory_space<hbm>> -> memref<10112x512xf32, #tpu.memory_space<hbm>>
    tpu.wait_indirect_dma semaphore(%arg9 : memref<!tpu.dma_semaphore, #tpu.memory_space<semaphore_mem>>) src(%dma_wait3A_11 : memref<10112x512xf32, #tpu.memory_space<hbm>>) dst(%arg7 : memref<64x512xf32, #tpu.memory_space<vmem>>)
    %add3A_12 = arith.constant 4992 : i32
    %add3A_13 = arith.addi %mul3A_2, %add3A_12 : i32
    "tpu.region"() ({
      %run_scoped3A = tpu.sem_alloc : memref<!tpu.dma_semaphore, #tpu.memory_space<semaphore_mem>>
      %dma_start3A_14 = arith.constant 0 : i32
      %dma_start3A_15 = tpu.memref_slice %arg4[%add3A_13, %dma_start3A_14] : memref<161792x512xf32, #tpu.memory_space<hbm>> -> memref<64x512xf32, #tpu.memory_space<hbm>>
      %dma_start3A_16 = arith.constant 0 : i32
      %dma_start3A_17 = tpu.memref_slice %arg4[%add3A_13, %dma_start3A_16] : memref<161792x512xf32, #tpu.memory_space<hbm>> -> memref<64x512xf32, #tpu.memory_space<hbm>>
      tpu.enqueue_dma source(%arg7 : memref<64x512xf32, #tpu.memory_space<vmem>>) target(%dma_start3A_17 : memref<64x512xf32, #tpu.memory_space<hbm>>) target_semaphore(%run_scoped3A : memref<!tpu.dma_semaphore, #tpu.memory_space<semaphore_mem>>)
      %dma_wait3A_18 = arith.constant 0 : i32
      %dma_wait3A_19 = tpu.memref_slice %arg4[%add3A_13, %dma_wait3A_18] : memref<161792x512xf32, #tpu.memory_space<hbm>> -> memref<64x512xf32, #tpu.memory_space<hbm>>
      %dma_wait3A_20 = arith.constant 0 : i32
      %dma_wait3A_21 = tpu.memref_slice %arg4[%add3A_13, %dma_wait3A_20] : memref<161792x512xf32, #tpu.memory_space<hbm>> -> memref<64x512xf32, #tpu.memory_space<hbm>>
      tpu.wait_dma2 semaphore(%run_scoped3A : memref<!tpu.dma_semaphore, #tpu.memory_space<semaphore_mem>>) src(%arg7 : memref<64x512xf32, #tpu.memory_space<vmem>>) dst(%dma_wait3A_21 : memref<64x512xf32, #tpu.memory_space<hbm>>)
      tpu.yield
    }) : () -> ()
    return
  }
}

module attributes {stable_mosaic.version = 14 : i64} {
  func.func @_knn_body(%arg0: i32, %arg1: memref<128x128xf32, #tpu.memory_space<vmem>>, %arg2: memref<128x1xf32, #tpu.memory_space<vmem>>, %arg3: memref<10112x128xf32, #tpu.memory_space<vmem>>, %arg4: memref<1x10112xf32, #tpu.memory_space<vmem>>, %arg5: memref<128x16xi32, #tpu.memory_space<vmem>>) attributes {dimension_semantics = [#tpu.dimension_semantics<arbitrary>], iteration_bounds = array<i64: 79>, scalar_prefetch = 0 : i64, scratch_operands = 0 : i64, tpu.core_type = #tpu.core_type<tc>, window_params = [{transform_indices = @transform_0, window_bounds = array<i64: 128, 128>}, {transform_indices = @transform_1, window_bounds = array<i64: 128, 1>}, {pipeline_mode = #tpu.pipeline_mode<synchronous>, transform_indices = @transform_2, window_bounds = array<i64: 10112, 128>}, {pipeline_mode = #tpu.pipeline_mode<synchronous>, transform_indices = @transform_3, window_bounds = array<i64: 1, 10112>}, {transform_indices = @transform_4, window_bounds = array<i64: 128, 16>}]} {
    %get3A = arith.constant 0 : index
    %get3A_0 = arith.constant 0 : index
    %get3A_1 = vector.load %arg1[%get3A, %get3A_0] : memref<128x128xf32, #tpu.memory_space<vmem>>, vector<128x128xf32>
    %get3A_2 = arith.constant 0 : index
    %get3A_3 = arith.constant 0 : index
    %get3A_4 = vector.load %arg3[%get3A_2, %get3A_3] : memref<10112x128xf32, #tpu.memory_space<vmem>>, vector<10112x128xf32>
    %dot_general3A = arith.constant dense<0.000000e+00> : vector<128x10112xf32>
    %dot_general3A_5 = tpu.matmul %get3A_1, %get3A_4, %dot_general3A {dimension_numbers = #tpu.dot_dimension_numbers<[1], [1], [0], [0], [0, 0, 1, 0], [], []>, transpose_lhs_hint = false} : vector<128x128xf32>, vector<10112x128xf32>, vector<128x10112xf32> -> vector<128x10112xf32>
    %get3A_6 = arith.constant 0 : index
    %get3A_7 = arith.constant 0 : index
    %get3A_8 = vector.load %arg2[%get3A_6, %get3A_7] : memref<128x1xf32, #tpu.memory_space<vmem>>, vector<128x1xf32>
    %get3A_9 = arith.constant 0 : index
    %get3A_10 = arith.constant 0 : index
    %get3A_11 = vector.load %arg4[%get3A_9, %get3A_10] : memref<1x10112xf32, #tpu.memory_space<vmem>>, vector<1x10112xf32>
    %add3A = vector.broadcast %get3A_8 : vector<128x1xf32> to vector<128x10112xf32>
    %add3A_12 = vector.broadcast %get3A_11 : vector<1x10112xf32> to vector<128x10112xf32>
    %add3A_13 = arith.addf %add3A, %add3A_12 : vector<128x10112xf32>
    %mul3A = arith.constant 2.000000e+00 : f32
    %mul3A_14 = vector.broadcast %mul3A : f32 to vector<128x10112xf32>
    %mul3A_15 = arith.mulf %mul3A_14, %dot_general3A_5 : vector<128x10112xf32>
    %sub3A = arith.subf %add3A_13, %mul3A_15 : vector<128x10112xf32>
    %iota3A = tpu.iota {dimensions = array<i32: 1>} : vector<128x10112xi32>
    %argmin3A = tpu.reduce_index %sub3A {axis = 1 : i32, kind = #tpu.reduction_kind<arg_min>} : vector<128x10112xf32> -> vector<128xi32>
    %reshape3A = vector.shape_cast %argmin3A : vector<128xi32> to vector<128x1xi32>
    %swap3A = arith.constant 0 : index
    %swap3A_16 = arith.constant 0 : index
    %swap3A_17 = vector.load %arg5[%swap3A, %swap3A_16] : memref<128x16xi32, #tpu.memory_space<vmem>>, vector<128x1xi32>
    tpu.vector_store %arg5[%swap3A, %swap3A_16], %reshape3A {strides = array<i32>} : memref<128x16xi32, #tpu.memory_space<vmem>>, vector<128x1xi32>,
    %eq3A = vector.broadcast %reshape3A : vector<128x1xi32> to vector<128x10112xi32>
    %eq3A_18 = arith.cmpi eq, %iota3A, %eq3A : vector<128x10112xi32>
    %jit3A = arith.constant 3.000000e+38 : f32
    %broadcast_in_dim3A = vector.broadcast %jit3A : f32 to vector<128x10112xf32>
    %select_n3A = arith.select %eq3A_18, %broadcast_in_dim3A, %sub3A : vector<128x10112xi1>, vector<128x10112xf32>
    %argmin3A_19 = tpu.reduce_index %select_n3A {axis = 1 : i32, kind = #tpu.reduction_kind<arg_min>} : vector<128x10112xf32> -> vector<128xi32>
    %reshape3A_20 = vector.shape_cast %argmin3A_19 : vector<128xi32> to vector<128x1xi32>
    %swap3A_21 = arith.constant 0 : index
    %swap3A_22 = arith.constant 1 : index
    %swap3A_23 = vector.load %arg5[%swap3A_21, %swap3A_22] : memref<128x16xi32, #tpu.memory_space<vmem>>, vector<128x1xi32>
    tpu.vector_store %arg5[%swap3A_21, %swap3A_22], %reshape3A_20 {strides = array<i32>} : memref<128x16xi32, #tpu.memory_space<vmem>>, vector<128x1xi32>,
    %eq3A_24 = vector.broadcast %reshape3A_20 : vector<128x1xi32> to vector<128x10112xi32>
    %eq3A_25 = arith.cmpi eq, %iota3A, %eq3A_24 : vector<128x10112xi32>
    %jit3A_26 = arith.constant 3.000000e+38 : f32
    %broadcast_in_dim3A_27 = vector.broadcast %jit3A_26 : f32 to vector<128x10112xf32>
    %select_n3A_28 = arith.select %eq3A_25, %broadcast_in_dim3A_27, %select_n3A : vector<128x10112xi1>, vector<128x10112xf32>
    %argmin3A_29 = tpu.reduce_index %select_n3A_28 {axis = 1 : i32, kind = #tpu.reduction_kind<arg_min>} : vector<128x10112xf32> -> vector<128xi32>
    %reshape3A_30 = vector.shape_cast %argmin3A_29 : vector<128xi32> to vector<128x1xi32>
    %swap3A_31 = arith.constant 0 : index
    %swap3A_32 = arith.constant 2 : index
    %swap3A_33 = vector.load %arg5[%swap3A_31, %swap3A_32] : memref<128x16xi32, #tpu.memory_space<vmem>>, vector<128x1xi32>
    tpu.vector_store %arg5[%swap3A_31, %swap3A_32], %reshape3A_30 {strides = array<i32>} : memref<128x16xi32, #tpu.memory_space<vmem>>, vector<128x1xi32>,
    %eq3A_34 = vector.broadcast %reshape3A_30 : vector<128x1xi32> to vector<128x10112xi32>
    %eq3A_35 = arith.cmpi eq, %iota3A, %eq3A_34 : vector<128x10112xi32>
    %jit3A_36 = arith.constant 3.000000e+38 : f32
    %broadcast_in_dim3A_37 = vector.broadcast %jit3A_36 : f32 to vector<128x10112xf32>
    %select_n3A_38 = arith.select %eq3A_35, %broadcast_in_dim3A_37, %select_n3A_28 : vector<128x10112xi1>, vector<128x10112xf32>
    %argmin3A_39 = tpu.reduce_index %select_n3A_38 {axis = 1 : i32, kind = #tpu.reduction_kind<arg_min>} : vector<128x10112xf32> -> vector<128xi32>
    %reshape3A_40 = vector.shape_cast %argmin3A_39 : vector<128xi32> to vector<128x1xi32>
    %swap3A_41 = arith.constant 0 : index
    %swap3A_42 = arith.constant 3 : index
    %swap3A_43 = vector.load %arg5[%swap3A_41, %swap3A_42] : memref<128x16xi32, #tpu.memory_space<vmem>>, vector<128x1xi32>
    tpu.vector_store %arg5[%swap3A_41, %swap3A_42], %reshape3A_40 {strides = array<i32>} : memref<128x16xi32, #tpu.memory_space<vmem>>, vector<128x1xi32>,
    %eq3A_44 = vector.broadcast %reshape3A_40 : vector<128x1xi32> to vector<128x10112xi32>
    %eq3A_45 = arith.cmpi eq, %iota3A, %eq3A_44 : vector<128x10112xi32>
    %jit3A_46 = arith.constant 3.000000e+38 : f32
    %broadcast_in_dim3A_47 = vector.broadcast %jit3A_46 : f32 to vector<128x10112xf32>
    %select_n3A_48 = arith.select %eq3A_45, %broadcast_in_dim3A_47, %select_n3A_38 : vector<128x10112xi1>, vector<128x10112xf32>
    %argmin3A_49 = tpu.reduce_index %select_n3A_48 {axis = 1 : i32, kind = #tpu.reduction_kind<arg_min>} : vector<128x10112xf32> -> vector<128xi32>
    %reshape3A_50 = vector.shape_cast %argmin3A_49 : vector<128xi32> to vector<128x1xi32>
    %swap3A_51 = arith.constant 0 : index
    %swap3A_52 = arith.constant 4 : index
    %swap3A_53 = vector.load %arg5[%swap3A_51, %swap3A_52] : memref<128x16xi32, #tpu.memory_space<vmem>>, vector<128x1xi32>
    tpu.vector_store %arg5[%swap3A_51, %swap3A_52], %reshape3A_50 {strides = array<i32>} : memref<128x16xi32, #tpu.memory_space<vmem>>, vector<128x1xi32>,
    %eq3A_54 = vector.broadcast %reshape3A_50 : vector<128x1xi32> to vector<128x10112xi32>
    %eq3A_55 = arith.cmpi eq, %iota3A, %eq3A_54 : vector<128x10112xi32>
    %jit3A_56 = arith.constant 3.000000e+38 : f32
    %broadcast_in_dim3A_57 = vector.broadcast %jit3A_56 : f32 to vector<128x10112xf32>
    %select_n3A_58 = arith.select %eq3A_55, %broadcast_in_dim3A_57, %select_n3A_48 : vector<128x10112xi1>, vector<128x10112xf32>
    %argmin3A_59 = tpu.reduce_index %select_n3A_58 {axis = 1 : i32, kind = #tpu.reduction_kind<arg_min>} : vector<128x10112xf32> -> vector<128xi32>
    %reshape3A_60 = vector.shape_cast %argmin3A_59 : vector<128xi32> to vector<128x1xi32>
    %swap3A_61 = arith.constant 0 : index
    %swap3A_62 = arith.constant 5 : index
    %swap3A_63 = vector.load %arg5[%swap3A_61, %swap3A_62] : memref<128x16xi32, #tpu.memory_space<vmem>>, vector<128x1xi32>
    tpu.vector_store %arg5[%swap3A_61, %swap3A_62], %reshape3A_60 {strides = array<i32>} : memref<128x16xi32, #tpu.memory_space<vmem>>, vector<128x1xi32>,
    %eq3A_64 = vector.broadcast %reshape3A_60 : vector<128x1xi32> to vector<128x10112xi32>
    %eq3A_65 = arith.cmpi eq, %iota3A, %eq3A_64 : vector<128x10112xi32>
    %jit3A_66 = arith.constant 3.000000e+38 : f32
    %broadcast_in_dim3A_67 = vector.broadcast %jit3A_66 : f32 to vector<128x10112xf32>
    %select_n3A_68 = arith.select %eq3A_65, %broadcast_in_dim3A_67, %select_n3A_58 : vector<128x10112xi1>, vector<128x10112xf32>
    %argmin3A_69 = tpu.reduce_index %select_n3A_68 {axis = 1 : i32, kind = #tpu.reduction_kind<arg_min>} : vector<128x10112xf32> -> vector<128xi32>
    %reshape3A_70 = vector.shape_cast %argmin3A_69 : vector<128xi32> to vector<128x1xi32>
    %swap3A_71 = arith.constant 0 : index
    %swap3A_72 = arith.constant 6 : index
    %swap3A_73 = vector.load %arg5[%swap3A_71, %swap3A_72] : memref<128x16xi32, #tpu.memory_space<vmem>>, vector<128x1xi32>
    tpu.vector_store %arg5[%swap3A_71, %swap3A_72], %reshape3A_70 {strides = array<i32>} : memref<128x16xi32, #tpu.memory_space<vmem>>, vector<128x1xi32>,
    %eq3A_74 = vector.broadcast %reshape3A_70 : vector<128x1xi32> to vector<128x10112xi32>
    %eq3A_75 = arith.cmpi eq, %iota3A, %eq3A_74 : vector<128x10112xi32>
    %jit3A_76 = arith.constant 3.000000e+38 : f32
    %broadcast_in_dim3A_77 = vector.broadcast %jit3A_76 : f32 to vector<128x10112xf32>
    %select_n3A_78 = arith.select %eq3A_75, %broadcast_in_dim3A_77, %select_n3A_68 : vector<128x10112xi1>, vector<128x10112xf32>
    %argmin3A_79 = tpu.reduce_index %select_n3A_78 {axis = 1 : i32, kind = #tpu.reduction_kind<arg_min>} : vector<128x10112xf32> -> vector<128xi32>
    %reshape3A_80 = vector.shape_cast %argmin3A_79 : vector<128xi32> to vector<128x1xi32>
    %swap3A_81 = arith.constant 0 : index
    %swap3A_82 = arith.constant 7 : index
    %swap3A_83 = vector.load %arg5[%swap3A_81, %swap3A_82] : memref<128x16xi32, #tpu.memory_space<vmem>>, vector<128x1xi32>
    tpu.vector_store %arg5[%swap3A_81, %swap3A_82], %reshape3A_80 {strides = array<i32>} : memref<128x16xi32, #tpu.memory_space<vmem>>, vector<128x1xi32>,
    %eq3A_84 = vector.broadcast %reshape3A_80 : vector<128x1xi32> to vector<128x10112xi32>
    %eq3A_85 = arith.cmpi eq, %iota3A, %eq3A_84 : vector<128x10112xi32>
    %jit3A_86 = arith.constant 3.000000e+38 : f32
    %broadcast_in_dim3A_87 = vector.broadcast %jit3A_86 : f32 to vector<128x10112xf32>
    %select_n3A_88 = arith.select %eq3A_85, %broadcast_in_dim3A_87, %select_n3A_78 : vector<128x10112xi1>, vector<128x10112xf32>
    %argmin3A_89 = tpu.reduce_index %select_n3A_88 {axis = 1 : i32, kind = #tpu.reduction_kind<arg_min>} : vector<128x10112xf32> -> vector<128xi32>
    %reshape3A_90 = vector.shape_cast %argmin3A_89 : vector<128xi32> to vector<128x1xi32>
    %swap3A_91 = arith.constant 0 : index
    %swap3A_92 = arith.constant 8 : index
    %swap3A_93 = vector.load %arg5[%swap3A_91, %swap3A_92] : memref<128x16xi32, #tpu.memory_space<vmem>>, vector<128x1xi32>
    tpu.vector_store %arg5[%swap3A_91, %swap3A_92], %reshape3A_90 {strides = array<i32>} : memref<128x16xi32, #tpu.memory_space<vmem>>, vector<128x1xi32>,
    %eq3A_94 = vector.broadcast %reshape3A_90 : vector<128x1xi32> to vector<128x10112xi32>
    %eq3A_95 = arith.cmpi eq, %iota3A, %eq3A_94 : vector<128x10112xi32>
    %jit3A_96 = arith.constant 3.000000e+38 : f32
    %broadcast_in_dim3A_97 = vector.broadcast %jit3A_96 : f32 to vector<128x10112xf32>
    %select_n3A_98 = arith.select %eq3A_95, %broadcast_in_dim3A_97, %select_n3A_88 : vector<128x10112xi1>, vector<128x10112xf32>
    %argmin3A_99 = tpu.reduce_index %select_n3A_98 {axis = 1 : i32, kind = #tpu.reduction_kind<arg_min>} : vector<128x10112xf32> -> vector<128xi32>
    %reshape3A_100 = vector.shape_cast %argmin3A_99 : vector<128xi32> to vector<128x1xi32>
    %swap3A_101 = arith.constant 0 : index
    %swap3A_102 = arith.constant 9 : index
    %swap3A_103 = vector.load %arg5[%swap3A_101, %swap3A_102] : memref<128x16xi32, #tpu.memory_space<vmem>>, vector<128x1xi32>
    tpu.vector_store %arg5[%swap3A_101, %swap3A_102], %reshape3A_100 {strides = array<i32>} : memref<128x16xi32, #tpu.memory_space<vmem>>, vector<128x1xi32>,
    %eq3A_104 = vector.broadcast %reshape3A_100 : vector<128x1xi32> to vector<128x10112xi32>
    %eq3A_105 = arith.cmpi eq, %iota3A, %eq3A_104 : vector<128x10112xi32>
    %jit3A_106 = arith.constant 3.000000e+38 : f32
    %broadcast_in_dim3A_107 = vector.broadcast %jit3A_106 : f32 to vector<128x10112xf32>
    %select_n3A_108 = arith.select %eq3A_105, %broadcast_in_dim3A_107, %select_n3A_98 : vector<128x10112xi1>, vector<128x10112xf32>
    %argmin3A_109 = tpu.reduce_index %select_n3A_108 {axis = 1 : i32, kind = #tpu.reduction_kind<arg_min>} : vector<128x10112xf32> -> vector<128xi32>
    %reshape3A_110 = vector.shape_cast %argmin3A_109 : vector<128xi32> to vector<128x1xi32>
    %swap3A_111 = arith.constant 0 : index
    %swap3A_112 = arith.constant 10 : index
    %swap3A_113 = vector.load %arg5[%swap3A_111, %swap3A_112] : memref<128x16xi32, #tpu.memory_space<vmem>>, vector<128x1xi32>
    tpu.vector_store %arg5[%swap3A_111, %swap3A_112], %reshape3A_110 {strides = array<i32>} : memref<128x16xi32, #tpu.memory_space<vmem>>, vector<128x1xi32>,
    %eq3A_114 = vector.broadcast %reshape3A_110 : vector<128x1xi32> to vector<128x10112xi32>
    %eq3A_115 = arith.cmpi eq, %iota3A, %eq3A_114 : vector<128x10112xi32>
    %jit3A_116 = arith.constant 3.000000e+38 : f32
    %broadcast_in_dim3A_117 = vector.broadcast %jit3A_116 : f32 to vector<128x10112xf32>
    %select_n3A_118 = arith.select %eq3A_115, %broadcast_in_dim3A_117, %select_n3A_108 : vector<128x10112xi1>, vector<128x10112xf32>
    %argmin3A_119 = tpu.reduce_index %select_n3A_118 {axis = 1 : i32, kind = #tpu.reduction_kind<arg_min>} : vector<128x10112xf32> -> vector<128xi32>
    %reshape3A_120 = vector.shape_cast %argmin3A_119 : vector<128xi32> to vector<128x1xi32>
    %swap3A_121 = arith.constant 0 : index
    %swap3A_122 = arith.constant 11 : index
    %swap3A_123 = vector.load %arg5[%swap3A_121, %swap3A_122] : memref<128x16xi32, #tpu.memory_space<vmem>>, vector<128x1xi32>
    tpu.vector_store %arg5[%swap3A_121, %swap3A_122], %reshape3A_120 {strides = array<i32>} : memref<128x16xi32, #tpu.memory_space<vmem>>, vector<128x1xi32>,
    %eq3A_124 = vector.broadcast %reshape3A_120 : vector<128x1xi32> to vector<128x10112xi32>
    %eq3A_125 = arith.cmpi eq, %iota3A, %eq3A_124 : vector<128x10112xi32>
    %jit3A_126 = arith.constant 3.000000e+38 : f32
    %broadcast_in_dim3A_127 = vector.broadcast %jit3A_126 : f32 to vector<128x10112xf32>
    %select_n3A_128 = arith.select %eq3A_125, %broadcast_in_dim3A_127, %select_n3A_118 : vector<128x10112xi1>, vector<128x10112xf32>
    %argmin3A_129 = tpu.reduce_index %select_n3A_128 {axis = 1 : i32, kind = #tpu.reduction_kind<arg_min>} : vector<128x10112xf32> -> vector<128xi32>
    %reshape3A_130 = vector.shape_cast %argmin3A_129 : vector<128xi32> to vector<128x1xi32>
    %swap3A_131 = arith.constant 0 : index
    %swap3A_132 = arith.constant 12 : index
    %swap3A_133 = vector.load %arg5[%swap3A_131, %swap3A_132] : memref<128x16xi32, #tpu.memory_space<vmem>>, vector<128x1xi32>
    tpu.vector_store %arg5[%swap3A_131, %swap3A_132], %reshape3A_130 {strides = array<i32>} : memref<128x16xi32, #tpu.memory_space<vmem>>, vector<128x1xi32>,
    %eq3A_134 = vector.broadcast %reshape3A_130 : vector<128x1xi32> to vector<128x10112xi32>
    %eq3A_135 = arith.cmpi eq, %iota3A, %eq3A_134 : vector<128x10112xi32>
    %jit3A_136 = arith.constant 3.000000e+38 : f32
    %broadcast_in_dim3A_137 = vector.broadcast %jit3A_136 : f32 to vector<128x10112xf32>
    %select_n3A_138 = arith.select %eq3A_135, %broadcast_in_dim3A_137, %select_n3A_128 : vector<128x10112xi1>, vector<128x10112xf32>
    %argmin3A_139 = tpu.reduce_index %select_n3A_138 {axis = 1 : i32, kind = #tpu.reduction_kind<arg_min>} : vector<128x10112xf32> -> vector<128xi32>
    %reshape3A_140 = vector.shape_cast %argmin3A_139 : vector<128xi32> to vector<128x1xi32>
    %swap3A_141 = arith.constant 0 : index
    %swap3A_142 = arith.constant 13 : index
    %swap3A_143 = vector.load %arg5[%swap3A_141, %swap3A_142] : memref<128x16xi32, #tpu.memory_space<vmem>>, vector<128x1xi32>
    tpu.vector_store %arg5[%swap3A_141, %swap3A_142], %reshape3A_140 {strides = array<i32>} : memref<128x16xi32, #tpu.memory_space<vmem>>, vector<128x1xi32>,
    %eq3A_144 = vector.broadcast %reshape3A_140 : vector<128x1xi32> to vector<128x10112xi32>
    %eq3A_145 = arith.cmpi eq, %iota3A, %eq3A_144 : vector<128x10112xi32>
    %jit3A_146 = arith.constant 3.000000e+38 : f32
    %broadcast_in_dim3A_147 = vector.broadcast %jit3A_146 : f32 to vector<128x10112xf32>
    %select_n3A_148 = arith.select %eq3A_145, %broadcast_in_dim3A_147, %select_n3A_138 : vector<128x10112xi1>, vector<128x10112xf32>
    %argmin3A_149 = tpu.reduce_index %select_n3A_148 {axis = 1 : i32, kind = #tpu.reduction_kind<arg_min>} : vector<128x10112xf32> -> vector<128xi32>
    %reshape3A_150 = vector.shape_cast %argmin3A_149 : vector<128xi32> to vector<128x1xi32>
    %swap3A_151 = arith.constant 0 : index
    %swap3A_152 = arith.constant 14 : index
    %swap3A_153 = vector.load %arg5[%swap3A_151, %swap3A_152] : memref<128x16xi32, #tpu.memory_space<vmem>>, vector<128x1xi32>
    tpu.vector_store %arg5[%swap3A_151, %swap3A_152], %reshape3A_150 {strides = array<i32>} : memref<128x16xi32, #tpu.memory_space<vmem>>, vector<128x1xi32>,
    %eq3A_154 = vector.broadcast %reshape3A_150 : vector<128x1xi32> to vector<128x10112xi32>
    %eq3A_155 = arith.cmpi eq, %iota3A, %eq3A_154 : vector<128x10112xi32>
    %jit3A_156 = arith.constant 3.000000e+38 : f32
    %broadcast_in_dim3A_157 = vector.broadcast %jit3A_156 : f32 to vector<128x10112xf32>
    %select_n3A_158 = arith.select %eq3A_155, %broadcast_in_dim3A_157, %select_n3A_148 : vector<128x10112xi1>, vector<128x10112xf32>
    %argmin3A_159 = tpu.reduce_index %select_n3A_158 {axis = 1 : i32, kind = #tpu.reduction_kind<arg_min>} : vector<128x10112xf32> -> vector<128xi32>
    %reshape3A_160 = vector.shape_cast %argmin3A_159 : vector<128xi32> to vector<128x1xi32>
    %swap3A_161 = arith.constant 0 : index
    %swap3A_162 = arith.constant 15 : index
    %swap3A_163 = vector.load %arg5[%swap3A_161, %swap3A_162] : memref<128x16xi32, #tpu.memory_space<vmem>>, vector<128x1xi32>
    tpu.vector_store %arg5[%swap3A_161, %swap3A_162], %reshape3A_160 {strides = array<i32>} : memref<128x16xi32, #tpu.memory_space<vmem>>, vector<128x1xi32>,
    return
  }
  func.func @transform_0(%arg0: i32) -> (i32, i32) {
    %c0_i32 = arith.constant 0 : i32
    %c0_i32_0 = arith.constant 0 : i32
    return %arg0, %c0_i32 : i32, i32
  }
  func.func @transform_1(%arg0: i32) -> (i32, i32) {
    %c0_i32 = arith.constant 0 : i32
    %c0_i32_0 = arith.constant 0 : i32
    return %arg0, %c0_i32 : i32, i32
  }
  func.func @transform_2(%arg0: i32) -> (i32, i32) {
    %c0_i32 = arith.constant 0 : i32
    %c0_i32_0 = arith.constant 0 : i32
    %c0_i32_1 = arith.constant 0 : i32
    return %c0_i32, %c0_i32_0 : i32, i32
  }
  func.func @transform_3(%arg0: i32) -> (i32, i32) {
    %c0_i32 = arith.constant 0 : i32
    %c0_i32_0 = arith.constant 0 : i32
    %c0_i32_1 = arith.constant 0 : i32
    return %c0_i32, %c0_i32_0 : i32, i32
  }
  func.func @transform_4(%arg0: i32) -> (i32, i32) {
    %c0_i32 = arith.constant 0 : i32
    %c0_i32_0 = arith.constant 0 : i32
    return %arg0, %c0_i32 : i32, i32
  }
}

module attributes {stable_mosaic.version = 14 : i64} {
  func.func @_kv_body(%arg0: i32, %arg1: memref<128x256xf32, #tpu.memory_space<vmem>>, %arg2: memref<256x256xf32, #tpu.memory_space<vmem>>, %arg3: memref<1x256xf32, #tpu.memory_space<vmem>>, %arg4: memref<1x256xf32, #tpu.memory_space<vmem>>, %arg5: memref<1x256xf32, #tpu.memory_space<vmem>>, %arg6: memref<256x256xf32, #tpu.memory_space<vmem>>, %arg7: memref<1x256xf32, #tpu.memory_space<vmem>>, %arg8: memref<128x512xf32, #tpu.memory_space<vmem>>) attributes {dimension_semantics = [#tpu.dimension_semantics<arbitrary>], iteration_bounds = array<i64: 79>, scalar_prefetch = 0 : i64, scratch_operands = 0 : i64, tpu.core_type = #tpu.core_type<tc>, window_params = [{transform_indices = @transform_0, window_bounds = array<i64: 128, 256>}, {pipeline_mode = #tpu.pipeline_mode<synchronous>, transform_indices = @transform_1, window_bounds = array<i64: 256, 256>}, {pipeline_mode = #tpu.pipeline_mode<synchronous>, transform_indices = @transform_2, window_bounds = array<i64: 1, 256>}, {pipeline_mode = #tpu.pipeline_mode<synchronous>, transform_indices = @transform_3, window_bounds = array<i64: 1, 256>}, {pipeline_mode = #tpu.pipeline_mode<synchronous>, transform_indices = @transform_4, window_bounds = array<i64: 1, 256>}, {pipeline_mode = #tpu.pipeline_mode<synchronous>, transform_indices = @transform_5, window_bounds = array<i64: 256, 256>}, {pipeline_mode = #tpu.pipeline_mode<synchronous>, transform_indices = @transform_6, window_bounds = array<i64: 1, 256>}, {transform_indices = @transform_7, window_bounds = array<i64: 128, 512>}]} {
    %get3A = arith.constant 0 : index
    %get3A_0 = arith.constant 0 : index
    %get3A_1 = vector.load %arg1[%get3A, %get3A_0] : memref<128x256xf32, #tpu.memory_space<vmem>>, vector<128x256xf32>
    %get3A_2 = arith.constant 0 : index
    %get3A_3 = arith.constant 0 : index
    %get3A_4 = vector.load %arg2[%get3A_2, %get3A_3] : memref<256x256xf32, #tpu.memory_space<vmem>>, vector<256x256xf32>
    %dot_general3A = arith.constant dense<0.000000e+00> : vector<128x256xf32>
    %dot_general3A_5 = tpu.matmul %get3A_1, %get3A_4, %dot_general3A {dimension_numbers = #tpu.dot_dimension_numbers<[1], [1], [0], [0], [0, 0, 1, 0], [], []>, transpose_lhs_hint = false} : vector<128x256xf32>, vector<256x256xf32>, vector<128x256xf32> -> vector<128x256xf32>
    %get3A_6 = arith.constant 0 : index
    %get3A_7 = arith.constant 0 : index
    %get3A_8 = vector.load %arg3[%get3A_6, %get3A_7] : memref<1x256xf32, #tpu.memory_space<vmem>>, vector<1x256xf32>
    %add3A = vector.broadcast %get3A_8 : vector<1x256xf32> to vector<128x256xf32>
    %add3A_9 = arith.addf %dot_general3A_5, %add3A : vector<128x256xf32>
    %get3A_10 = arith.constant 0 : index
    %get3A_11 = arith.constant 0 : index
    %get3A_12 = vector.load %arg4[%get3A_10, %get3A_11] : memref<1x256xf32, #tpu.memory_space<vmem>>, vector<1x256xf32>
    %get3A_13 = arith.constant 0 : index
    %get3A_14 = arith.constant 0 : index
    %get3A_15 = vector.load %arg5[%get3A_13, %get3A_14] : memref<1x256xf32, #tpu.memory_space<vmem>>, vector<1x256xf32>
    %reduce_sum3A = arith.constant dense<0.000000e+00> : vector<128xf32>
    %reduce_sum3A_16 = vector.multi_reduction <add>, %add3A_9, %reduce_sum3A [1] : vector<128x256xf32> to vector<128xf32>
    %broadcast_in_dim3A = vector.shape_cast %reduce_sum3A_16 : vector<128xf32> to vector<128x1xf32>
    %div3A = arith.constant 2.560000e+02 : f32
    %div3A_17 = vector.broadcast %div3A : f32 to vector<128x1xf32>
    %div3A_18 = arith.divf %broadcast_in_dim3A, %div3A_17 : vector<128x1xf32>
    %sub3A = vector.broadcast %div3A_18 : vector<128x1xf32> to vector<128x256xf32>
    %sub3A_19 = arith.subf %add3A_9, %sub3A : vector<128x256xf32>
    %integer_pow3A = arith.mulf %sub3A_19, %sub3A_19 : vector<128x256xf32>
    %reduce_sum3A_20 = arith.constant dense<0.000000e+00> : vector<128xf32>
    %reduce_sum3A_21 = vector.multi_reduction <add>, %integer_pow3A, %reduce_sum3A_20 [1] : vector<128x256xf32> to vector<128xf32>
    %broadcast_in_dim3A_22 = vector.shape_cast %reduce_sum3A_21 : vector<128xf32> to vector<128x1xf32>
    %div3A_23 = arith.constant 2.560000e+02 : f32
    %div3A_24 = vector.broadcast %div3A_23 : f32 to vector<128x1xf32>
    %div3A_25 = arith.divf %broadcast_in_dim3A_22, %div3A_24 : vector<128x1xf32>
    %sub3A_26 = vector.broadcast %div3A_18 : vector<128x1xf32> to vector<128x256xf32>
    %sub3A_27 = arith.subf %add3A_9, %sub3A_26 : vector<128x256xf32>
    %add3A_28 = arith.constant 9.99999974E-6 : f32
    %add3A_29 = vector.broadcast %add3A_28 : f32 to vector<128x1xf32>
    %add3A_30 = arith.addf %div3A_25, %add3A_29 : vector<128x1xf32>
    %sqrt3A = math.sqrt %add3A_30 : vector<128x1xf32>
    %div3A_31 = vector.broadcast %sqrt3A : vector<128x1xf32> to vector<128x256xf32>
    %div3A_32 = arith.divf %sub3A_27, %div3A_31 : vector<128x256xf32>
    %mul3A = vector.broadcast %get3A_12 : vector<1x256xf32> to vector<128x256xf32>
    %mul3A_33 = arith.mulf %div3A_32, %mul3A : vector<128x256xf32>
    %add3A_34 = vector.broadcast %get3A_15 : vector<1x256xf32> to vector<128x256xf32>
    %add3A_35 = arith.addf %mul3A_33, %add3A_34 : vector<128x256xf32>
    %max3A = arith.constant 0.000000e+00 : f32
    %max3A_36 = vector.broadcast %max3A : f32 to vector<128x256xf32>
    %max3A_37 = arith.maximumf %add3A_35, %max3A_36 : vector<128x256xf32>
    %get3A_38 = arith.constant 0 : index
    %get3A_39 = arith.constant 0 : index
    %get3A_40 = vector.load %arg6[%get3A_38, %get3A_39] : memref<256x256xf32, #tpu.memory_space<vmem>>, vector<256x256xf32>
    %dot_general3A_41 = arith.constant dense<0.000000e+00> : vector<128x256xf32>
    %dot_general3A_42 = tpu.matmul %get3A_1, %get3A_40, %dot_general3A_41 {dimension_numbers = #tpu.dot_dimension_numbers<[1], [1], [0], [0], [0, 0, 1, 0], [], []>, transpose_lhs_hint = false} : vector<128x256xf32>, vector<256x256xf32>, vector<128x256xf32> -> vector<128x256xf32>
    %get3A_43 = arith.constant 0 : index
    %get3A_44 = arith.constant 0 : index
    %get3A_45 = vector.load %arg7[%get3A_43, %get3A_44] : memref<1x256xf32, #tpu.memory_space<vmem>>, vector<1x256xf32>
    %add3A_46 = vector.broadcast %get3A_45 : vector<1x256xf32> to vector<128x256xf32>
    %add3A_47 = arith.addf %dot_general3A_42, %add3A_46 : vector<128x256xf32>
    %swap3A = arith.constant 0 : index
    %swap3A_48 = arith.constant 0 : index
    %swap3A_49 = vector.load %arg8[%swap3A, %swap3A_48] : memref<128x512xf32, #tpu.memory_space<vmem>>, vector<128x256xf32>
    tpu.vector_store %arg8[%swap3A, %swap3A_48], %max3A_37 {strides = array<i32>} : memref<128x512xf32, #tpu.memory_space<vmem>>, vector<128x256xf32>,
    %swap3A_50 = arith.constant 0 : index
    %swap3A_51 = arith.constant 256 : index
    %swap3A_52 = vector.load %arg8[%swap3A_50, %swap3A_51] : memref<128x512xf32, #tpu.memory_space<vmem>>, vector<128x256xf32>
    tpu.vector_store %arg8[%swap3A_50, %swap3A_51], %add3A_47 {strides = array<i32>} : memref<128x512xf32, #tpu.memory_space<vmem>>, vector<128x256xf32>,
    return
  }
  func.func @transform_0(%arg0: i32) -> (i32, i32) {
    %c0_i32 = arith.constant 0 : i32
    %c0_i32_0 = arith.constant 0 : i32
    return %arg0, %c0_i32 : i32, i32
  }
  func.func @transform_1(%arg0: i32) -> (i32, i32) {
    %c0_i32 = arith.constant 0 : i32
    %c0_i32_0 = arith.constant 0 : i32
    %c0_i32_1 = arith.constant 0 : i32
    return %c0_i32, %c0_i32_0 : i32, i32
  }
  func.func @transform_2(%arg0: i32) -> (i32, i32) {
    %c0_i32 = arith.constant 0 : i32
    %c0_i32_0 = arith.constant 0 : i32
    %c0_i32_1 = arith.constant 0 : i32
    return %c0_i32, %c0_i32_0 : i32, i32
  }
  func.func @transform_3(%arg0: i32) -> (i32, i32) {
    %c0_i32 = arith.constant 0 : i32
    %c0_i32_0 = arith.constant 0 : i32
    %c0_i32_1 = arith.constant 0 : i32
    return %c0_i32, %c0_i32_0 : i32, i32
  }
  func.func @transform_4(%arg0: i32) -> (i32, i32) {
    %c0_i32 = arith.constant 0 : i32
    %c0_i32_0 = arith.constant 0 : i32
    %c0_i32_1 = arith.constant 0 : i32
    return %c0_i32, %c0_i32_0 : i32, i32
  }
  func.func @transform_5(%arg0: i32) -> (i32, i32) {
    %c0_i32 = arith.constant 0 : i32
    %c0_i32_0 = arith.constant 0 : i32
    %c0_i32_1 = arith.constant 0 : i32
    return %c0_i32, %c0_i32_0 : i32, i32
  }
  func.func @transform_6(%arg0: i32) -> (i32, i32) {
    %c0_i32 = arith.constant 0 : i32
    %c0_i32_0 = arith.constant 0 : i32
    %c0_i32_1 = arith.constant 0 : i32
    return %c0_i32, %c0_i32_0 : i32, i32
  }
  func.func @transform_7(%arg0: i32) -> (i32, i32) {
    %c0_i32 = arith.constant 0 : i32
    %c0_i32_0 = arith.constant 0 : i32
    return %arg0, %c0_i32 : i32, i32
  }
}

module attributes {stable_mosaic.version = 14 : i64} {
  func.func @_attn_body(%arg0: i32, %arg1: memref<128x256xf32, #tpu.memory_space<vmem>>, %arg2: memref<128x16xf32, #tpu.memory_space<vmem>>, %arg3: memref<128x16xf32, #tpu.memory_space<vmem>>, %arg4: memref<128x16xf32, #tpu.memory_space<vmem>>, %arg5: memref<2048x512xf32, #tpu.memory_space<vmem>>, %arg6: memref<256x256xf32, #tpu.memory_space<vmem>>, %arg7: memref<1x256xf32, #tpu.memory_space<vmem>>, %arg8: memref<1x256xf32, #tpu.memory_space<vmem>>, %arg9: memref<1x256xf32, #tpu.memory_space<vmem>>, %arg10: memref<48x4096xf32, #tpu.memory_space<vmem>>, %arg11: memref<1x256xf32, #tpu.memory_space<vmem>>, %arg12: memref<1x256xf32, #tpu.memory_space<vmem>>, %arg13: memref<1x256xf32, #tpu.memory_space<vmem>>, %arg14: memref<256x256xf32, #tpu.memory_space<vmem>>, %arg15: memref<1x256xf32, #tpu.memory_space<vmem>>, %arg16: memref<16x256xf32, #tpu.memory_space<vmem>>, %arg17: memref<1x16xf32, #tpu.memory_space<vmem>>, %arg18: memref<1x16xf32, #tpu.memory_space<vmem>>, %arg19: memref<1x16xf32, #tpu.memory_space<vmem>>, %arg20: memref<16x16xf32, #tpu.memory_space<vmem>>, %arg21: memref<1x16xf32, #tpu.memory_space<vmem>>, %arg22: memref<16x256xf32, #tpu.memory_space<vmem>>, %arg23: memref<1x256xf32, #tpu.memory_space<vmem>>, %arg24: memref<1x256xf32, #tpu.memory_space<vmem>>, %arg25: memref<256x256xf32, #tpu.memory_space<vmem>>, %arg26: memref<1x256xf32, #tpu.memory_space<vmem>>, %arg27: memref<256x256xf32, #tpu.memory_space<vmem>>, %arg28: memref<1x256xf32, #tpu.memory_space<vmem>>, %arg29: memref<1x256xf32, #tpu.memory_space<vmem>>, %arg30: memref<1x256xf32, #tpu.memory_space<vmem>>, %arg31: memref<256x256xf32, #tpu.memory_space<vmem>>, %arg32: memref<1x256xf32, #tpu.memory_space<vmem>>, %arg33: memref<1x256xf32, #tpu.memory_space<vmem>>, %arg34: memref<1x256xf32, #tpu.memory_space<vmem>>, %arg35: memref<256x256xf32, #tpu.memory_space<vmem>>, %arg36: memref<1x256xf32, #tpu.memory_space<vmem>>, %arg37: memref<128x256xf32, #tpu.memory_space<vmem>>, %arg38: memref<128x512xf32, #tpu.memory_space<vmem>>) attributes {dimension_semantics = [#tpu.dimension_semantics<arbitrary>], iteration_bounds = array<i64: 79>, scalar_prefetch = 0 : i64, scratch_operands = 0 : i64, tpu.core_type = #tpu.core_type<tc>, window_params = [{transform_indices = @transform_0, window_bounds = array<i64: 128, 256>}, {transform_indices = @transform_1, window_bounds = array<i64: 128, 16>}, {transform_indices = @transform_2, window_bounds = array<i64: 128, 16>}, {transform_indices = @transform_3, window_bounds = array<i64: 128, 16>}, {transform_indices = @transform_4, window_bounds = array<i64: 2048, 512>}, {pipeline_mode = #tpu.pipeline_mode<synchronous>, transform_indices = @transform_5, window_bounds = array<i64: 256, 256>}, {pipeline_mode = #tpu.pipeline_mode<synchronous>, transform_indices = @transform_6, window_bounds = array<i64: 1, 256>}, {pipeline_mode = #tpu.pipeline_mode<synchronous>, transform_indices = @transform_7, window_bounds = array<i64: 1, 256>}, {pipeline_mode = #tpu.pipeline_mode<synchronous>, transform_indices = @transform_8, window_bounds = array<i64: 1, 256>}, {pipeline_mode = #tpu.pipeline_mode<synchronous>, transform_indices = @transform_9, window_bounds = array<i64: 48, 4096>}, {pipeline_mode = #tpu.pipeline_mode<synchronous>, transform_indices = @transform_10, window_bounds = array<i64: 1, 256>}, {pipeline_mode = #tpu.pipeline_mode<synchronous>, transform_indices = @transform_11, window_bounds = array<i64: 1, 256>}, {pipeline_mode = #tpu.pipeline_mode<synchronous>, transform_indices = @transform_12, window_bounds = array<i64: 1, 256>}, {pipeline_mode = #tpu.pipeline_mode<synchronous>, transform_indices = @transform_13, window_bounds = array<i64: 256, 256>}, {pipeline_mode = #tpu.pipeline_mode<synchronous>, transform_indices = @transform_14, window_bounds = array<i64: 1, 256>}, {pipeline_mode = #tpu.pipeline_mode<synchronous>, transform_indices = @transform_15, window_bounds = array<i64: 16, 256>}, {pipeline_mode = #tpu.pipeline_mode<synchronous>, transform_indices = @transform_16, window_bounds = array<i64: 1, 16>}, {pipeline_mode = #tpu.pipeline_mode<synchronous>, transform_indices = @transform_17, window_bounds = array<i64: 1, 16>}, {pipeline_mode = #tpu.pipeline_mode<synchronous>, transform_indices = @transform_18, window_bounds = array<i64: 1, 16>}, {pipeline_mode = #tpu.pipeline_mode<synchronous>, transform_indices = @transform_19, window_bounds = array<i64: 16, 16>}, {pipeline_mode = #tpu.pipeline_mode<synchronous>, transform_indices = @transform_20, window_bounds = array<i64: 1, 16>}, {pipeline_mode = #tpu.pipeline_mode<synchronous>, transform_indices = @transform_21, window_bounds = array<i64: 16, 256>}, {pipeline_mode = #tpu.pipeline_mode<synchronous>, transform_indices = @transform_22, window_bounds = array<i64: 1, 256>}, {pipeline_mode = #tpu.pipeline_mode<synchronous>, transform_indices = @transform_23, window_bounds = array<i64: 1, 256>}, {pipeline_mode = #tpu.pipeline_mode<synchronous>, transform_indices = @transform_24, window_bounds = array<i64: 256, 256>}, {pipeline_mode = #tpu.pipeline_mode<synchronous>, transform_indices = @transform_25, window_bounds = array<i64: 1, 256>}, {pipeline_mode = #tpu.pipeline_mode<synchronous>, transform_indices = @transform_26, window_bounds = array<i64: 256, 256>}, {pipeline_mode = #tpu.pipeline_mode<synchronous>, transform_indices = @transform_27, window_bounds = array<i64: 1, 256>}, {pipeline_mode = #tpu.pipeline_mode<synchronous>, transform_indices = @transform_28, window_bounds = array<i64: 1, 256>}, {pipeline_mode = #tpu.pipeline_mode<synchronous>, transform_indices = @transform_29, window_bounds = array<i64: 1, 256>}, {pipeline_mode = #tpu.pipeline_mode<synchronous>, transform_indices = @transform_30, window_bounds = array<i64: 256, 256>}, {pipeline_mode = #tpu.pipeline_mode<synchronous>, transform_indices = @transform_31, window_bounds = array<i64: 1, 256>}, {pipeline_mode = #tpu.pipeline_mode<synchronous>, transform_indices = @transform_32, window_bounds = array<i64: 1, 256>}, {pipeline_mode = #tpu.pipeline_mode<synchronous>, transform_indices = @transform_33, window_bounds = array<i64: 1, 256>}, {pipeline_mode = #tpu.pipeline_mode<synchronous>, transform_indices = @transform_34, window_bounds = array<i64: 256, 256>}, {pipeline_mode = #tpu.pipeline_mode<synchronous>, transform_indices = @transform_35, window_bounds = array<i64: 1, 256>}, {transform_indices = @transform_36, window_bounds = array<i64: 128, 256>}, {transform_indices = @transform_37, window_bounds = array<i64: 128, 512>}]} {
    %get3A = arith.constant 0 : index
    %get3A_0 = arith.constant 0 : index
    %get3A_1 = vector.load %arg1[%get3A, %get3A_0] : memref<128x256xf32, #tpu.memory_space<vmem>>, vector<128x256xf32>
    %get3A_2 = arith.constant 0 : index
    %get3A_3 = arith.constant 0 : index
    %get3A_4 = vector.load %arg6[%get3A_2, %get3A_3] : memref<256x256xf32, #tpu.memory_space<vmem>>, vector<256x256xf32>
    %dot_general3A = arith.constant dense<0.000000e+00> : vector<128x256xf32>
    %dot_general3A_5 = tpu.matmul %get3A_1, %get3A_4, %dot_general3A {dimension_numbers = #tpu.dot_dimension_numbers<[1], [1], [0], [0], [0, 0, 1, 0], [], []>, transpose_lhs_hint = false} : vector<128x256xf32>, vector<256x256xf32>, vector<128x256xf32> -> vector<128x256xf32>
    %get3A_6 = arith.constant 0 : index
    %get3A_7 = arith.constant 0 : index
    %get3A_8 = vector.load %arg7[%get3A_6, %get3A_7] : memref<1x256xf32, #tpu.memory_space<vmem>>, vector<1x256xf32>
    %add3A = vector.broadcast %get3A_8 : vector<1x256xf32> to vector<128x256xf32>
    %add3A_9 = arith.addf %dot_general3A_5, %add3A : vector<128x256xf32>
    %get3A_10 = arith.constant 0 : index
    %get3A_11 = arith.constant 0 : index
    %get3A_12 = vector.load %arg8[%get3A_10, %get3A_11] : memref<1x256xf32, #tpu.memory_space<vmem>>, vector<1x256xf32>
    %get3A_13 = arith.constant 0 : index
    %get3A_14 = arith.constant 0 : index
    %get3A_15 = vector.load %arg9[%get3A_13, %get3A_14] : memref<1x256xf32, #tpu.memory_space<vmem>>, vector<1x256xf32>
    %reduce_sum3A = arith.constant dense<0.000000e+00> : vector<128xf32>
    %reduce_sum3A_16 = vector.multi_reduction <add>, %add3A_9, %reduce_sum3A [1] : vector<128x256xf32> to vector<128xf32>
    %broadcast_in_dim3A = vector.shape_cast %reduce_sum3A_16 : vector<128xf32> to vector<128x1xf32>
    %div3A = arith.constant 2.560000e+02 : f32
    %div3A_17 = vector.broadcast %div3A : f32 to vector<128x1xf32>
    %div3A_18 = arith.divf %broadcast_in_dim3A, %div3A_17 : vector<128x1xf32>
    %sub3A = vector.broadcast %div3A_18 : vector<128x1xf32> to vector<128x256xf32>
    %sub3A_19 = arith.subf %add3A_9, %sub3A : vector<128x256xf32>
    %integer_pow3A = arith.mulf %sub3A_19, %sub3A_19 : vector<128x256xf32>
    %reduce_sum3A_20 = arith.constant dense<0.000000e+00> : vector<128xf32>
    %reduce_sum3A_21 = vector.multi_reduction <add>, %integer_pow3A, %reduce_sum3A_20 [1] : vector<128x256xf32> to vector<128xf32>
    %broadcast_in_dim3A_22 = vector.shape_cast %reduce_sum3A_21 : vector<128xf32> to vector<128x1xf32>
    %div3A_23 = arith.constant 2.560000e+02 : f32
    %div3A_24 = vector.broadcast %div3A_23 : f32 to vector<128x1xf32>
    %div3A_25 = arith.divf %broadcast_in_dim3A_22, %div3A_24 : vector<128x1xf32>
    %sub3A_26 = vector.broadcast %div3A_18 : vector<128x1xf32> to vector<128x256xf32>
    %sub3A_27 = arith.subf %add3A_9, %sub3A_26 : vector<128x256xf32>
    %add3A_28 = arith.constant 9.99999974E-6 : f32
    %add3A_29 = vector.broadcast %add3A_28 : f32 to vector<128x1xf32>
    %add3A_30 = arith.addf %div3A_25, %add3A_29 : vector<128x1xf32>
    %sqrt3A = math.sqrt %add3A_30 : vector<128x1xf32>
    %div3A_31 = vector.broadcast %sqrt3A : vector<128x1xf32> to vector<128x256xf32>
    %div3A_32 = arith.divf %sub3A_27, %div3A_31 : vector<128x256xf32>
    %mul3A = vector.broadcast %get3A_12 : vector<1x256xf32> to vector<128x256xf32>
    %mul3A_33 = arith.mulf %div3A_32, %mul3A : vector<128x256xf32>
    %add3A_34 = vector.broadcast %get3A_15 : vector<1x256xf32> to vector<128x256xf32>
    %add3A_35 = arith.addf %mul3A_33, %add3A_34 : vector<128x256xf32>
    %max3A = arith.constant 0.000000e+00 : f32
    %max3A_36 = vector.broadcast %max3A : f32 to vector<128x256xf32>
    %max3A_37 = arith.maximumf %add3A_35, %max3A_36 : vector<128x256xf32>
    %get3A_38 = arith.constant 0 : index
    %get3A_39 = arith.constant 0 : index
    %get3A_40 = vector.load %arg2[%get3A_38, %get3A_39] : memref<128x16xf32, #tpu.memory_space<vmem>>, vector<128x16xf32>
    %get3A_41 = arith.constant 0 : index
    %get3A_42 = arith.constant 0 : index
    %get3A_43 = vector.load %arg3[%get3A_41, %get3A_42] : memref<128x16xf32, #tpu.memory_space<vmem>>, vector<128x16xf32>
    %get3A_44 = arith.constant 0 : index
    %get3A_45 = arith.constant 0 : index
    %get3A_46 = vector.load %arg4[%get3A_44, %get3A_45] : memref<128x16xf32, #tpu.memory_space<vmem>>, vector<128x16xf32>
    %concatenate3A = tpu.concatenate %get3A_40, %get3A_43, %get3A_46 in 1 : vector<128x16xf32>, vector<128x16xf32>, vector<128x16xf32> -> vector<128x48xf32>
    %get3A_47 = arith.constant 0 : index
    %get3A_48 = arith.constant 0 : index
    %get3A_49 = vector.load %arg10[%get3A_47, %get3A_48] : memref<48x4096xf32, #tpu.memory_space<vmem>>, vector<48x4096xf32>
    %dot_general3A_50 = arith.constant dense<0.000000e+00> : vector<128x4096xf32>
    %dot_general3A_51 = tpu.matmul %concatenate3A, %get3A_49, %dot_general3A_50 {dimension_numbers = #tpu.dot_dimension_numbers<[1], [0], [0], [1], [0, 0, 1, 1], [], []>, transpose_lhs_hint = false} : vector<128x48xf32>, vector<48x4096xf32>, vector<128x4096xf32> -> vector<128x4096xf32>
    %reshape3A = vector.shape_cast %dot_general3A_51 : vector<128x4096xf32> to vector<2048x256xf32>
    %get3A_52 = arith.constant 0 : index
    %get3A_53 = arith.constant 0 : index
    %get3A_54 = vector.load %arg11[%get3A_52, %get3A_53] : memref<1x256xf32, #tpu.memory_space<vmem>>, vector<1x256xf32>
    %add3A_55 = vector.broadcast %get3A_54 : vector<1x256xf32> to vector<2048x256xf32>
    %add3A_56 = arith.addf %reshape3A, %add3A_55 : vector<2048x256xf32>
    %get3A_57 = arith.constant 0 : index
    %get3A_58 = arith.constant 0 : index
    %get3A_59 = vector.load %arg12[%get3A_57, %get3A_58] : memref<1x256xf32, #tpu.memory_space<vmem>>, vector<1x256xf32>
    %get3A_60 = arith.constant 0 : index
    %get3A_61 = arith.constant 0 : index
    %get3A_62 = vector.load %arg13[%get3A_60, %get3A_61] : memref<1x256xf32, #tpu.memory_space<vmem>>, vector<1x256xf32>
    %reduce_sum3A_63 = arith.constant dense<0.000000e+00> : vector<2048xf32>
    %reduce_sum3A_64 = vector.multi_reduction <add>, %add3A_56, %reduce_sum3A_63 [1] : vector<2048x256xf32> to vector<2048xf32>
    %broadcast_in_dim3A_65 = vector.shape_cast %reduce_sum3A_64 : vector<2048xf32> to vector<2048x1xf32>
    %div3A_66 = arith.constant 2.560000e+02 : f32
    %div3A_67 = vector.broadcast %div3A_66 : f32 to vector<2048x1xf32>
    %div3A_68 = arith.divf %broadcast_in_dim3A_65, %div3A_67 : vector<2048x1xf32>
    %sub3A_69 = vector.broadcast %div3A_68 : vector<2048x1xf32> to vector<2048x256xf32>
    %sub3A_70 = arith.subf %add3A_56, %sub3A_69 : vector<2048x256xf32>
    %integer_pow3A_71 = arith.mulf %sub3A_70, %sub3A_70 : vector<2048x256xf32>
    %reduce_sum3A_72 = arith.constant dense<0.000000e+00> : vector<2048xf32>
    %reduce_sum3A_73 = vector.multi_reduction <add>, %integer_pow3A_71, %reduce_sum3A_72 [1] : vector<2048x256xf32> to vector<2048xf32>
    %broadcast_in_dim3A_74 = vector.shape_cast %reduce_sum3A_73 : vector<2048xf32> to vector<2048x1xf32>
    %div3A_75 = arith.constant 2.560000e+02 : f32
    %div3A_76 = vector.broadcast %div3A_75 : f32 to vector<2048x1xf32>
    %div3A_77 = arith.divf %broadcast_in_dim3A_74, %div3A_76 : vector<2048x1xf32>
    %sub3A_78 = vector.broadcast %div3A_68 : vector<2048x1xf32> to vector<2048x256xf32>
    %sub3A_79 = arith.subf %add3A_56, %sub3A_78 : vector<2048x256xf32>
    %add3A_80 = arith.constant 9.99999974E-6 : f32
    %add3A_81 = vector.broadcast %add3A_80 : f32 to vector<2048x1xf32>
    %add3A_82 = arith.addf %div3A_77, %add3A_81 : vector<2048x1xf32>
    %sqrt3A_83 = math.sqrt %add3A_82 : vector<2048x1xf32>
    %div3A_84 = vector.broadcast %sqrt3A_83 : vector<2048x1xf32> to vector<2048x256xf32>
    %div3A_85 = arith.divf %sub3A_79, %div3A_84 : vector<2048x256xf32>
    %mul3A_86 = vector.broadcast %get3A_59 : vector<1x256xf32> to vector<2048x256xf32>
    %mul3A_87 = arith.mulf %div3A_85, %mul3A_86 : vector<2048x256xf32>
    %add3A_88 = vector.broadcast %get3A_62 : vector<1x256xf32> to vector<2048x256xf32>
    %add3A_89 = arith.addf %mul3A_87, %add3A_88 : vector<2048x256xf32>
    %max3A_90 = arith.constant 0.000000e+00 : f32
    %max3A_91 = vector.broadcast %max3A_90 : f32 to vector<2048x256xf32>
    %max3A_92 = arith.maximumf %add3A_89, %max3A_91 : vector<2048x256xf32>
    %get3A_93 = arith.constant 0 : index
    %get3A_94 = arith.constant 0 : index
    %get3A_95 = vector.load %arg14[%get3A_93, %get3A_94] : memref<256x256xf32, #tpu.memory_space<vmem>>, vector<256x256xf32>
    %dot_general3A_96 = arith.constant dense<0.000000e+00> : vector<2048x256xf32>
    %dot_general3A_97 = tpu.matmul %max3A_92, %get3A_95, %dot_general3A_96 {dimension_numbers = #tpu.dot_dimension_numbers<[1], [1], [0], [0], [0, 0, 1, 0], [], []>, transpose_lhs_hint = false} : vector<2048x256xf32>, vector<256x256xf32>, vector<2048x256xf32> -> vector<2048x256xf32>
    %get3A_98 = arith.constant 0 : index
    %get3A_99 = arith.constant 0 : index
    %get3A_100 = vector.load %arg15[%get3A_98, %get3A_99] : memref<1x256xf32, #tpu.memory_space<vmem>>, vector<1x256xf32>
    %add3A_101 = vector.broadcast %get3A_100 : vector<1x256xf32> to vector<2048x256xf32>
    %add3A_102 = arith.addf %dot_general3A_97, %add3A_101 : vector<2048x256xf32>
    %get3A_103 = arith.constant 0 : index
    %get3A_104 = arith.constant 0 : index
    %get3A_105 = vector.load %arg5[%get3A_103, %get3A_104] : memref<2048x512xf32, #tpu.memory_space<vmem>>, vector<2048x512xf32>
    %reshape3A_106 = vector.shape_cast %max3A_37 : vector<128x256xf32> to vector<128x1x256xf32>
    %broadcast_in_dim3A_107 = vector.shape_cast %reshape3A_106 : vector<128x1x256xf32> to vector<128x1x256xf32>
    %broadcast_in_dim3A_108 = vector.broadcast %broadcast_in_dim3A_107 : vector<128x1x256xf32> to vector<128x16x256xf32>
    %reshape3A_109 = vector.shape_cast %broadcast_in_dim3A_108 : vector<128x16x256xf32> to vector<2048x256xf32>
    %slice3A = vector.extract_strided_slice %get3A_105 {offsets = [0, 0], sizes = [2048, 256], strides = [1, 1]} : vector<2048x512xf32> to vector<2048x256xf32>
    %sub3A_110 = arith.subf %slice3A, %reshape3A_109 : vector<2048x256xf32>
    %add3A_111 = arith.addf %sub3A_110, %add3A_102 : vector<2048x256xf32>
    %get3A_112 = arith.constant 0 : index
    %get3A_113 = arith.constant 0 : index
    %get3A_114 = vector.load %arg16[%get3A_112, %get3A_113] : memref<16x256xf32, #tpu.memory_space<vmem>>, vector<16x256xf32>
    %dot_general3A_115 = arith.constant dense<0.000000e+00> : vector<2048x16xf32>
    %dot_general3A_116 = tpu.matmul %add3A_111, %get3A_114, %dot_general3A_115 {dimension_numbers = #tpu.dot_dimension_numbers<[1], [1], [0], [0], [0, 0, 1, 0], [], []>, transpose_lhs_hint = false} : vector<2048x256xf32>, vector<16x256xf32>, vector<2048x16xf32> -> vector<2048x16xf32>
    %get3A_117 = arith.constant 0 : index
    %get3A_118 = arith.constant 0 : index
    %get3A_119 = vector.load %arg17[%get3A_117, %get3A_118] : memref<1x16xf32, #tpu.memory_space<vmem>>, vector<1x16xf32>
    %add3A_120 = vector.broadcast %get3A_119 : vector<1x16xf32> to vector<2048x16xf32>
    %add3A_121 = arith.addf %dot_general3A_116, %add3A_120 : vector<2048x16xf32>
    %get3A_122 = arith.constant 0 : index
    %get3A_123 = arith.constant 0 : index
    %get3A_124 = vector.load %arg18[%get3A_122, %get3A_123] : memref<1x16xf32, #tpu.memory_space<vmem>>, vector<1x16xf32>
    %get3A_125 = arith.constant 0 : index
    %get3A_126 = arith.constant 0 : index
    %get3A_127 = vector.load %arg19[%get3A_125, %get3A_126] : memref<1x16xf32, #tpu.memory_space<vmem>>, vector<1x16xf32>
    %reduce_sum3A_128 = arith.constant dense<0.000000e+00> : vector<2048xf32>
    %reduce_sum3A_129 = vector.multi_reduction <add>, %add3A_121, %reduce_sum3A_128 [1] : vector<2048x16xf32> to vector<2048xf32>
    %broadcast_in_dim3A_130 = vector.shape_cast %reduce_sum3A_129 : vector<2048xf32> to vector<2048x1xf32>
    %div3A_131 = arith.constant 1.600000e+01 : f32
    %div3A_132 = vector.broadcast %div3A_131 : f32 to vector<2048x1xf32>
    %div3A_133 = arith.divf %broadcast_in_dim3A_130, %div3A_132 : vector<2048x1xf32>
    %sub3A_134 = vector.broadcast %div3A_133 : vector<2048x1xf32> to vector<2048x16xf32>
    %sub3A_135 = arith.subf %add3A_121, %sub3A_134 : vector<2048x16xf32>
    %integer_pow3A_136 = arith.mulf %sub3A_135, %sub3A_135 : vector<2048x16xf32>
    %reduce_sum3A_137 = arith.constant dense<0.000000e+00> : vector<2048xf32>
    %reduce_sum3A_138 = vector.multi_reduction <add>, %integer_pow3A_136, %reduce_sum3A_137 [1] : vector<2048x16xf32> to vector<2048xf32>
    %broadcast_in_dim3A_139 = vector.shape_cast %reduce_sum3A_138 : vector<2048xf32> to vector<2048x1xf32>
    %div3A_140 = arith.constant 1.600000e+01 : f32
    %div3A_141 = vector.broadcast %div3A_140 : f32 to vector<2048x1xf32>
    %div3A_142 = arith.divf %broadcast_in_dim3A_139, %div3A_141 : vector<2048x1xf32>
    %sub3A_143 = vector.broadcast %div3A_133 : vector<2048x1xf32> to vector<2048x16xf32>
    %sub3A_144 = arith.subf %add3A_121, %sub3A_143 : vector<2048x16xf32>
    %add3A_145 = arith.constant 9.99999974E-6 : f32
    %add3A_146 = vector.broadcast %add3A_145 : f32 to vector<2048x1xf32>
    %add3A_147 = arith.addf %div3A_142, %add3A_146 : vector<2048x1xf32>
    %sqrt3A_148 = math.sqrt %add3A_147 : vector<2048x1xf32>
    %div3A_149 = vector.broadcast %sqrt3A_148 : vector<2048x1xf32> to vector<2048x16xf32>
    %div3A_150 = arith.divf %sub3A_144, %div3A_149 : vector<2048x16xf32>
    %mul3A_151 = vector.broadcast %get3A_124 : vector<1x16xf32> to vector<2048x16xf32>
    %mul3A_152 = arith.mulf %div3A_150, %mul3A_151 : vector<2048x16xf32>
    %add3A_153 = vector.broadcast %get3A_127 : vector<1x16xf32> to vector<2048x16xf32>
    %add3A_154 = arith.addf %mul3A_152, %add3A_153 : vector<2048x16xf32>
    %max3A_155 = arith.constant 0.000000e+00 : f32
    %max3A_156 = vector.broadcast %max3A_155 : f32 to vector<2048x16xf32>
    %max3A_157 = arith.maximumf %add3A_154, %max3A_156 : vector<2048x16xf32>
    %get3A_158 = arith.constant 0 : index
    %get3A_159 = arith.constant 0 : index
    %get3A_160 = vector.load %arg20[%get3A_158, %get3A_159] : memref<16x16xf32, #tpu.memory_space<vmem>>, vector<16x16xf32>
    %dot_general3A_161 = arith.constant dense<0.000000e+00> : vector<2048x16xf32>
    %dot_general3A_162 = tpu.matmul %max3A_157, %get3A_160, %dot_general3A_161 {dimension_numbers = #tpu.dot_dimension_numbers<[1], [1], [0], [0], [0, 0, 1, 0], [], []>, transpose_lhs_hint = false} : vector<2048x16xf32>, vector<16x16xf32>, vector<2048x16xf32> -> vector<2048x16xf32>
    %get3A_163 = arith.constant 0 : index
    %get3A_164 = arith.constant 0 : index
    %get3A_165 = vector.load %arg21[%get3A_163, %get3A_164] : memref<1x16xf32, #tpu.memory_space<vmem>>, vector<1x16xf32>
    %add3A_166 = vector.broadcast %get3A_165 : vector<1x16xf32> to vector<2048x16xf32>
    %add3A_167 = arith.addf %dot_general3A_162, %add3A_166 : vector<2048x16xf32>
    %reshape3A_168 = vector.shape_cast %add3A_167 : vector<2048x16xf32> to vector<128x16x16xf32>
    %reduce_max3A = arith.constant dense<0xFF800000> : vector<128x16xf32>
    %reduce_max3A_169 = vector.multi_reduction <maximumf>, %reshape3A_168, %reduce_max3A [1] : vector<128x16x16xf32> to vector<128x16xf32>
    %broadcast_in_dim3A_170 = vector.shape_cast %reduce_max3A_169 : vector<128x16xf32> to vector<128x1x16xf32>
    %sub3A_171 = vector.broadcast %broadcast_in_dim3A_170 : vector<128x1x16xf32> to vector<128x16x16xf32>
    %sub3A_172 = arith.subf %reshape3A_168, %sub3A_171 : vector<128x16x16xf32>
    %exp3A = math.exp %sub3A_172 : vector<128x16x16xf32>
    %reduce_sum3A_173 = arith.constant dense<0.000000e+00> : vector<128x16xf32>
    %reduce_sum3A_174 = vector.multi_reduction <add>, %exp3A, %reduce_sum3A_173 [1] : vector<128x16x16xf32> to vector<128x16xf32>
    %broadcast_in_dim3A_175 = vector.shape_cast %reduce_sum3A_174 : vector<128x16xf32> to vector<128x1x16xf32>
    %div3A_176 = vector.broadcast %broadcast_in_dim3A_175 : vector<128x1x16xf32> to vector<128x16x16xf32>
    %div3A_177 = arith.divf %exp3A, %div3A_176 : vector<128x16x16xf32>
    %reshape3A_178 = vector.shape_cast %div3A_177 : vector<128x16x16xf32> to vector<2048x16xf32>
    %get3A_179 = arith.constant 0 : index
    %get3A_180 = arith.constant 0 : index
    %get3A_181 = vector.load %arg22[%get3A_179, %get3A_180] : memref<16x256xf32, #tpu.memory_space<vmem>>, vector<16x256xf32>
    %dot_general3A_182 = arith.constant dense<0.000000e+00> : vector<2048x256xf32>
    %dot_general3A_183 = tpu.matmul %reshape3A_178, %get3A_181, %dot_general3A_182 {dimension_numbers = #tpu.dot_dimension_numbers<[1], [0], [0], [1], [0, 0, 1, 1], [], []>, transpose_lhs_hint = false} : vector<2048x16xf32>, vector<16x256xf32>, vector<2048x256xf32> -> vector<2048x256xf32>
    %slice3A_184 = vector.extract_strided_slice %get3A_105 {offsets = [0, 256], sizes = [2048, 256], strides = [1, 1]} : vector<2048x512xf32> to vector<2048x256xf32>
    %add3A_185 = arith.addf %slice3A_184, %add3A_102 : vector<2048x256xf32>
    %mul3A_186 = arith.mulf %add3A_185, %dot_general3A_183 : vector<2048x256xf32>
    %reshape3A_187 = vector.shape_cast %mul3A_186 : vector<2048x256xf32> to vector<128x16x256xf32>
    %reduce_sum3A_188 = arith.constant dense<0.000000e+00> : vector<128x256xf32>
    %reduce_sum3A_189 = vector.multi_reduction <add>, %reshape3A_187, %reduce_sum3A_188 [1] : vector<128x16x256xf32> to vector<128x256xf32>
    %get3A_190 = arith.constant 0 : index
    %get3A_191 = arith.constant 0 : index
    %get3A_192 = vector.load %arg23[%get3A_190, %get3A_191] : memref<1x256xf32, #tpu.memory_space<vmem>>, vector<1x256xf32>
    %get3A_193 = arith.constant 0 : index
    %get3A_194 = arith.constant 0 : index
    %get3A_195 = vector.load %arg24[%get3A_193, %get3A_194] : memref<1x256xf32, #tpu.memory_space<vmem>>, vector<1x256xf32>
    %reduce_sum3A_196 = arith.constant dense<0.000000e+00> : vector<128xf32>
    %reduce_sum3A_197 = vector.multi_reduction <add>, %reduce_sum3A_189, %reduce_sum3A_196 [1] : vector<128x256xf32> to vector<128xf32>
    %broadcast_in_dim3A_198 = vector.shape_cast %reduce_sum3A_197 : vector<128xf32> to vector<128x1xf32>
    %div3A_199 = arith.constant 2.560000e+02 : f32
    %div3A_200 = vector.broadcast %div3A_199 : f32 to vector<128x1xf32>
    %div3A_201 = arith.divf %broadcast_in_dim3A_198, %div3A_200 : vector<128x1xf32>
    %sub3A_202 = vector.broadcast %div3A_201 : vector<128x1xf32> to vector<128x256xf32>
    %sub3A_203 = arith.subf %reduce_sum3A_189, %sub3A_202 : vector<128x256xf32>
    %integer_pow3A_204 = arith.mulf %sub3A_203, %sub3A_203 : vector<128x256xf32>
    %reduce_sum3A_205 = arith.constant dense<0.000000e+00> : vector<128xf32>
    %reduce_sum3A_206 = vector.multi_reduction <add>, %integer_pow3A_204, %reduce_sum3A_205 [1] : vector<128x256xf32> to vector<128xf32>
    %broadcast_in_dim3A_207 = vector.shape_cast %reduce_sum3A_206 : vector<128xf32> to vector<128x1xf32>
    %div3A_208 = arith.constant 2.560000e+02 : f32
    %div3A_209 = vector.broadcast %div3A_208 : f32 to vector<128x1xf32>
    %div3A_210 = arith.divf %broadcast_in_dim3A_207, %div3A_209 : vector<128x1xf32>
    %sub3A_211 = vector.broadcast %div3A_201 : vector<128x1xf32> to vector<128x256xf32>
    %sub3A_212 = arith.subf %reduce_sum3A_189, %sub3A_211 : vector<128x256xf32>
    %add3A_213 = arith.constant 9.99999974E-6 : f32
    %add3A_214 = vector.broadcast %add3A_213 : f32 to vector<128x1xf32>
    %add3A_215 = arith.addf %div3A_210, %add3A_214 : vector<128x1xf32>
    %sqrt3A_216 = math.sqrt %add3A_215 : vector<128x1xf32>
    %div3A_217 = vector.broadcast %sqrt3A_216 : vector<128x1xf32> to vector<128x256xf32>
    %div3A_218 = arith.divf %sub3A_212, %div3A_217 : vector<128x256xf32>
    %mul3A_219 = vector.broadcast %get3A_192 : vector<1x256xf32> to vector<128x256xf32>
    %mul3A_220 = arith.mulf %div3A_218, %mul3A_219 : vector<128x256xf32>
    %add3A_221 = vector.broadcast %get3A_195 : vector<1x256xf32> to vector<128x256xf32>
    %add3A_222 = arith.addf %mul3A_220, %add3A_221 : vector<128x256xf32>
    %add3A_223 = arith.addf %get3A_1, %add3A_222 : vector<128x256xf32>
    %get3A_224 = arith.constant 0 : index
    %get3A_225 = arith.constant 0 : index
    %get3A_226 = vector.load %arg25[%get3A_224, %get3A_225] : memref<256x256xf32, #tpu.memory_space<vmem>>, vector<256x256xf32>
    %dot_general3A_227 = arith.constant dense<0.000000e+00> : vector<128x256xf32>
    %dot_general3A_228 = tpu.matmul %add3A_223, %get3A_226, %dot_general3A_227 {dimension_numbers = #tpu.dot_dimension_numbers<[1], [1], [0], [0], [0, 0, 1, 0], [], []>, transpose_lhs_hint = false} : vector<128x256xf32>, vector<256x256xf32>, vector<128x256xf32> -> vector<128x256xf32>
    %get3A_229 = arith.constant 0 : index
    %get3A_230 = arith.constant 0 : index
    %get3A_231 = vector.load %arg26[%get3A_229, %get3A_230] : memref<1x256xf32, #tpu.memory_space<vmem>>, vector<1x256xf32>
    %add3A_232 = vector.broadcast %get3A_231 : vector<1x256xf32> to vector<128x256xf32>
    %add3A_233 = arith.addf %dot_general3A_228, %add3A_232 : vector<128x256xf32>
    %max3A_234 = arith.constant 0.000000e+00 : f32
    %max3A_235 = vector.broadcast %max3A_234 : f32 to vector<128x256xf32>
    %max3A_236 = arith.maximumf %add3A_233, %max3A_235 : vector<128x256xf32>
    %get3A_237 = arith.constant 0 : index
    %get3A_238 = arith.constant 0 : index
    %get3A_239 = vector.load %arg27[%get3A_237, %get3A_238] : memref<256x256xf32, #tpu.memory_space<vmem>>, vector<256x256xf32>
    %dot_general3A_240 = arith.constant dense<0.000000e+00> : vector<128x256xf32>
    %dot_general3A_241 = tpu.matmul %max3A_236, %get3A_239, %dot_general3A_240 {dimension_numbers = #tpu.dot_dimension_numbers<[1], [1], [0], [0], [0, 0, 1, 0], [], []>, transpose_lhs_hint = false} : vector<128x256xf32>, vector<256x256xf32>, vector<128x256xf32> -> vector<128x256xf32>
    %get3A_242 = arith.constant 0 : index
    %get3A_243 = arith.constant 0 : index
    %get3A_244 = vector.load %arg28[%get3A_242, %get3A_243] : memref<1x256xf32, #tpu.memory_space<vmem>>, vector<1x256xf32>
    %add3A_245 = vector.broadcast %get3A_244 : vector<1x256xf32> to vector<128x256xf32>
    %add3A_246 = arith.addf %dot_general3A_241, %add3A_245 : vector<128x256xf32>
    %get3A_247 = arith.constant 0 : index
    %get3A_248 = arith.constant 0 : index
    %get3A_249 = vector.load %arg29[%get3A_247, %get3A_248] : memref<1x256xf32, #tpu.memory_space<vmem>>, vector<1x256xf32>
    %get3A_250 = arith.constant 0 : index
    %get3A_251 = arith.constant 0 : index
    %get3A_252 = vector.load %arg30[%get3A_250, %get3A_251] : memref<1x256xf32, #tpu.memory_space<vmem>>, vector<1x256xf32>
    %reduce_sum3A_253 = arith.constant dense<0.000000e+00> : vector<128xf32>
    %reduce_sum3A_254 = vector.multi_reduction <add>, %add3A_246, %reduce_sum3A_253 [1] : vector<128x256xf32> to vector<128xf32>
    %broadcast_in_dim3A_255 = vector.shape_cast %reduce_sum3A_254 : vector<128xf32> to vector<128x1xf32>
    %div3A_256 = arith.constant 2.560000e+02 : f32
    %div3A_257 = vector.broadcast %div3A_256 : f32 to vector<128x1xf32>
    %div3A_258 = arith.divf %broadcast_in_dim3A_255, %div3A_257 : vector<128x1xf32>
    %sub3A_259 = vector.broadcast %div3A_258 : vector<128x1xf32> to vector<128x256xf32>
    %sub3A_260 = arith.subf %add3A_246, %sub3A_259 : vector<128x256xf32>
    %integer_pow3A_261 = arith.mulf %sub3A_260, %sub3A_260 : vector<128x256xf32>
    %reduce_sum3A_262 = arith.constant dense<0.000000e+00> : vector<128xf32>
    %reduce_sum3A_263 = vector.multi_reduction <add>, %integer_pow3A_261, %reduce_sum3A_262 [1] : vector<128x256xf32> to vector<128xf32>
    %broadcast_in_dim3A_264 = vector.shape_cast %reduce_sum3A_263 : vector<128xf32> to vector<128x1xf32>
    %div3A_265 = arith.constant 2.560000e+02 : f32
    %div3A_266 = vector.broadcast %div3A_265 : f32 to vector<128x1xf32>
    %div3A_267 = arith.divf %broadcast_in_dim3A_264, %div3A_266 : vector<128x1xf32>
    %sub3A_268 = vector.broadcast %div3A_258 : vector<128x1xf32> to vector<128x256xf32>
    %sub3A_269 = arith.subf %add3A_246, %sub3A_268 : vector<128x256xf32>
    %add3A_270 = arith.constant 9.99999974E-6 : f32
    %add3A_271 = vector.broadcast %add3A_270 : f32 to vector<128x1xf32>
    %add3A_272 = arith.addf %div3A_267, %add3A_271 : vector<128x1xf32>
    %sqrt3A_273 = math.sqrt %add3A_272 : vector<128x1xf32>
    %div3A_274 = vector.broadcast %sqrt3A_273 : vector<128x1xf32> to vector<128x256xf32>
    %div3A_275 = arith.divf %sub3A_269, %div3A_274 : vector<128x256xf32>
    %mul3A_276 = vector.broadcast %get3A_249 : vector<1x256xf32> to vector<128x256xf32>
    %mul3A_277 = arith.mulf %div3A_275, %mul3A_276 : vector<128x256xf32>
    %add3A_278 = vector.broadcast %get3A_252 : vector<1x256xf32> to vector<128x256xf32>
    %add3A_279 = arith.addf %mul3A_277, %add3A_278 : vector<128x256xf32>
    %add3A_280 = arith.addf %add3A_223, %add3A_279 : vector<128x256xf32>
    %max3A_281 = arith.constant 0.000000e+00 : f32
    %max3A_282 = vector.broadcast %max3A_281 : f32 to vector<128x256xf32>
    %max3A_283 = arith.maximumf %add3A_280, %max3A_282 : vector<128x256xf32>
    %swap3A = arith.constant 0 : index
    %swap3A_284 = arith.constant 0 : index
    %swap3A_285 = vector.load %arg37[%swap3A, %swap3A_284] : memref<128x256xf32, #tpu.memory_space<vmem>>, vector<128x256xf32>
    tpu.vector_store %arg37[%swap3A, %swap3A_284], %max3A_283 {strides = array<i32>} : memref<128x256xf32, #tpu.memory_space<vmem>>, vector<128x256xf32>,
    %get3A_286 = arith.constant 0 : index
    %get3A_287 = arith.constant 0 : index
    %get3A_288 = vector.load %arg31[%get3A_286, %get3A_287] : memref<256x256xf32, #tpu.memory_space<vmem>>, vector<256x256xf32>
    %dot_general3A_289 = arith.constant dense<0.000000e+00> : vector<128x256xf32>
    %dot_general3A_290 = tpu.matmul %max3A_283, %get3A_288, %dot_general3A_289 {dimension_numbers = #tpu.dot_dimension_numbers<[1], [1], [0], [0], [0, 0, 1, 0], [], []>, transpose_lhs_hint = false} : vector<128x256xf32>, vector<256x256xf32>, vector<128x256xf32> -> vector<128x256xf32>
    %get3A_291 = arith.constant 0 : index
    %get3A_292 = arith.constant 0 : index
    %get3A_293 = vector.load %arg32[%get3A_291, %get3A_292] : memref<1x256xf32, #tpu.memory_space<vmem>>, vector<1x256xf32>
    %add3A_294 = vector.broadcast %get3A_293 : vector<1x256xf32> to vector<128x256xf32>
    %add3A_295 = arith.addf %dot_general3A_290, %add3A_294 : vector<128x256xf32>
    %get3A_296 = arith.constant 0 : index
    %get3A_297 = arith.constant 0 : index
    %get3A_298 = vector.load %arg33[%get3A_296, %get3A_297] : memref<1x256xf32, #tpu.memory_space<vmem>>, vector<1x256xf32>
    %get3A_299 = arith.constant 0 : index
    %get3A_300 = arith.constant 0 : index
    %get3A_301 = vector.load %arg34[%get3A_299, %get3A_300] : memref<1x256xf32, #tpu.memory_space<vmem>>, vector<1x256xf32>
    %reduce_sum3A_302 = arith.constant dense<0.000000e+00> : vector<128xf32>
    %reduce_sum3A_303 = vector.multi_reduction <add>, %add3A_295, %reduce_sum3A_302 [1] : vector<128x256xf32> to vector<128xf32>
    %broadcast_in_dim3A_304 = vector.shape_cast %reduce_sum3A_303 : vector<128xf32> to vector<128x1xf32>
    %div3A_305 = arith.constant 2.560000e+02 : f32
    %div3A_306 = vector.broadcast %div3A_305 : f32 to vector<128x1xf32>
    %div3A_307 = arith.divf %broadcast_in_dim3A_304, %div3A_306 : vector<128x1xf32>
    %sub3A_308 = vector.broadcast %div3A_307 : vector<128x1xf32> to vector<128x256xf32>
    %sub3A_309 = arith.subf %add3A_295, %sub3A_308 : vector<128x256xf32>
    %integer_pow3A_310 = arith.mulf %sub3A_309, %sub3A_309 : vector<128x256xf32>
    %reduce_sum3A_311 = arith.constant dense<0.000000e+00> : vector<128xf32>
    %reduce_sum3A_312 = vector.multi_reduction <add>, %integer_pow3A_310, %reduce_sum3A_311 [1] : vector<128x256xf32> to vector<128xf32>
    %broadcast_in_dim3A_313 = vector.shape_cast %reduce_sum3A_312 : vector<128xf32> to vector<128x1xf32>
    %div3A_314 = arith.constant 2.560000e+02 : f32
    %div3A_315 = vector.broadcast %div3A_314 : f32 to vector<128x1xf32>
    %div3A_316 = arith.divf %broadcast_in_dim3A_313, %div3A_315 : vector<128x1xf32>
    %sub3A_317 = vector.broadcast %div3A_307 : vector<128x1xf32> to vector<128x256xf32>
    %sub3A_318 = arith.subf %add3A_295, %sub3A_317 : vector<128x256xf32>
    %add3A_319 = arith.constant 9.99999974E-6 : f32
    %add3A_320 = vector.broadcast %add3A_319 : f32 to vector<128x1xf32>
    %add3A_321 = arith.addf %div3A_316, %add3A_320 : vector<128x1xf32>
    %sqrt3A_322 = math.sqrt %add3A_321 : vector<128x1xf32>
    %div3A_323 = vector.broadcast %sqrt3A_322 : vector<128x1xf32> to vector<128x256xf32>
    %div3A_324 = arith.divf %sub3A_318, %div3A_323 : vector<128x256xf32>
    %mul3A_325 = vector.broadcast %get3A_298 : vector<1x256xf32> to vector<128x256xf32>
    %mul3A_326 = arith.mulf %div3A_324, %mul3A_325 : vector<128x256xf32>
    %add3A_327 = vector.broadcast %get3A_301 : vector<1x256xf32> to vector<128x256xf32>
    %add3A_328 = arith.addf %mul3A_326, %add3A_327 : vector<128x256xf32>
    %max3A_329 = arith.constant 0.000000e+00 : f32
    %max3A_330 = vector.broadcast %max3A_329 : f32 to vector<128x256xf32>
    %max3A_331 = arith.maximumf %add3A_328, %max3A_330 : vector<128x256xf32>
    %swap3A_332 = arith.constant 0 : index
    %swap3A_333 = arith.constant 0 : index
    %swap3A_334 = vector.load %arg38[%swap3A_332, %swap3A_333] : memref<128x512xf32, #tpu.memory_space<vmem>>, vector<128x256xf32>
    tpu.vector_store %arg38[%swap3A_332, %swap3A_333], %max3A_331 {strides = array<i32>} : memref<128x512xf32, #tpu.memory_space<vmem>>, vector<128x256xf32>,
    %get3A_335 = arith.constant 0 : index
    %get3A_336 = arith.constant 0 : index
    %get3A_337 = vector.load %arg35[%get3A_335, %get3A_336] : memref<256x256xf32, #tpu.memory_space<vmem>>, vector<256x256xf32>
    %dot_general3A_338 = arith.constant dense<0.000000e+00> : vector<128x256xf32>
    %dot_general3A_339 = tpu.matmul %max3A_283, %get3A_337, %dot_general3A_338 {dimension_numbers = #tpu.dot_dimension_numbers<[1], [1], [0], [0], [0, 0, 1, 0], [], []>, transpose_lhs_hint = false} : vector<128x256xf32>, vector<256x256xf32>, vector<128x256xf32> -> vector<128x256xf32>
    %get3A_340 = arith.constant 0 : index
    %get3A_341 = arith.constant 0 : index
    %get3A_342 = vector.load %arg36[%get3A_340, %get3A_341] : memref<1x256xf32, #tpu.memory_space<vmem>>, vector<1x256xf32>
    %add3A_343 = vector.broadcast %get3A_342 : vector<1x256xf32> to vector<128x256xf32>
    %add3A_344 = arith.addf %dot_general3A_339, %add3A_343 : vector<128x256xf32>
    %swap3A_345 = arith.constant 0 : index
    %swap3A_346 = arith.constant 256 : index
    %swap3A_347 = vector.load %arg38[%swap3A_345, %swap3A_346] : memref<128x512xf32, #tpu.memory_space<vmem>>, vector<128x256xf32>
    tpu.vector_store %arg38[%swap3A_345, %swap3A_346], %add3A_344 {strides = array<i32>} : memref<128x512xf32, #tpu.memory_space<vmem>>, vector<128x256xf32>,
    return
  }
  func.func @transform_0(%arg0: i32) -> (i32, i32) {
    %c0_i32 = arith.constant 0 : i32
    %c0_i32_0 = arith.constant 0 : i32
    return %arg0, %c0_i32 : i32, i32
  }
  func.func @transform_1(%arg0: i32) -> (i32, i32) {
    %c0_i32 = arith.constant 0 : i32
    %c0_i32_0 = arith.constant 0 : i32
    return %arg0, %c0_i32 : i32, i32
  }
  func.func @transform_2(%arg0: i32) -> (i32, i32) {
    %c0_i32 = arith.constant 0 : i32
    %c0_i32_0 = arith.constant 0 : i32
    return %arg0, %c0_i32 : i32, i32
  }
  func.func @transform_3(%arg0: i32) -> (i32, i32) {
    %c0_i32 = arith.constant 0 : i32
    %c0_i32_0 = arith.constant 0 : i32
    return %arg0, %c0_i32 : i32, i32
  }
  func.func @transform_4(%arg0: i32) -> (i32, i32) {
    %c0_i32 = arith.constant 0 : i32
    %c0_i32_0 = arith.constant 0 : i32
    return %arg0, %c0_i32 : i32, i32
  }
  func.func @transform_5(%arg0: i32) -> (i32, i32) {
    %c0_i32 = arith.constant 0 : i32
    %c0_i32_0 = arith.constant 0 : i32
    %c0_i32_1 = arith.constant 0 : i32
    return %c0_i32, %c0_i32_0 : i32, i32
  }
  func.func @transform_6(%arg0: i32) -> (i32, i32) {
    %c0_i32 = arith.constant 0 : i32
    %c0_i32_0 = arith.constant 0 : i32
    %c0_i32_1 = arith.constant 0 : i32
    return %c0_i32, %c0_i32_0 : i32, i32
  }
  func.func @transform_7(%arg0: i32) -> (i32, i32) {
    %c0_i32 = arith.constant 0 : i32
    %c0_i32_0 = arith.constant 0 : i32
    %c0_i32_1 = arith.constant 0 : i32
    return %c0_i32, %c0_i32_0 : i32, i32
  }
  func.func @transform_8(%arg0: i32) -> (i32, i32) {
    %c0_i32 = arith.constant 0 : i32
    %c0_i32_0 = arith.constant 0 : i32
    %c0_i32_1 = arith.constant 0 : i32
    return %c0_i32, %c0_i32_0 : i32, i32
  }
  func.func @transform_9(%arg0: i32) -> (i32, i32) {
    %c0_i32 = arith.constant 0 : i32
    %c0_i32_0 = arith.constant 0 : i32
    %c0_i32_1 = arith.constant 0 : i32
    return %c0_i32, %c0_i32_0 : i32, i32
  }
  func.func @transform_10(%arg0: i32) -> (i32, i32) {
    %c0_i32 = arith.constant 0 : i32
    %c0_i32_0 = arith.constant 0 : i32
    %c0_i32_1 = arith.constant 0 : i32
    return %c0_i32, %c0_i32_0 : i32, i32
  }
  func.func @transform_11(%arg0: i32) -> (i32, i32) {
    %c0_i32 = arith.constant 0 : i32
    %c0_i32_0 = arith.constant 0 : i32
    %c0_i32_1 = arith.constant 0 : i32
    return %c0_i32, %c0_i32_0 : i32, i32
  }
  func.func @transform_12(%arg0: i32) -> (i32, i32) {
    %c0_i32 = arith.constant 0 : i32
    %c0_i32_0 = arith.constant 0 : i32
    %c0_i32_1 = arith.constant 0 : i32
    return %c0_i32, %c0_i32_0 : i32, i32
  }
  func.func @transform_13(%arg0: i32) -> (i32, i32) {
    %c0_i32 = arith.constant 0 : i32
    %c0_i32_0 = arith.constant 0 : i32
    %c0_i32_1 = arith.constant 0 : i32
    return %c0_i32, %c0_i32_0 : i32, i32
  }
  func.func @transform_14(%arg0: i32) -> (i32, i32) {
    %c0_i32 = arith.constant 0 : i32
    %c0_i32_0 = arith.constant 0 : i32
    %c0_i32_1 = arith.constant 0 : i32
    return %c0_i32, %c0_i32_0 : i32, i32
  }
  func.func @transform_15(%arg0: i32) -> (i32, i32) {
    %c0_i32 = arith.constant 0 : i32
    %c0_i32_0 = arith.constant 0 : i32
    %c0_i32_1 = arith.constant 0 : i32
    return %c0_i32, %c0_i32_0 : i32, i32
  }
  func.func @transform_16(%arg0: i32) -> (i32, i32) {
    %c0_i32 = arith.constant 0 : i32
    %c0_i32_0 = arith.constant 0 : i32
    %c0_i32_1 = arith.constant 0 : i32
    return %c0_i32, %c0_i32_0 : i32, i32
  }
  func.func @transform_17(%arg0: i32) -> (i32, i32) {
    %c0_i32 = arith.constant 0 : i32
    %c0_i32_0 = arith.constant 0 : i32
    %c0_i32_1 = arith.constant 0 : i32
    return %c0_i32, %c0_i32_0 : i32, i32
  }
  func.func @transform_18(%arg0: i32) -> (i32, i32) {
    %c0_i32 = arith.constant 0 : i32
    %c0_i32_0 = arith.constant 0 : i32
    %c0_i32_1 = arith.constant 0 : i32
    return %c0_i32, %c0_i32_0 : i32, i32
  }
  func.func @transform_19(%arg0: i32) -> (i32, i32) {
    %c0_i32 = arith.constant 0 : i32
    %c0_i32_0 = arith.constant 0 : i32
    %c0_i32_1 = arith.constant 0 : i32
    return %c0_i32, %c0_i32_0 : i32, i32
  }
  func.func @transform_20(%arg0: i32) -> (i32, i32) {
    %c0_i32 = arith.constant 0 : i32
    %c0_i32_0 = arith.constant 0 : i32
    %c0_i32_1 = arith.constant 0 : i32
    return %c0_i32, %c0_i32_0 : i32, i32
  }
  func.func @transform_21(%arg0: i32) -> (i32, i32) {
    %c0_i32 = arith.constant 0 : i32
    %c0_i32_0 = arith.constant 0 : i32
    %c0_i32_1 = arith.constant 0 : i32
    return %c0_i32, %c0_i32_0 : i32, i32
  }
  func.func @transform_22(%arg0: i32) -> (i32, i32) {
    %c0_i32 = arith.constant 0 : i32
    %c0_i32_0 = arith.constant 0 : i32
    %c0_i32_1 = arith.constant 0 : i32
    return %c0_i32, %c0_i32_0 : i32, i32
  }
  func.func @transform_23(%arg0: i32) -> (i32, i32) {
    %c0_i32 = arith.constant 0 : i32
    %c0_i32_0 = arith.constant 0 : i32
    %c0_i32_1 = arith.constant 0 : i32
    return %c0_i32, %c0_i32_0 : i32, i32
  }
  func.func @transform_24(%arg0: i32) -> (i32, i32) {
    %c0_i32 = arith.constant 0 : i32
    %c0_i32_0 = arith.constant 0 : i32
    %c0_i32_1 = arith.constant 0 : i32
    return %c0_i32, %c0_i32_0 : i32, i32
  }
  func.func @transform_25(%arg0: i32) -> (i32, i32) {
    %c0_i32 = arith.constant 0 : i32
    %c0_i32_0 = arith.constant 0 : i32
    %c0_i32_1 = arith.constant 0 : i32
    return %c0_i32, %c0_i32_0 : i32, i32
  }
  func.func @transform_26(%arg0: i32) -> (i32, i32) {
    %c0_i32 = arith.constant 0 : i32
    %c0_i32_0 = arith.constant 0 : i32
    %c0_i32_1 = arith.constant 0 : i32
    return %c0_i32, %c0_i32_0 : i32, i32
  }
  func.func @transform_27(%arg0: i32) -> (i32, i32) {
    %c0_i32 = arith.constant 0 : i32
    %c0_i32_0 = arith.constant 0 : i32
    %c0_i32_1 = arith.constant 0 : i32
    return %c0_i32, %c0_i32_0 : i32, i32
  }
  func.func @transform_28(%arg0: i32) -> (i32, i32) {
    %c0_i32 = arith.constant 0 : i32
    %c0_i32_0 = arith.constant 0 : i32
    %c0_i32_1 = arith.constant 0 : i32
    return %c0_i32, %c0_i32_0 : i32, i32
  }
  func.func @transform_29(%arg0: i32) -> (i32, i32) {
    %c0_i32 = arith.constant 0 : i32
    %c0_i32_0 = arith.constant 0 : i32
    %c0_i32_1 = arith.constant 0 : i32
    return %c0_i32, %c0_i32_0 : i32, i32
  }
  func.func @transform_30(%arg0: i32) -> (i32, i32) {
    %c0_i32 = arith.constant 0 : i32
    %c0_i32_0 = arith.constant 0 : i32
    %c0_i32_1 = arith.constant 0 : i32
    return %c0_i32, %c0_i32_0 : i32, i32
  }
  func.func @transform_31(%arg0: i32) -> (i32, i32) {
    %c0_i32 = arith.constant 0 : i32
    %c0_i32_0 = arith.constant 0 : i32
    %c0_i32_1 = arith.constant 0 : i32
    return %c0_i32, %c0_i32_0 : i32, i32
  }
  func.func @transform_32(%arg0: i32) -> (i32, i32) {
    %c0_i32 = arith.constant 0 : i32
    %c0_i32_0 = arith.constant 0 : i32
    %c0_i32_1 = arith.constant 0 : i32
    return %c0_i32, %c0_i32_0 : i32, i32
  }
  func.func @transform_33(%arg0: i32) -> (i32, i32) {
    %c0_i32 = arith.constant 0 : i32
    %c0_i32_0 = arith.constant 0 : i32
    %c0_i32_1 = arith.constant 0 : i32
    return %c0_i32, %c0_i32_0 : i32, i32
  }
  func.func @transform_34(%arg0: i32) -> (i32, i32) {
    %c0_i32 = arith.constant 0 : i32
    %c0_i32_0 = arith.constant 0 : i32
    %c0_i32_1 = arith.constant 0 : i32
    return %c0_i32, %c0_i32_0 : i32, i32
  }
  func.func @transform_35(%arg0: i32) -> (i32, i32) {
    %c0_i32 = arith.constant 0 : i32
    %c0_i32_0 = arith.constant 0 : i32
    %c0_i32_1 = arith.constant 0 : i32
    return %c0_i32, %c0_i32_0 : i32, i32
  }
  func.func @transform_36(%arg0: i32) -> (i32, i32) {
    %c0_i32 = arith.constant 0 : i32
    %c0_i32_0 = arith.constant 0 : i32
    return %arg0, %c0_i32 : i32, i32
  }
  func.func @transform_37(%arg0: i32) -> (i32, i32) {
    %c0_i32 = arith.constant 0 : i32
    %c0_i32_0 = arith.constant 0 : i32
    return %arg0, %c0_i32 : i32, i32
  }
}

module attributes {stable_mosaic.version = 14 : i64} {
  func.func @_attn_body(%arg0: i32, %arg1: memref<128x256xf32, #tpu.memory_space<vmem>>, %arg2: memref<128x16xf32, #tpu.memory_space<vmem>>, %arg3: memref<128x16xf32, #tpu.memory_space<vmem>>, %arg4: memref<128x16xf32, #tpu.memory_space<vmem>>, %arg5: memref<2048x512xf32, #tpu.memory_space<vmem>>, %arg6: memref<256x256xf32, #tpu.memory_space<vmem>>, %arg7: memref<1x256xf32, #tpu.memory_space<vmem>>, %arg8: memref<1x256xf32, #tpu.memory_space<vmem>>, %arg9: memref<1x256xf32, #tpu.memory_space<vmem>>, %arg10: memref<48x4096xf32, #tpu.memory_space<vmem>>, %arg11: memref<1x256xf32, #tpu.memory_space<vmem>>, %arg12: memref<1x256xf32, #tpu.memory_space<vmem>>, %arg13: memref<1x256xf32, #tpu.memory_space<vmem>>, %arg14: memref<256x256xf32, #tpu.memory_space<vmem>>, %arg15: memref<1x256xf32, #tpu.memory_space<vmem>>, %arg16: memref<16x256xf32, #tpu.memory_space<vmem>>, %arg17: memref<1x16xf32, #tpu.memory_space<vmem>>, %arg18: memref<1x16xf32, #tpu.memory_space<vmem>>, %arg19: memref<1x16xf32, #tpu.memory_space<vmem>>, %arg20: memref<16x16xf32, #tpu.memory_space<vmem>>, %arg21: memref<1x16xf32, #tpu.memory_space<vmem>>, %arg22: memref<16x256xf32, #tpu.memory_space<vmem>>, %arg23: memref<1x256xf32, #tpu.memory_space<vmem>>, %arg24: memref<1x256xf32, #tpu.memory_space<vmem>>, %arg25: memref<256x256xf32, #tpu.memory_space<vmem>>, %arg26: memref<1x256xf32, #tpu.memory_space<vmem>>, %arg27: memref<256x256xf32, #tpu.memory_space<vmem>>, %arg28: memref<1x256xf32, #tpu.memory_space<vmem>>, %arg29: memref<1x256xf32, #tpu.memory_space<vmem>>, %arg30: memref<1x256xf32, #tpu.memory_space<vmem>>, %arg31: memref<128x256xf32, #tpu.memory_space<vmem>>) attributes {dimension_semantics = [#tpu.dimension_semantics<arbitrary>], iteration_bounds = array<i64: 79>, scalar_prefetch = 0 : i64, scratch_operands = 0 : i64, tpu.core_type = #tpu.core_type<tc>, window_params = [{transform_indices = @transform_0, window_bounds = array<i64: 128, 256>}, {transform_indices = @transform_1, window_bounds = array<i64: 128, 16>}, {transform_indices = @transform_2, window_bounds = array<i64: 128, 16>}, {transform_indices = @transform_3, window_bounds = array<i64: 128, 16>}, {transform_indices = @transform_4, window_bounds = array<i64: 2048, 512>}, {pipeline_mode = #tpu.pipeline_mode<synchronous>, transform_indices = @transform_5, window_bounds = array<i64: 256, 256>}, {pipeline_mode = #tpu.pipeline_mode<synchronous>, transform_indices = @transform_6, window_bounds = array<i64: 1, 256>}, {pipeline_mode = #tpu.pipeline_mode<synchronous>, transform_indices = @transform_7, window_bounds = array<i64: 1, 256>}, {pipeline_mode = #tpu.pipeline_mode<synchronous>, transform_indices = @transform_8, window_bounds = array<i64: 1, 256>}, {pipeline_mode = #tpu.pipeline_mode<synchronous>, transform_indices = @transform_9, window_bounds = array<i64: 48, 4096>}, {pipeline_mode = #tpu.pipeline_mode<synchronous>, transform_indices = @transform_10, window_bounds = array<i64: 1, 256>}, {pipeline_mode = #tpu.pipeline_mode<synchronous>, transform_indices = @transform_11, window_bounds = array<i64: 1, 256>}, {pipeline_mode = #tpu.pipeline_mode<synchronous>, transform_indices = @transform_12, window_bounds = array<i64: 1, 256>}, {pipeline_mode = #tpu.pipeline_mode<synchronous>, transform_indices = @transform_13, window_bounds = array<i64: 256, 256>}, {pipeline_mode = #tpu.pipeline_mode<synchronous>, transform_indices = @transform_14, window_bounds = array<i64: 1, 256>}, {pipeline_mode = #tpu.pipeline_mode<synchronous>, transform_indices = @transform_15, window_bounds = array<i64: 16, 256>}, {pipeline_mode = #tpu.pipeline_mode<synchronous>, transform_indices = @transform_16, window_bounds = array<i64: 1, 16>}, {pipeline_mode = #tpu.pipeline_mode<synchronous>, transform_indices = @transform_17, window_bounds = array<i64: 1, 16>}, {pipeline_mode = #tpu.pipeline_mode<synchronous>, transform_indices = @transform_18, window_bounds = array<i64: 1, 16>}, {pipeline_mode = #tpu.pipeline_mode<synchronous>, transform_indices = @transform_19, window_bounds = array<i64: 16, 16>}, {pipeline_mode = #tpu.pipeline_mode<synchronous>, transform_indices = @transform_20, window_bounds = array<i64: 1, 16>}, {pipeline_mode = #tpu.pipeline_mode<synchronous>, transform_indices = @transform_21, window_bounds = array<i64: 16, 256>}, {pipeline_mode = #tpu.pipeline_mode<synchronous>, transform_indices = @transform_22, window_bounds = array<i64: 1, 256>}, {pipeline_mode = #tpu.pipeline_mode<synchronous>, transform_indices = @transform_23, window_bounds = array<i64: 1, 256>}, {pipeline_mode = #tpu.pipeline_mode<synchronous>, transform_indices = @transform_24, window_bounds = array<i64: 256, 256>}, {pipeline_mode = #tpu.pipeline_mode<synchronous>, transform_indices = @transform_25, window_bounds = array<i64: 1, 256>}, {pipeline_mode = #tpu.pipeline_mode<synchronous>, transform_indices = @transform_26, window_bounds = array<i64: 256, 256>}, {pipeline_mode = #tpu.pipeline_mode<synchronous>, transform_indices = @transform_27, window_bounds = array<i64: 1, 256>}, {pipeline_mode = #tpu.pipeline_mode<synchronous>, transform_indices = @transform_28, window_bounds = array<i64: 1, 256>}, {pipeline_mode = #tpu.pipeline_mode<synchronous>, transform_indices = @transform_29, window_bounds = array<i64: 1, 256>}, {transform_indices = @transform_30, window_bounds = array<i64: 128, 256>}]} {
    %get3A = arith.constant 0 : index
    %get3A_0 = arith.constant 0 : index
    %get3A_1 = vector.load %arg1[%get3A, %get3A_0] : memref<128x256xf32, #tpu.memory_space<vmem>>, vector<128x256xf32>
    %get3A_2 = arith.constant 0 : index
    %get3A_3 = arith.constant 0 : index
    %get3A_4 = vector.load %arg6[%get3A_2, %get3A_3] : memref<256x256xf32, #tpu.memory_space<vmem>>, vector<256x256xf32>
    %dot_general3A = arith.constant dense<0.000000e+00> : vector<128x256xf32>
    %dot_general3A_5 = tpu.matmul %get3A_1, %get3A_4, %dot_general3A {dimension_numbers = #tpu.dot_dimension_numbers<[1], [1], [0], [0], [0, 0, 1, 0], [], []>, transpose_lhs_hint = false} : vector<128x256xf32>, vector<256x256xf32>, vector<128x256xf32> -> vector<128x256xf32>
    %get3A_6 = arith.constant 0 : index
    %get3A_7 = arith.constant 0 : index
    %get3A_8 = vector.load %arg7[%get3A_6, %get3A_7] : memref<1x256xf32, #tpu.memory_space<vmem>>, vector<1x256xf32>
    %add3A = vector.broadcast %get3A_8 : vector<1x256xf32> to vector<128x256xf32>
    %add3A_9 = arith.addf %dot_general3A_5, %add3A : vector<128x256xf32>
    %get3A_10 = arith.constant 0 : index
    %get3A_11 = arith.constant 0 : index
    %get3A_12 = vector.load %arg8[%get3A_10, %get3A_11] : memref<1x256xf32, #tpu.memory_space<vmem>>, vector<1x256xf32>
    %get3A_13 = arith.constant 0 : index
    %get3A_14 = arith.constant 0 : index
    %get3A_15 = vector.load %arg9[%get3A_13, %get3A_14] : memref<1x256xf32, #tpu.memory_space<vmem>>, vector<1x256xf32>
    %reduce_sum3A = arith.constant dense<0.000000e+00> : vector<128xf32>
    %reduce_sum3A_16 = vector.multi_reduction <add>, %add3A_9, %reduce_sum3A [1] : vector<128x256xf32> to vector<128xf32>
    %broadcast_in_dim3A = vector.shape_cast %reduce_sum3A_16 : vector<128xf32> to vector<128x1xf32>
    %div3A = arith.constant 2.560000e+02 : f32
    %div3A_17 = vector.broadcast %div3A : f32 to vector<128x1xf32>
    %div3A_18 = arith.divf %broadcast_in_dim3A, %div3A_17 : vector<128x1xf32>
    %sub3A = vector.broadcast %div3A_18 : vector<128x1xf32> to vector<128x256xf32>
    %sub3A_19 = arith.subf %add3A_9, %sub3A : vector<128x256xf32>
    %integer_pow3A = arith.mulf %sub3A_19, %sub3A_19 : vector<128x256xf32>
    %reduce_sum3A_20 = arith.constant dense<0.000000e+00> : vector<128xf32>
    %reduce_sum3A_21 = vector.multi_reduction <add>, %integer_pow3A, %reduce_sum3A_20 [1] : vector<128x256xf32> to vector<128xf32>
    %broadcast_in_dim3A_22 = vector.shape_cast %reduce_sum3A_21 : vector<128xf32> to vector<128x1xf32>
    %div3A_23 = arith.constant 2.560000e+02 : f32
    %div3A_24 = vector.broadcast %div3A_23 : f32 to vector<128x1xf32>
    %div3A_25 = arith.divf %broadcast_in_dim3A_22, %div3A_24 : vector<128x1xf32>
    %sub3A_26 = vector.broadcast %div3A_18 : vector<128x1xf32> to vector<128x256xf32>
    %sub3A_27 = arith.subf %add3A_9, %sub3A_26 : vector<128x256xf32>
    %add3A_28 = arith.constant 9.99999974E-6 : f32
    %add3A_29 = vector.broadcast %add3A_28 : f32 to vector<128x1xf32>
    %add3A_30 = arith.addf %div3A_25, %add3A_29 : vector<128x1xf32>
    %sqrt3A = math.sqrt %add3A_30 : vector<128x1xf32>
    %div3A_31 = vector.broadcast %sqrt3A : vector<128x1xf32> to vector<128x256xf32>
    %div3A_32 = arith.divf %sub3A_27, %div3A_31 : vector<128x256xf32>
    %mul3A = vector.broadcast %get3A_12 : vector<1x256xf32> to vector<128x256xf32>
    %mul3A_33 = arith.mulf %div3A_32, %mul3A : vector<128x256xf32>
    %add3A_34 = vector.broadcast %get3A_15 : vector<1x256xf32> to vector<128x256xf32>
    %add3A_35 = arith.addf %mul3A_33, %add3A_34 : vector<128x256xf32>
    %max3A = arith.constant 0.000000e+00 : f32
    %max3A_36 = vector.broadcast %max3A : f32 to vector<128x256xf32>
    %max3A_37 = arith.maximumf %add3A_35, %max3A_36 : vector<128x256xf32>
    %get3A_38 = arith.constant 0 : index
    %get3A_39 = arith.constant 0 : index
    %get3A_40 = vector.load %arg2[%get3A_38, %get3A_39] : memref<128x16xf32, #tpu.memory_space<vmem>>, vector<128x16xf32>
    %get3A_41 = arith.constant 0 : index
    %get3A_42 = arith.constant 0 : index
    %get3A_43 = vector.load %arg3[%get3A_41, %get3A_42] : memref<128x16xf32, #tpu.memory_space<vmem>>, vector<128x16xf32>
    %get3A_44 = arith.constant 0 : index
    %get3A_45 = arith.constant 0 : index
    %get3A_46 = vector.load %arg4[%get3A_44, %get3A_45] : memref<128x16xf32, #tpu.memory_space<vmem>>, vector<128x16xf32>
    %concatenate3A = tpu.concatenate %get3A_40, %get3A_43, %get3A_46 in 1 : vector<128x16xf32>, vector<128x16xf32>, vector<128x16xf32> -> vector<128x48xf32>
    %get3A_47 = arith.constant 0 : index
    %get3A_48 = arith.constant 0 : index
    %get3A_49 = vector.load %arg10[%get3A_47, %get3A_48] : memref<48x4096xf32, #tpu.memory_space<vmem>>, vector<48x4096xf32>
    %dot_general3A_50 = arith.constant dense<0.000000e+00> : vector<128x4096xf32>
    %dot_general3A_51 = tpu.matmul %concatenate3A, %get3A_49, %dot_general3A_50 {dimension_numbers = #tpu.dot_dimension_numbers<[1], [0], [0], [1], [0, 0, 1, 1], [], []>, transpose_lhs_hint = false} : vector<128x48xf32>, vector<48x4096xf32>, vector<128x4096xf32> -> vector<128x4096xf32>
    %reshape3A = vector.shape_cast %dot_general3A_51 : vector<128x4096xf32> to vector<2048x256xf32>
    %get3A_52 = arith.constant 0 : index
    %get3A_53 = arith.constant 0 : index
    %get3A_54 = vector.load %arg11[%get3A_52, %get3A_53] : memref<1x256xf32, #tpu.memory_space<vmem>>, vector<1x256xf32>
    %add3A_55 = vector.broadcast %get3A_54 : vector<1x256xf32> to vector<2048x256xf32>
    %add3A_56 = arith.addf %reshape3A, %add3A_55 : vector<2048x256xf32>
    %get3A_57 = arith.constant 0 : index
    %get3A_58 = arith.constant 0 : index
    %get3A_59 = vector.load %arg12[%get3A_57, %get3A_58] : memref<1x256xf32, #tpu.memory_space<vmem>>, vector<1x256xf32>
    %get3A_60 = arith.constant 0 : index
    %get3A_61 = arith.constant 0 : index
    %get3A_62 = vector.load %arg13[%get3A_60, %get3A_61] : memref<1x256xf32, #tpu.memory_space<vmem>>, vector<1x256xf32>
    %reduce_sum3A_63 = arith.constant dense<0.000000e+00> : vector<2048xf32>
    %reduce_sum3A_64 = vector.multi_reduction <add>, %add3A_56, %reduce_sum3A_63 [1] : vector<2048x256xf32> to vector<2048xf32>
    %broadcast_in_dim3A_65 = vector.shape_cast %reduce_sum3A_64 : vector<2048xf32> to vector<2048x1xf32>
    %div3A_66 = arith.constant 2.560000e+02 : f32
    %div3A_67 = vector.broadcast %div3A_66 : f32 to vector<2048x1xf32>
    %div3A_68 = arith.divf %broadcast_in_dim3A_65, %div3A_67 : vector<2048x1xf32>
    %sub3A_69 = vector.broadcast %div3A_68 : vector<2048x1xf32> to vector<2048x256xf32>
    %sub3A_70 = arith.subf %add3A_56, %sub3A_69 : vector<2048x256xf32>
    %integer_pow3A_71 = arith.mulf %sub3A_70, %sub3A_70 : vector<2048x256xf32>
    %reduce_sum3A_72 = arith.constant dense<0.000000e+00> : vector<2048xf32>
    %reduce_sum3A_73 = vector.multi_reduction <add>, %integer_pow3A_71, %reduce_sum3A_72 [1] : vector<2048x256xf32> to vector<2048xf32>
    %broadcast_in_dim3A_74 = vector.shape_cast %reduce_sum3A_73 : vector<2048xf32> to vector<2048x1xf32>
    %div3A_75 = arith.constant 2.560000e+02 : f32
    %div3A_76 = vector.broadcast %div3A_75 : f32 to vector<2048x1xf32>
    %div3A_77 = arith.divf %broadcast_in_dim3A_74, %div3A_76 : vector<2048x1xf32>
    %sub3A_78 = vector.broadcast %div3A_68 : vector<2048x1xf32> to vector<2048x256xf32>
    %sub3A_79 = arith.subf %add3A_56, %sub3A_78 : vector<2048x256xf32>
    %add3A_80 = arith.constant 9.99999974E-6 : f32
    %add3A_81 = vector.broadcast %add3A_80 : f32 to vector<2048x1xf32>
    %add3A_82 = arith.addf %div3A_77, %add3A_81 : vector<2048x1xf32>
    %sqrt3A_83 = math.sqrt %add3A_82 : vector<2048x1xf32>
    %div3A_84 = vector.broadcast %sqrt3A_83 : vector<2048x1xf32> to vector<2048x256xf32>
    %div3A_85 = arith.divf %sub3A_79, %div3A_84 : vector<2048x256xf32>
    %mul3A_86 = vector.broadcast %get3A_59 : vector<1x256xf32> to vector<2048x256xf32>
    %mul3A_87 = arith.mulf %div3A_85, %mul3A_86 : vector<2048x256xf32>
    %add3A_88 = vector.broadcast %get3A_62 : vector<1x256xf32> to vector<2048x256xf32>
    %add3A_89 = arith.addf %mul3A_87, %add3A_88 : vector<2048x256xf32>
    %max3A_90 = arith.constant 0.000000e+00 : f32
    %max3A_91 = vector.broadcast %max3A_90 : f32 to vector<2048x256xf32>
    %max3A_92 = arith.maximumf %add3A_89, %max3A_91 : vector<2048x256xf32>
    %get3A_93 = arith.constant 0 : index
    %get3A_94 = arith.constant 0 : index
    %get3A_95 = vector.load %arg14[%get3A_93, %get3A_94] : memref<256x256xf32, #tpu.memory_space<vmem>>, vector<256x256xf32>
    %dot_general3A_96 = arith.constant dense<0.000000e+00> : vector<2048x256xf32>
    %dot_general3A_97 = tpu.matmul %max3A_92, %get3A_95, %dot_general3A_96 {dimension_numbers = #tpu.dot_dimension_numbers<[1], [1], [0], [0], [0, 0, 1, 0], [], []>, transpose_lhs_hint = false} : vector<2048x256xf32>, vector<256x256xf32>, vector<2048x256xf32> -> vector<2048x256xf32>
    %get3A_98 = arith.constant 0 : index
    %get3A_99 = arith.constant 0 : index
    %get3A_100 = vector.load %arg15[%get3A_98, %get3A_99] : memref<1x256xf32, #tpu.memory_space<vmem>>, vector<1x256xf32>
    %add3A_101 = vector.broadcast %get3A_100 : vector<1x256xf32> to vector<2048x256xf32>
    %add3A_102 = arith.addf %dot_general3A_97, %add3A_101 : vector<2048x256xf32>
    %get3A_103 = arith.constant 0 : index
    %get3A_104 = arith.constant 0 : index
    %get3A_105 = vector.load %arg5[%get3A_103, %get3A_104] : memref<2048x512xf32, #tpu.memory_space<vmem>>, vector<2048x512xf32>
    %reshape3A_106 = vector.shape_cast %max3A_37 : vector<128x256xf32> to vector<128x1x256xf32>
    %broadcast_in_dim3A_107 = vector.shape_cast %reshape3A_106 : vector<128x1x256xf32> to vector<128x1x256xf32>
    %broadcast_in_dim3A_108 = vector.broadcast %broadcast_in_dim3A_107 : vector<128x1x256xf32> to vector<128x16x256xf32>
    %reshape3A_109 = vector.shape_cast %broadcast_in_dim3A_108 : vector<128x16x256xf32> to vector<2048x256xf32>
    %slice3A = vector.extract_strided_slice %get3A_105 {offsets = [0, 0], sizes = [2048, 256], strides = [1, 1]} : vector<2048x512xf32> to vector<2048x256xf32>
    %sub3A_110 = arith.subf %slice3A, %reshape3A_109 : vector<2048x256xf32>
    %add3A_111 = arith.addf %sub3A_110, %add3A_102 : vector<2048x256xf32>
    %get3A_112 = arith.constant 0 : index
    %get3A_113 = arith.constant 0 : index
    %get3A_114 = vector.load %arg16[%get3A_112, %get3A_113] : memref<16x256xf32, #tpu.memory_space<vmem>>, vector<16x256xf32>
    %dot_general3A_115 = arith.constant dense<0.000000e+00> : vector<2048x16xf32>
    %dot_general3A_116 = tpu.matmul %add3A_111, %get3A_114, %dot_general3A_115 {dimension_numbers = #tpu.dot_dimension_numbers<[1], [1], [0], [0], [0, 0, 1, 0], [], []>, transpose_lhs_hint = false} : vector<2048x256xf32>, vector<16x256xf32>, vector<2048x16xf32> -> vector<2048x16xf32>
    %get3A_117 = arith.constant 0 : index
    %get3A_118 = arith.constant 0 : index
    %get3A_119 = vector.load %arg17[%get3A_117, %get3A_118] : memref<1x16xf32, #tpu.memory_space<vmem>>, vector<1x16xf32>
    %add3A_120 = vector.broadcast %get3A_119 : vector<1x16xf32> to vector<2048x16xf32>
    %add3A_121 = arith.addf %dot_general3A_116, %add3A_120 : vector<2048x16xf32>
    %get3A_122 = arith.constant 0 : index
    %get3A_123 = arith.constant 0 : index
    %get3A_124 = vector.load %arg18[%get3A_122, %get3A_123] : memref<1x16xf32, #tpu.memory_space<vmem>>, vector<1x16xf32>
    %get3A_125 = arith.constant 0 : index
    %get3A_126 = arith.constant 0 : index
    %get3A_127 = vector.load %arg19[%get3A_125, %get3A_126] : memref<1x16xf32, #tpu.memory_space<vmem>>, vector<1x16xf32>
    %reduce_sum3A_128 = arith.constant dense<0.000000e+00> : vector<2048xf32>
    %reduce_sum3A_129 = vector.multi_reduction <add>, %add3A_121, %reduce_sum3A_128 [1] : vector<2048x16xf32> to vector<2048xf32>
    %broadcast_in_dim3A_130 = vector.shape_cast %reduce_sum3A_129 : vector<2048xf32> to vector<2048x1xf32>
    %div3A_131 = arith.constant 1.600000e+01 : f32
    %div3A_132 = vector.broadcast %div3A_131 : f32 to vector<2048x1xf32>
    %div3A_133 = arith.divf %broadcast_in_dim3A_130, %div3A_132 : vector<2048x1xf32>
    %sub3A_134 = vector.broadcast %div3A_133 : vector<2048x1xf32> to vector<2048x16xf32>
    %sub3A_135 = arith.subf %add3A_121, %sub3A_134 : vector<2048x16xf32>
    %integer_pow3A_136 = arith.mulf %sub3A_135, %sub3A_135 : vector<2048x16xf32>
    %reduce_sum3A_137 = arith.constant dense<0.000000e+00> : vector<2048xf32>
    %reduce_sum3A_138 = vector.multi_reduction <add>, %integer_pow3A_136, %reduce_sum3A_137 [1] : vector<2048x16xf32> to vector<2048xf32>
    %broadcast_in_dim3A_139 = vector.shape_cast %reduce_sum3A_138 : vector<2048xf32> to vector<2048x1xf32>
    %div3A_140 = arith.constant 1.600000e+01 : f32
    %div3A_141 = vector.broadcast %div3A_140 : f32 to vector<2048x1xf32>
    %div3A_142 = arith.divf %broadcast_in_dim3A_139, %div3A_141 : vector<2048x1xf32>
    %sub3A_143 = vector.broadcast %div3A_133 : vector<2048x1xf32> to vector<2048x16xf32>
    %sub3A_144 = arith.subf %add3A_121, %sub3A_143 : vector<2048x16xf32>
    %add3A_145 = arith.constant 9.99999974E-6 : f32
    %add3A_146 = vector.broadcast %add3A_145 : f32 to vector<2048x1xf32>
    %add3A_147 = arith.addf %div3A_142, %add3A_146 : vector<2048x1xf32>
    %sqrt3A_148 = math.sqrt %add3A_147 : vector<2048x1xf32>
    %div3A_149 = vector.broadcast %sqrt3A_148 : vector<2048x1xf32> to vector<2048x16xf32>
    %div3A_150 = arith.divf %sub3A_144, %div3A_149 : vector<2048x16xf32>
    %mul3A_151 = vector.broadcast %get3A_124 : vector<1x16xf32> to vector<2048x16xf32>
    %mul3A_152 = arith.mulf %div3A_150, %mul3A_151 : vector<2048x16xf32>
    %add3A_153 = vector.broadcast %get3A_127 : vector<1x16xf32> to vector<2048x16xf32>
    %add3A_154 = arith.addf %mul3A_152, %add3A_153 : vector<2048x16xf32>
    %max3A_155 = arith.constant 0.000000e+00 : f32
    %max3A_156 = vector.broadcast %max3A_155 : f32 to vector<2048x16xf32>
    %max3A_157 = arith.maximumf %add3A_154, %max3A_156 : vector<2048x16xf32>
    %get3A_158 = arith.constant 0 : index
    %get3A_159 = arith.constant 0 : index
    %get3A_160 = vector.load %arg20[%get3A_158, %get3A_159] : memref<16x16xf32, #tpu.memory_space<vmem>>, vector<16x16xf32>
    %dot_general3A_161 = arith.constant dense<0.000000e+00> : vector<2048x16xf32>
    %dot_general3A_162 = tpu.matmul %max3A_157, %get3A_160, %dot_general3A_161 {dimension_numbers = #tpu.dot_dimension_numbers<[1], [1], [0], [0], [0, 0, 1, 0], [], []>, transpose_lhs_hint = false} : vector<2048x16xf32>, vector<16x16xf32>, vector<2048x16xf32> -> vector<2048x16xf32>
    %get3A_163 = arith.constant 0 : index
    %get3A_164 = arith.constant 0 : index
    %get3A_165 = vector.load %arg21[%get3A_163, %get3A_164] : memref<1x16xf32, #tpu.memory_space<vmem>>, vector<1x16xf32>
    %add3A_166 = vector.broadcast %get3A_165 : vector<1x16xf32> to vector<2048x16xf32>
    %add3A_167 = arith.addf %dot_general3A_162, %add3A_166 : vector<2048x16xf32>
    %reshape3A_168 = vector.shape_cast %add3A_167 : vector<2048x16xf32> to vector<128x16x16xf32>
    %reduce_max3A = arith.constant dense<0xFF800000> : vector<128x16xf32>
    %reduce_max3A_169 = vector.multi_reduction <maximumf>, %reshape3A_168, %reduce_max3A [1] : vector<128x16x16xf32> to vector<128x16xf32>
    %broadcast_in_dim3A_170 = vector.shape_cast %reduce_max3A_169 : vector<128x16xf32> to vector<128x1x16xf32>
    %sub3A_171 = vector.broadcast %broadcast_in_dim3A_170 : vector<128x1x16xf32> to vector<128x16x16xf32>
    %sub3A_172 = arith.subf %reshape3A_168, %sub3A_171 : vector<128x16x16xf32>
    %exp3A = math.exp %sub3A_172 : vector<128x16x16xf32>
    %reduce_sum3A_173 = arith.constant dense<0.000000e+00> : vector<128x16xf32>
    %reduce_sum3A_174 = vector.multi_reduction <add>, %exp3A, %reduce_sum3A_173 [1] : vector<128x16x16xf32> to vector<128x16xf32>
    %broadcast_in_dim3A_175 = vector.shape_cast %reduce_sum3A_174 : vector<128x16xf32> to vector<128x1x16xf32>
    %div3A_176 = vector.broadcast %broadcast_in_dim3A_175 : vector<128x1x16xf32> to vector<128x16x16xf32>
    %div3A_177 = arith.divf %exp3A, %div3A_176 : vector<128x16x16xf32>
    %reshape3A_178 = vector.shape_cast %div3A_177 : vector<128x16x16xf32> to vector<2048x16xf32>
    %get3A_179 = arith.constant 0 : index
    %get3A_180 = arith.constant 0 : index
    %get3A_181 = vector.load %arg22[%get3A_179, %get3A_180] : memref<16x256xf32, #tpu.memory_space<vmem>>, vector<16x256xf32>
    %dot_general3A_182 = arith.constant dense<0.000000e+00> : vector<2048x256xf32>
    %dot_general3A_183 = tpu.matmul %reshape3A_178, %get3A_181, %dot_general3A_182 {dimension_numbers = #tpu.dot_dimension_numbers<[1], [0], [0], [1], [0, 0, 1, 1], [], []>, transpose_lhs_hint = false} : vector<2048x16xf32>, vector<16x256xf32>, vector<2048x256xf32> -> vector<2048x256xf32>
    %slice3A_184 = vector.extract_strided_slice %get3A_105 {offsets = [0, 256], sizes = [2048, 256], strides = [1, 1]} : vector<2048x512xf32> to vector<2048x256xf32>
    %add3A_185 = arith.addf %slice3A_184, %add3A_102 : vector<2048x256xf32>
    %mul3A_186 = arith.mulf %add3A_185, %dot_general3A_183 : vector<2048x256xf32>
    %reshape3A_187 = vector.shape_cast %mul3A_186 : vector<2048x256xf32> to vector<128x16x256xf32>
    %reduce_sum3A_188 = arith.constant dense<0.000000e+00> : vector<128x256xf32>
    %reduce_sum3A_189 = vector.multi_reduction <add>, %reshape3A_187, %reduce_sum3A_188 [1] : vector<128x16x256xf32> to vector<128x256xf32>
    %get3A_190 = arith.constant 0 : index
    %get3A_191 = arith.constant 0 : index
    %get3A_192 = vector.load %arg23[%get3A_190, %get3A_191] : memref<1x256xf32, #tpu.memory_space<vmem>>, vector<1x256xf32>
    %get3A_193 = arith.constant 0 : index
    %get3A_194 = arith.constant 0 : index
    %get3A_195 = vector.load %arg24[%get3A_193, %get3A_194] : memref<1x256xf32, #tpu.memory_space<vmem>>, vector<1x256xf32>
    %reduce_sum3A_196 = arith.constant dense<0.000000e+00> : vector<128xf32>
    %reduce_sum3A_197 = vector.multi_reduction <add>, %reduce_sum3A_189, %reduce_sum3A_196 [1] : vector<128x256xf32> to vector<128xf32>
    %broadcast_in_dim3A_198 = vector.shape_cast %reduce_sum3A_197 : vector<128xf32> to vector<128x1xf32>
    %div3A_199 = arith.constant 2.560000e+02 : f32
    %div3A_200 = vector.broadcast %div3A_199 : f32 to vector<128x1xf32>
    %div3A_201 = arith.divf %broadcast_in_dim3A_198, %div3A_200 : vector<128x1xf32>
    %sub3A_202 = vector.broadcast %div3A_201 : vector<128x1xf32> to vector<128x256xf32>
    %sub3A_203 = arith.subf %reduce_sum3A_189, %sub3A_202 : vector<128x256xf32>
    %integer_pow3A_204 = arith.mulf %sub3A_203, %sub3A_203 : vector<128x256xf32>
    %reduce_sum3A_205 = arith.constant dense<0.000000e+00> : vector<128xf32>
    %reduce_sum3A_206 = vector.multi_reduction <add>, %integer_pow3A_204, %reduce_sum3A_205 [1] : vector<128x256xf32> to vector<128xf32>
    %broadcast_in_dim3A_207 = vector.shape_cast %reduce_sum3A_206 : vector<128xf32> to vector<128x1xf32>
    %div3A_208 = arith.constant 2.560000e+02 : f32
    %div3A_209 = vector.broadcast %div3A_208 : f32 to vector<128x1xf32>
    %div3A_210 = arith.divf %broadcast_in_dim3A_207, %div3A_209 : vector<128x1xf32>
    %sub3A_211 = vector.broadcast %div3A_201 : vector<128x1xf32> to vector<128x256xf32>
    %sub3A_212 = arith.subf %reduce_sum3A_189, %sub3A_211 : vector<128x256xf32>
    %add3A_213 = arith.constant 9.99999974E-6 : f32
    %add3A_214 = vector.broadcast %add3A_213 : f32 to vector<128x1xf32>
    %add3A_215 = arith.addf %div3A_210, %add3A_214 : vector<128x1xf32>
    %sqrt3A_216 = math.sqrt %add3A_215 : vector<128x1xf32>
    %div3A_217 = vector.broadcast %sqrt3A_216 : vector<128x1xf32> to vector<128x256xf32>
    %div3A_218 = arith.divf %sub3A_212, %div3A_217 : vector<128x256xf32>
    %mul3A_219 = vector.broadcast %get3A_192 : vector<1x256xf32> to vector<128x256xf32>
    %mul3A_220 = arith.mulf %div3A_218, %mul3A_219 : vector<128x256xf32>
    %add3A_221 = vector.broadcast %get3A_195 : vector<1x256xf32> to vector<128x256xf32>
    %add3A_222 = arith.addf %mul3A_220, %add3A_221 : vector<128x256xf32>
    %add3A_223 = arith.addf %get3A_1, %add3A_222 : vector<128x256xf32>
    %get3A_224 = arith.constant 0 : index
    %get3A_225 = arith.constant 0 : index
    %get3A_226 = vector.load %arg25[%get3A_224, %get3A_225] : memref<256x256xf32, #tpu.memory_space<vmem>>, vector<256x256xf32>
    %dot_general3A_227 = arith.constant dense<0.000000e+00> : vector<128x256xf32>
    %dot_general3A_228 = tpu.matmul %add3A_223, %get3A_226, %dot_general3A_227 {dimension_numbers = #tpu.dot_dimension_numbers<[1], [1], [0], [0], [0, 0, 1, 0], [], []>, transpose_lhs_hint = false} : vector<128x256xf32>, vector<256x256xf32>, vector<128x256xf32> -> vector<128x256xf32>
    %get3A_229 = arith.constant 0 : index
    %get3A_230 = arith.constant 0 : index
    %get3A_231 = vector.load %arg26[%get3A_229, %get3A_230] : memref<1x256xf32, #tpu.memory_space<vmem>>, vector<1x256xf32>
    %add3A_232 = vector.broadcast %get3A_231 : vector<1x256xf32> to vector<128x256xf32>
    %add3A_233 = arith.addf %dot_general3A_228, %add3A_232 : vector<128x256xf32>
    %max3A_234 = arith.constant 0.000000e+00 : f32
    %max3A_235 = vector.broadcast %max3A_234 : f32 to vector<128x256xf32>
    %max3A_236 = arith.maximumf %add3A_233, %max3A_235 : vector<128x256xf32>
    %get3A_237 = arith.constant 0 : index
    %get3A_238 = arith.constant 0 : index
    %get3A_239 = vector.load %arg27[%get3A_237, %get3A_238] : memref<256x256xf32, #tpu.memory_space<vmem>>, vector<256x256xf32>
    %dot_general3A_240 = arith.constant dense<0.000000e+00> : vector<128x256xf32>
    %dot_general3A_241 = tpu.matmul %max3A_236, %get3A_239, %dot_general3A_240 {dimension_numbers = #tpu.dot_dimension_numbers<[1], [1], [0], [0], [0, 0, 1, 0], [], []>, transpose_lhs_hint = false} : vector<128x256xf32>, vector<256x256xf32>, vector<128x256xf32> -> vector<128x256xf32>
    %get3A_242 = arith.constant 0 : index
    %get3A_243 = arith.constant 0 : index
    %get3A_244 = vector.load %arg28[%get3A_242, %get3A_243] : memref<1x256xf32, #tpu.memory_space<vmem>>, vector<1x256xf32>
    %add3A_245 = vector.broadcast %get3A_244 : vector<1x256xf32> to vector<128x256xf32>
    %add3A_246 = arith.addf %dot_general3A_241, %add3A_245 : vector<128x256xf32>
    %get3A_247 = arith.constant 0 : index
    %get3A_248 = arith.constant 0 : index
    %get3A_249 = vector.load %arg29[%get3A_247, %get3A_248] : memref<1x256xf32, #tpu.memory_space<vmem>>, vector<1x256xf32>
    %get3A_250 = arith.constant 0 : index
    %get3A_251 = arith.constant 0 : index
    %get3A_252 = vector.load %arg30[%get3A_250, %get3A_251] : memref<1x256xf32, #tpu.memory_space<vmem>>, vector<1x256xf32>
    %reduce_sum3A_253 = arith.constant dense<0.000000e+00> : vector<128xf32>
    %reduce_sum3A_254 = vector.multi_reduction <add>, %add3A_246, %reduce_sum3A_253 [1] : vector<128x256xf32> to vector<128xf32>
    %broadcast_in_dim3A_255 = vector.shape_cast %reduce_sum3A_254 : vector<128xf32> to vector<128x1xf32>
    %div3A_256 = arith.constant 2.560000e+02 : f32
    %div3A_257 = vector.broadcast %div3A_256 : f32 to vector<128x1xf32>
    %div3A_258 = arith.divf %broadcast_in_dim3A_255, %div3A_257 : vector<128x1xf32>
    %sub3A_259 = vector.broadcast %div3A_258 : vector<128x1xf32> to vector<128x256xf32>
    %sub3A_260 = arith.subf %add3A_246, %sub3A_259 : vector<128x256xf32>
    %integer_pow3A_261 = arith.mulf %sub3A_260, %sub3A_260 : vector<128x256xf32>
    %reduce_sum3A_262 = arith.constant dense<0.000000e+00> : vector<128xf32>
    %reduce_sum3A_263 = vector.multi_reduction <add>, %integer_pow3A_261, %reduce_sum3A_262 [1] : vector<128x256xf32> to vector<128xf32>
    %broadcast_in_dim3A_264 = vector.shape_cast %reduce_sum3A_263 : vector<128xf32> to vector<128x1xf32>
    %div3A_265 = arith.constant 2.560000e+02 : f32
    %div3A_266 = vector.broadcast %div3A_265 : f32 to vector<128x1xf32>
    %div3A_267 = arith.divf %broadcast_in_dim3A_264, %div3A_266 : vector<128x1xf32>
    %sub3A_268 = vector.broadcast %div3A_258 : vector<128x1xf32> to vector<128x256xf32>
    %sub3A_269 = arith.subf %add3A_246, %sub3A_268 : vector<128x256xf32>
    %add3A_270 = arith.constant 9.99999974E-6 : f32
    %add3A_271 = vector.broadcast %add3A_270 : f32 to vector<128x1xf32>
    %add3A_272 = arith.addf %div3A_267, %add3A_271 : vector<128x1xf32>
    %sqrt3A_273 = math.sqrt %add3A_272 : vector<128x1xf32>
    %div3A_274 = vector.broadcast %sqrt3A_273 : vector<128x1xf32> to vector<128x256xf32>
    %div3A_275 = arith.divf %sub3A_269, %div3A_274 : vector<128x256xf32>
    %mul3A_276 = vector.broadcast %get3A_249 : vector<1x256xf32> to vector<128x256xf32>
    %mul3A_277 = arith.mulf %div3A_275, %mul3A_276 : vector<128x256xf32>
    %add3A_278 = vector.broadcast %get3A_252 : vector<1x256xf32> to vector<128x256xf32>
    %add3A_279 = arith.addf %mul3A_277, %add3A_278 : vector<128x256xf32>
    %add3A_280 = arith.addf %add3A_223, %add3A_279 : vector<128x256xf32>
    %max3A_281 = arith.constant 0.000000e+00 : f32
    %max3A_282 = vector.broadcast %max3A_281 : f32 to vector<128x256xf32>
    %max3A_283 = arith.maximumf %add3A_280, %max3A_282 : vector<128x256xf32>
    %swap3A = arith.constant 0 : index
    %swap3A_284 = arith.constant 0 : index
    %swap3A_285 = vector.load %arg31[%swap3A, %swap3A_284] : memref<128x256xf32, #tpu.memory_space<vmem>>, vector<128x256xf32>
    tpu.vector_store %arg31[%swap3A, %swap3A_284], %max3A_283 {strides = array<i32>} : memref<128x256xf32, #tpu.memory_space<vmem>>, vector<128x256xf32>,
    return
  }
  func.func @transform_0(%arg0: i32) -> (i32, i32) {
    %c0_i32 = arith.constant 0 : i32
    %c0_i32_0 = arith.constant 0 : i32
    return %arg0, %c0_i32 : i32, i32
  }
  func.func @transform_1(%arg0: i32) -> (i32, i32) {
    %c0_i32 = arith.constant 0 : i32
    %c0_i32_0 = arith.constant 0 : i32
    return %arg0, %c0_i32 : i32, i32
  }
  func.func @transform_2(%arg0: i32) -> (i32, i32) {
    %c0_i32 = arith.constant 0 : i32
    %c0_i32_0 = arith.constant 0 : i32
    return %arg0, %c0_i32 : i32, i32
  }
  func.func @transform_3(%arg0: i32) -> (i32, i32) {
    %c0_i32 = arith.constant 0 : i32
    %c0_i32_0 = arith.constant 0 : i32
    return %arg0, %c0_i32 : i32, i32
  }
  func.func @transform_4(%arg0: i32) -> (i32, i32) {
    %c0_i32 = arith.constant 0 : i32
    %c0_i32_0 = arith.constant 0 : i32
    return %arg0, %c0_i32 : i32, i32
  }
  func.func @transform_5(%arg0: i32) -> (i32, i32) {
    %c0_i32 = arith.constant 0 : i32
    %c0_i32_0 = arith.constant 0 : i32
    %c0_i32_1 = arith.constant 0 : i32
    return %c0_i32, %c0_i32_0 : i32, i32
  }
  func.func @transform_6(%arg0: i32) -> (i32, i32) {
    %c0_i32 = arith.constant 0 : i32
    %c0_i32_0 = arith.constant 0 : i32
    %c0_i32_1 = arith.constant 0 : i32
    return %c0_i32, %c0_i32_0 : i32, i32
  }
  func.func @transform_7(%arg0: i32) -> (i32, i32) {
    %c0_i32 = arith.constant 0 : i32
    %c0_i32_0 = arith.constant 0 : i32
    %c0_i32_1 = arith.constant 0 : i32
    return %c0_i32, %c0_i32_0 : i32, i32
  }
  func.func @transform_8(%arg0: i32) -> (i32, i32) {
    %c0_i32 = arith.constant 0 : i32
    %c0_i32_0 = arith.constant 0 : i32
    %c0_i32_1 = arith.constant 0 : i32
    return %c0_i32, %c0_i32_0 : i32, i32
  }
  func.func @transform_9(%arg0: i32) -> (i32, i32) {
    %c0_i32 = arith.constant 0 : i32
    %c0_i32_0 = arith.constant 0 : i32
    %c0_i32_1 = arith.constant 0 : i32
    return %c0_i32, %c0_i32_0 : i32, i32
  }
  func.func @transform_10(%arg0: i32) -> (i32, i32) {
    %c0_i32 = arith.constant 0 : i32
    %c0_i32_0 = arith.constant 0 : i32
    %c0_i32_1 = arith.constant 0 : i32
    return %c0_i32, %c0_i32_0 : i32, i32
  }
  func.func @transform_11(%arg0: i32) -> (i32, i32) {
    %c0_i32 = arith.constant 0 : i32
    %c0_i32_0 = arith.constant 0 : i32
    %c0_i32_1 = arith.constant 0 : i32
    return %c0_i32, %c0_i32_0 : i32, i32
  }
  func.func @transform_12(%arg0: i32) -> (i32, i32) {
    %c0_i32 = arith.constant 0 : i32
    %c0_i32_0 = arith.constant 0 : i32
    %c0_i32_1 = arith.constant 0 : i32
    return %c0_i32, %c0_i32_0 : i32, i32
  }
  func.func @transform_13(%arg0: i32) -> (i32, i32) {
    %c0_i32 = arith.constant 0 : i32
    %c0_i32_0 = arith.constant 0 : i32
    %c0_i32_1 = arith.constant 0 : i32
    return %c0_i32, %c0_i32_0 : i32, i32
  }
  func.func @transform_14(%arg0: i32) -> (i32, i32) {
    %c0_i32 = arith.constant 0 : i32
    %c0_i32_0 = arith.constant 0 : i32
    %c0_i32_1 = arith.constant 0 : i32
    return %c0_i32, %c0_i32_0 : i32, i32
  }
  func.func @transform_15(%arg0: i32) -> (i32, i32) {
    %c0_i32 = arith.constant 0 : i32
    %c0_i32_0 = arith.constant 0 : i32
    %c0_i32_1 = arith.constant 0 : i32
    return %c0_i32, %c0_i32_0 : i32, i32
  }
  func.func @transform_16(%arg0: i32) -> (i32, i32) {
    %c0_i32 = arith.constant 0 : i32
    %c0_i32_0 = arith.constant 0 : i32
    %c0_i32_1 = arith.constant 0 : i32
    return %c0_i32, %c0_i32_0 : i32, i32
  }
  func.func @transform_17(%arg0: i32) -> (i32, i32) {
    %c0_i32 = arith.constant 0 : i32
    %c0_i32_0 = arith.constant 0 : i32
    %c0_i32_1 = arith.constant 0 : i32
    return %c0_i32, %c0_i32_0 : i32, i32
  }
  func.func @transform_18(%arg0: i32) -> (i32, i32) {
    %c0_i32 = arith.constant 0 : i32
    %c0_i32_0 = arith.constant 0 : i32
    %c0_i32_1 = arith.constant 0 : i32
    return %c0_i32, %c0_i32_0 : i32, i32
  }
  func.func @transform_19(%arg0: i32) -> (i32, i32) {
    %c0_i32 = arith.constant 0 : i32
    %c0_i32_0 = arith.constant 0 : i32
    %c0_i32_1 = arith.constant 0 : i32
    return %c0_i32, %c0_i32_0 : i32, i32
  }
  func.func @transform_20(%arg0: i32) -> (i32, i32) {
    %c0_i32 = arith.constant 0 : i32
    %c0_i32_0 = arith.constant 0 : i32
    %c0_i32_1 = arith.constant 0 : i32
    return %c0_i32, %c0_i32_0 : i32, i32
  }
  func.func @transform_21(%arg0: i32) -> (i32, i32) {
    %c0_i32 = arith.constant 0 : i32
    %c0_i32_0 = arith.constant 0 : i32
    %c0_i32_1 = arith.constant 0 : i32
    return %c0_i32, %c0_i32_0 : i32, i32
  }
  func.func @transform_22(%arg0: i32) -> (i32, i32) {
    %c0_i32 = arith.constant 0 : i32
    %c0_i32_0 = arith.constant 0 : i32
    %c0_i32_1 = arith.constant 0 : i32
    return %c0_i32, %c0_i32_0 : i32, i32
  }
  func.func @transform_23(%arg0: i32) -> (i32, i32) {
    %c0_i32 = arith.constant 0 : i32
    %c0_i32_0 = arith.constant 0 : i32
    %c0_i32_1 = arith.constant 0 : i32
    return %c0_i32, %c0_i32_0 : i32, i32
  }
  func.func @transform_24(%arg0: i32) -> (i32, i32) {
    %c0_i32 = arith.constant 0 : i32
    %c0_i32_0 = arith.constant 0 : i32
    %c0_i32_1 = arith.constant 0 : i32
    return %c0_i32, %c0_i32_0 : i32, i32
  }
  func.func @transform_25(%arg0: i32) -> (i32, i32) {
    %c0_i32 = arith.constant 0 : i32
    %c0_i32_0 = arith.constant 0 : i32
    %c0_i32_1 = arith.constant 0 : i32
    return %c0_i32, %c0_i32_0 : i32, i32
  }
  func.func @transform_26(%arg0: i32) -> (i32, i32) {
    %c0_i32 = arith.constant 0 : i32
    %c0_i32_0 = arith.constant 0 : i32
    %c0_i32_1 = arith.constant 0 : i32
    return %c0_i32, %c0_i32_0 : i32, i32
  }
  func.func @transform_27(%arg0: i32) -> (i32, i32) {
    %c0_i32 = arith.constant 0 : i32
    %c0_i32_0 = arith.constant 0 : i32
    %c0_i32_1 = arith.constant 0 : i32
    return %c0_i32, %c0_i32_0 : i32, i32
  }
  func.func @transform_28(%arg0: i32) -> (i32, i32) {
    %c0_i32 = arith.constant 0 : i32
    %c0_i32_0 = arith.constant 0 : i32
    %c0_i32_1 = arith.constant 0 : i32
    return %c0_i32, %c0_i32_0 : i32, i32
  }
  func.func @transform_29(%arg0: i32) -> (i32, i32) {
    %c0_i32 = arith.constant 0 : i32
    %c0_i32_0 = arith.constant 0 : i32
    %c0_i32_1 = arith.constant 0 : i32
    return %c0_i32, %c0_i32_0 : i32, i32
  }
  func.func @transform_30(%arg0: i32) -> (i32, i32) {
    %c0_i32 = arith.constant 0 : i32
    %c0_i32_0 = arith.constant 0 : i32
    return %arg0, %c0_i32 : i32, i32
  }
}

</mosaic_0001>

<sc_bundles>
// kernel: kernel.12.cloned.1.call-start
scs
__scs_entry_jumppad:
0x0: {  	(pc) =	sbr.rel $0x88, $3  }
0x1: {  	(tag) =	ssettag $0x0;
	lr =	simm.s32 $0x1  }
0x2: {  	[smem:$0x3F63] =	sst lr;
	_ =	strace $0xD0000000  }
0x3: {  	_ = 	snop  }
0x4: {  	_ = 	snop  }
0x5: {  	_ = 	snop  }
0x6: {  	_ = 	snop  }
0x7: {  	_ = 	snop  }
__scs_overlays_trampoline_lowered:
0x8: {  	[smem:$0x3F72] =	sst s0  }
0x9: {  	[smem:$0x3F73] =	sst s1  }
0xa: {  	[smem:$0x3F74] =	sst s2  }
0xb: {  	[smem:$0x3F75] =	sst s3  }
0xc: {  	[smem:$0x3F76] =	sst s4  }
0xd: {  	[smem:$0x3F77] =	sst s5  }
0xe: {  	[smem:$0x3F78] =	sst s6  }
0xf: {  	[smem:$0x3F79] =	sst s7  }
0x10: {  	[smem:$0x3F7A] =	sst s8  }
0x11: {  	[smem:$0x3F7B] =	sst s9;
	s0 =	simm.s32 @!p0 $0x0  }
0x12: {  	s1 =	sld [smem:$0x3F61];
	s0 =	simm.s32 @p0 $0x1  }
0x13: {  	[smem:$0x3F7C] =	sst s0;
	s0 =	simm.s32 @!p1 $0x0  }
0x14: {  	s2 =	sld [smem:$0x3F60];
	s0 =	simm.s32 @p1 $0x1  }
0x15: {  	[smem:$0x3F7D] =	sst s0;
	s0 =	simm.s32 @!p2 $0x0  }
0x16: {  	s3 =	sld [smem:$0x3FDB];
	s0 =	simm.s32 @p2 $0x1  }
0x17: {  	s4 =	simm.s32 $0x1BF5;
	[smem:$0x3F7F] =	sst s0  }
0x18: {  	s0 =	sld [smem:$0x3F62];
	_ =	swait.ge [sflag:s4], $0x0  }
0x19: {  	s7 =	sld [smem:$0x3F63]  }
0x1a: {  	s8 =	sadd.s32 $0xFFFFE003, lr  }
0x1b: {  	s9 =	sadd.s32 $0xFFFFFEF7, lr;
	s5 =	simm.s32 $0xFFFFFFFF;
	p2 =	slt.u32 s8, $0xFFFFF086  }
0x1c: {  	p1 =	slt.u32 s9, $0xF7A;
	s5 =	simm.s32 @!p2 $0x0  }
0x1d: {  	s5 =	simm.s32 @p1 $0x1;
	p0 =	seq.s32 s7, s2  }
0x1e: {  	s7 =	smul.u32 @!p0 $0xF7A, s2;
	p2 =	seq.s32 @!p0 s5, $0x0  }
0x1f: {  	s9 =	smul.u32 $0xF7A, s1;
	s8 =	simm.s32 @!p0 $0x1BF5;
	p2 =	por !p2, p0  }
0x20: {  	[sflag:s8] =	ssyncset.s32 @!p0 $0xFFFFF086;
	s6 =	sadd.s32 @!p0 s3, s7;
	s7 =	simm.s32 @!p0 $0x108  }
0x21: {  	s3 =	sadd.s32 s3, s9;
	s6 =	sadd.s32 @!p0 $0x88, s6;
	s7 =	simm.s32 @p2 $0x1082  }
0x22: {  	[simem:s7], [sflag:s8] =	dma.local @!p0 [hbm:s6], $0xF7A  }
0x23: {  	s9 =	sor.u32 $0xD0000000, s2;
	s6 =	simm.s32 $0x108;
	_ =	swait.ge @!p0 [sflag:s8], $0x0  }
0x24: {  	s3 =	sadd.s32 $0x88, s3;
	s6 =	simm.s32 @!p1 $0x1082;
	[sflag:s4] =	ssyncset.s32 $0xFFFFF086  }
0x25: {  	[simem:s6], [sflag:s4] =	dma.local [hbm:s3], $0xF7A  }
0x26: {  	[smem:$0x3F63] =	sst s1;
	(tag) =	ssettag s2;
	_ =	strace s9  }
0x27: {  	s1 =	sld [smem:$0x3F73]  }
0x28: {  	s2 =	sld [smem:$0x3F74]  }
0x29: {  	s4 =	sld [smem:$0x3F76]  }
0x2a: {  	p0 =	seq.s32 s5, $0x0;
	s5 =	sld [smem:$0x3F77]  }
0x2b: {  	s6 =	sld [smem:$0x3F78]  }
0x2c: {  	s7 =	sld [smem:$0x3F79]  }
0x2d: {  	s3 =	simm.s32 $0x108;
	s8 =	sld [smem:$0x3F7A]  }
0x2e: {  	s3 =	simm.s32 @!p0 $0x1082;
	s9 =	sld [smem:$0x3F7B]  }
0x2f: {  	lr =	sadd.s32 s0, s3;
	s0 =	sld [smem:$0x3F72]  }
0x30: {  	s3 =	sld [smem:$0x3F75]  }
0x31: {  	[smem:$0x3F7E] =	sst s10  }
0x32: {  	s10 =	sld [smem:$0x3F7C];
	_ =	sdelay $0x3  }
0x33: {  	p0 =	seq.s32 s10, $0x1;
	s10 =	sld [smem:$0x3F7E];
	_ =	sdelay $0x3  }
0x34: {  	[smem:$0x3F7E] =	sst s10  }
0x35: {  	s10 =	sld [smem:$0x3F7D];
	_ =	sdelay $0x3  }
0x36: {  	p1 =	seq.s32 s10, $0x1;
	s10 =	sld [smem:$0x3F7E];
	_ =	sdelay $0x3  }
0x37: {  	[smem:$0x3F7E] =	sst s10  }
0x38: {  	s10 =	sld [smem:$0x3F7F]  }
0x39: {  	_ = 	snop;
	(pc) =	sbr.ind lr, $3  }
0x3a: {  	_ = 	snop  }
0x3b: {  	_ = 	snop  }
0x3c: {  	p2 =	seq.s32 s10, $0x1;
	s10 =	sld [smem:$0x3F7E]  }
0x3d: {  	_ =	shalt  }
0x3e: {  	_ =	shalt  }
0x3f: {  	_ =	shalt  }
0x40: {  	_ =	shalt  }
0x41: {  	_ =	shalt  }
0x42: {  	_ =	shalt  }
0x43: {  	_ =	shalt  }
0x44: {  	_ =	shalt  }
0x45: {  	_ =	shalt  }
0x46: {  	_ =	shalt  }
0x47: {  	_ =	shalt  }
0x48: {  	_ =	shalt  }
0x49: {  	_ =	shalt  }
0x4a: {  	_ =	shalt  }
0x4b: {  	_ =	shalt  }
0x4c: {  	_ =	shalt  }
0x4d: {  	_ =	shalt  }
0x4e: {  	_ =	shalt  }
0x4f: {  	_ =	shalt  }
0x50: {  	_ =	shalt  }
0x51: {  	_ =	shalt  }
0x52: {  	_ =	shalt  }
0x53: {  	_ =	shalt  }
0x54: {  	_ =	shalt  }
0x55: {  	_ =	shalt  }
0x56: {  	_ =	shalt  }
0x57: {  	_ =	shalt  }
0x58: {  	_ =	shalt  }
0x59: {  	_ =	shalt  }
0x5a: {  	_ =	shalt  }
0x5b: {  	_ =	shalt  }
0x5c: {  	_ =	shalt  }
0x5d: {  	_ =	shalt  }
0x5e: {  	_ =	shalt  }
0x5f: {  	_ =	shalt  }
0x60: {  	_ =	shalt  }
0x61: {  	_ =	shalt  }
0x62: {  	_ =	shalt  }
0x63: {  	_ =	shalt  }
0x64: {  	_ =	shalt  }
0x65: {  	_ =	shalt  }
0x66: {  	_ =	shalt  }
0x67: {  	_ =	shalt  }
0x68: {  	_ =	shalt  }
0x69: {  	_ =	shalt  }
0x6a: {  	_ =	shalt  }
0x6b: {  	_ =	shalt  }
0x6c: {  	_ =	shalt  }
0x6d: {  	_ =	shalt  }
0x6e: {  	_ =	shalt  }
0x6f: {  	_ =	shalt  }
0x70: {  	_ =	shalt  }
0x71: {  	_ =	shalt  }
0x72: {  	_ =	shalt  }
0x73: {  	_ =	shalt  }
0x74: {  	_ =	shalt  }
0x75: {  	_ =	shalt  }
0x76: {  	_ =	shalt  }
0x77: {  	_ =	shalt  }
0x78: {  	_ =	shalt  }
0x79: {  	_ =	shalt  }
0x7a: {  	_ =	shalt  }
0x7b: {  	_ =	shalt  }
0x7c: {  	_ =	shalt  }
0x7d: {  	_ =	shalt  }
0x7e: {  	_ =	shalt  }
0x7f: {  	_ =	shalt  }
0x80: {  	_ =	shalt  }
0x81: {  	_ =	shalt  }
0x82: {  	_ =	shalt  }
0x83: {  	_ =	shalt  }
0x84: {  	_ =	shalt  }
0x85: {  	_ =	shalt  }
0x86: {  	_ =	shalt  }
0x87: {  	_ =	shalt  }
.Lfunc_end0:
.L_simem_size_0:
called_computation.1_lowered:
.L_overlay_start_0:
0x88: {  	s2 =	sld [smem:$0x3FD9]  }
0x89: {  	s3 =	sld [smem:$0x3FFE];
	_ =	sdelay $0x1  }
0x8a: {  	s1 =	srdreg.scid  }
0x8b: {  	s0 =	sand.u32 $0x1, s1  }
0x8c: {  	s17 =	sshll.u32 s0, $0xA;
	s2 =	sadd.s32 s3, s2  }
0x8d: {  	s2 =	sadd.s32 s2, s17  }
0x8e: {  	[smem:$0x3F8A] =	sst s2  }
0x8f: {  	_ = 	snop  }
0x90: {  	(tm) =	ssettm $0x1  }
0x91: {  	s18 =	sld [smem:$0x3FFB];
	_ =	sdelay $0x3  }
0x92: {  	_ =	strace s18  }
0x93: {  	s2 =	sld [smem:$0x3FFC];
	_ =	sdelay $0x3  }
0x94: {  	_ =	strace s2  }
0x95: {  	s2 =	sld [smem:$0x3FFD];
	_ =	sdelay $0x3  }
0x96: {  	_ =	strace s2  }
0x97: {  	_ =	strace $0x8FFFFFFF  }
0x98: {  	s19 =	sld [smem:$0x3FDB];
	_ =	sdelay $0x1  }
0x99: {  	s20 =	simm.s32 $_scs_section_size  }
0x9a: {  	s4 =	simm.s32 $_size__tile_overlayer_lowered;
	s5 =	simm.s32 $_tile_overlayer_lowered  }
0x9b: {  	s6 =	simm.s32 $0x1BFF;
	s21 =	sshll.u32 s5, $0x1;
	s3 =	sadd.s32 s20, s19  }
0x9c: {  	s22 =	simm.s32 $0x0;
	s4 =	sshll.u32 s4, $0x1;
	s5 =	sadd.s32 s21, s3  }
0x9d: {  	[timem:s22], [sflag:s6] =	dma.local [hbm:s5], s4  }
0x9e: {  	_ =	swait.ge [sflag:s6], s4  }
0x9f: {  	s4 =	ssub.s32 $0x0, s4;
	[sflag:s6] =	ssyncset.done $0x0  }
0xa0: {  	[sflag:s6] =	ssyncadd.s32 s4;
	_ =	sdelay $0x1  }
0xa1: {  	s23 =	simm.s32 $0x1B8B  }
0xa2: {  	_ =	swait.ge [sflag:s23], $0x1  }
0xa3: {  	[sflag:s23] =	ssyncset.done $0x0  }
0xa4: {  	[sflag:s23] =	ssyncadd.s32 $0xFFFFFFFF  }
0xa5: {  	s4 =	sld [smem:$0x0]  }
0xa6: {  	s5 =	sand.u32 $0xFFFFFFFE, s1  }
0xa7: {  	p0 =	sne.s32 s1, s5  }
0xa8: {  	s5 =	sshll.u32 @p0 s5, $0xE  }
0xa9: {  	s5 =	sadd.s32 @p0 $0x11B8D, s5;
	s6 =	sshll.u32 @p0 s4, $0x11  }
0xaa: {  	s5 =	sor.u32 @p0 s6, s5  }
0xab: {  	[sflag:s5] =	ssyncadd.remote.s32 @p0 $0x1;
	_ =	sdelay $0x1  }
0xac: {  	s5 =	simm.s32 @p0 $0x1B8D  }
0xad: {  	_ =	swait.eq @p0 [sflag:s5], $0x1  }
0xae: {  	[sflag:s5] =	ssyncadd.s32 @p0 $0xFFFFFFFF  }
0xaf: {  	s6 =	sshll.u32 @!p0 s1, $0xE  }
0xb0: {  	s6 =	sor.u32 @!p0 $0x4000, s6;
	s5 =	simm.s32 @!p0 $0x1B8D  }
0xb1: {  	s4 =	sshll.u32 @!p0 s4, $0x11;
	s6 =	sadd.s32 @!p0 $0x11B8D, s6;
	_ =	swait.eq @!p0 [sflag:s5], $0x1  }
0xb2: {  	s4 =	sor.u32 @!p0 s4, s6;
	[sflag:s5] =	ssyncadd.s32 @!p0 $0xFFFFFFFF  }
0xb3: {  	s25 =	simm.s32 $0x1B8E;
	s24 =	sld [smem:$0x3FFE];
	[sflag:s4] =	ssyncadd.remote.s32 @!p0 $0x1  }
0xb4: {  	s26 =	simm.s32 $execute0_lowered;
	[smem:$0x3FD2] =	sst s25  }
0xb5: {  	s5 =	sshll.u32 s26, $0x1;
	_ =	strace $0x80000049;
	[dreg:$0x1] =	wrdreg $0xFFFFFFFF  }
0xb6: {  	s28 =	simm.s32 $_size_execute0_lowered;
	s3 =	sadd.s32 s3, s5;
	[dreg:$0x0] =	wrdreg $0x0  }
0xb7: {  	s5 =	sshll.u32 s28, $0x1;
	[dreg:$0x2] =	wrdreg s3  }
0xb8: {  	[dreg:$0x3] =	wrdreg s5  }
0xb9: {  	[dreg:$0x4] =	wrdreg $0xC0  }
0xba: {  	_ =	task [dreg:s22], $0x5FFFF  }
0xbb: {  	[dreg:$0x1] =	wrdreg $0xFFFFFFFF  }
0xbc: {  	[dreg:$0x0] =	wrdreg $0x60  }
0xbd: {  	[dreg:$0x2] =	wrdreg s24  }
0xbe: {  	[dreg:$0x3] =	wrdreg $0xA  }
0xbf: {  	_ =	task.clear_ibuf [dreg:s22], $0x4FFFF;
	_ =	strace $0x90000049  }
0xc0: {  	s29 =	simm.s32 $0xA;
	_ =	strace $0x8000004B  }
0xc1: {  	_ =	swait.ge [sflag:s29], $0x1  }
0xc2: {  	[sflag:s29] =	ssyncadd.s32 $0xFFFFFFFF  }
0xc3: {  	_ =	strace $0x9000004B  }
0xc4: {  	_ =	sfence  }
0xc5: {  	s30 =	sld [smem:$0x0];
	_ =	sdelay $0x2  }
0xc6: {  	s31 =	sshll.u32 s1, $0xD;
	s1 =	sshrl.u32 s1, $0x2  }
0xc7: {  	s4 =	sand.u32 $0x4000, s31;
	s1 =	sadd.s32 s1, s30  }
0xc8: {  	s0 =	sor.u32 s4, s0;
	s1 =	sshll.u32 s1, $0x11  }
0xc9: {  	s0 =	sor.u32 s1, s0  }
0xca: {  	s0 =	sadd.s32 $0x8F2B, s0  }
0xcb: {  	[sflag:s0] =	ssyncadd.remote.s32 $0x1  }
0xcc: {  	_ =	sfence.sel $0xFFFF  }
0xcd: {  	[dreg:$0x0] =	wrdreg $0xFFFFFFFF;
	(pc) =	sbr.abs _section_cstart, $3  }
0xce: {  	[dreg:$0x1] =	wrdreg $0xFFFFFFFF  }
0xcf: {  	_ =	task.clear_ibuf [dreg:s22], $0x2FFFF;
	_ =	strace $0x9FFFFFFF  }
0xd0: {  	(tm) =	ssettm $0x7FFFFFFF  }
0xd1: {  	_ =	shalt  }
tec
execute0_lowered:
.L_overlay_start_1:
0x0: {  	(tag) =	ssettag $0x1  }
0x1: {  	s0 =	srdreg.scid  }
0x2: {  	s12 =	stileid.u32;
	s1 =	rddreg [dreg:$0x0]  }
0x3: {  	s2 =	simm.s32 $0x0;
	s13 =	simm.s32 $0x9100;
	s14 =	simm.s32 $0x9900  }
0x4: {  	s15 =	simm.s32 $0xA100;
	s16 =	simm.s32 $0xA900;
	s17 =	simm.s32 $0xB100  }
0x5: {  	s18 =	simm.s32 $0xB900;
	s19 =	simm.s32 $0xC100;
	s20 =	simm.s32 $0xC900  }
0x6: {  	s21 =	simm.s32 $0xD100;
	s22 =	simm.s32 $0xD900;
	s23 =	simm.s32 $0xE100  }
0x7: {  	s24 =	simm.s32 $0xE900;
	s28 =	simm.s32 $0x7900;
	[smem:$0x7FF] =	sst s2  }
0x8: {  	s29 =	simm.s32 $0x8100;
	_ =	strace $0x8000004A;
	[dreg:$0x5] =	wrdreg s13  }
0x9: {  	s30 =	simm.s32 $0x1;
	s31 =	simm.s32 $0x2;
	[dreg:$0x6] =	wrdreg s14  }
0xa: {  	s0 =	sand.u32 $0x1, s0;
	s3 =	sshll.u32 s12, $0x1;
	[dreg:$0x7] =	wrdreg s15  }
0xb: {  	s8 =	smul.u32 $0x2780, s12;
	s4 =	sadd.s32 $0xAE00, s1;
	[dreg:$0x8] =	wrdreg s16  }
0xc: {  	s11 =	sadd.s32 $0x106E00, s1;
	s3 =	sor.u32 s0, s3;
	[dreg:$0x9] =	wrdreg s17  }
0xd: {  	s7 =	ssub.s32 $0x2, s0;
	s10 =	smul.u32 $0x13C0, s0;
	[dreg:$0xa] =	wrdreg s18  }
0xe: {  	s0 =	smul.u32 $0x4F000, s0;
	s13 =	simm.s32 $0x900;
	[dreg:$0xb] =	wrdreg s19  }
0xf: {  	s14 =	simm.s32 $0x1100;
	s15 =	simm.s32 $0x1900;
	[dreg:$0xc] =	wrdreg s20  }
0x10: {  	s16 =	simm.s32 $0x2100;
	s17 =	simm.s32 $0x2900;
	[dreg:$0xd] =	wrdreg s21  }
0x11: {  	s18 =	simm.s32 $0x3100;
	s19 =	simm.s32 $0x3900;
	[dreg:$0xe] =	wrdreg s22  }
0x12: {  	s20 =	simm.s32 $0x4100;
	s21 =	simm.s32 $0x4900;
	[dreg:$0xf] =	wrdreg s23  }
0x13: {  	s22 =	simm.s32 $0x5100;
	[dreg:$0x10] =	wrdreg s24;
	s23 =	simm.s32 $0x5900  }
0x14: {  	s24 =	simm.s32 $0x6100;
	s5 =	smul.u32 $0x13C0, s3;
	s9 =	sshrl.u32 s7, $0x1  }
0x15: {  	s6 =	smul.u32 $0x278000, s3;
	s3 =	sadd.s32 $0x68E00, s1;
	s7 =	ssub.s32 s7, s9  }
0x16: {  	s26 =	sadd.s32 s10, s8;
	s10 =	smul.u32 $0x9E000, s12;
	s12 =	simm.s32 $0x8900  }
0x17: {  	s5 =	sshrl.u32 s5, $0x3;
	s25 =	sshrl.u32 s6, $0x3;
	s6 =	sadd.s32 $0x68F00, s1  }
0x18: {  	s8 =	sadd.s32 $0x40, s26;
	s7 =	smax.u32 s7, $0x1;
	[dreg:$0x4] =	wrdreg s12  }
0x19: {  	s12 =	simm.s32 $0x100;
	s5 =	sadd.s32 s4, s5;
	[dreg:$0x15] =	wrdreg s7  }
0x1a: {  	[dreg:$0x13] =	wrdreg s5;
	s5 =	sadd.s32 s11, s25;
	s25 =	simm.s32 $0xF100  }
0x1b: {  	s1 =	sadd.s32 $0x4E000, s5;
	s5 =	sshrl.u32 s8, $0x3;
	[dreg:$0x11] =	wrdreg s25  }
0x1c: {  	s25 =	simm.s32 $0x6900;
	[dreg:$0x14] =	wrdreg s1;
	s5 =	sadd.s32 s5, s4  }
0x1d: {  	s1 =	sadd.s32 s10, s11;
	s11 =	simm.s32 $0x80;
	[dreg:$0x2] =	wrdreg s5  }
0x1e: {  	v2 =	vlaneseq.u32;
	s0 =	sadd.s32 s0, s1;
	[dreg:$0x3] =	wrdreg s11;
	s11 =	simm.s32 $0x3  }
0x1f: {  	vm0 =	vmmov $0xffff;
	v1 =	vshrl.u32 v2, $0x3;
	[dreg:$0x16] =	wrdreg s0;
	s0 =	sadd.s32 $0x80, s26;
	s26 =	simm.s32 $0xF900  }
0x20: {  	v0 =	vand.u32 $0x7, v2;
	v2 =	vor.u32 $0x8, v2;
	v1 =	vmul.u32 $0x8, v1;
	s1 =	simm.s32 $0x0;
	[dreg:$0x12] =	wrdreg s26;
	s26 =	simm.s32 $0x7100  }
.LBB2_1:
0x21: {  	s5 =	rddreg [dreg:$0x13]  }
0x22: {  	[tilespmem:s2], [sflag:$0x3] =	stream.linear.gather [hbm4b:s5+s2], $0x40, $0x38;
	[tilespmem:$0x10100] =	vst v63  }
0x23: {  	_ =	swait.ge [sflag:s11], $0x40  }
0x24: {  	[sflag:s11] =	ssyncset.done $0x0  }
0x25: {  	[sflag:s11] =	ssyncadd.s32 $0xFFFFFFC0  }
0x26: {  	v3 =	vld [tilespmem:$0x0];
	_ =	sdelay $0x4  }
0x27: {  	v4 =	vshll.u32 v3, $0x2  }
0x28: {  	v3 =	vand.u32 $0x7, v3;
	v4 =	vand.u32 $0xFFFFFFE0, v4  }
0x29: {  	v3 =	vor.u32 v3, v4  }
0x2a: {  	v4 =	vperm.xlane v3, v0;
	_ =	sdelay $0x1  }
0x2b: {  	v4 =	vadd.s32 v1, v4;
	_ =	sdelay $0x1  }
0x2c: {  	v3 =	vperm.xlane v3, v2;
	_ =	sdelay $0x1  }
0x2d: {  	v3 =	vadd.s32 v1, v3  }
0x2e: {  	[tilespmem:s12], [sflag:$0x1] =	stream.indirect_vreg.gather [hbm4b:s3+s2], $0x80, v4, vm0, $0xb8;
	[tilespmem:$0x10100] =	vst v63  }
0x2f: {  	_ = 	snop  }
0x30: {  	[tilespmem:s13], [sflag:$0x1] =	stream.indirect_vreg.gather [hbm4b:s6+s2], $0x80, v4, vm0, $0xb8;
	[tilespmem:$0x10100] =	vst v63  }
0x31: {  	_ = 	snop  }
0x32: {  	[tilespmem:s14], [sflag:$0x1] =	stream.indirect_vreg.gather [hbm4b:s3+s2], $0x80, v3, vm0, $0xb8;
	[tilespmem:$0x10100] =	vst v63  }
0x33: {  	_ = 	snop  }
0x34: {  	[tilespmem:s15], [sflag:$0x1] =	stream.indirect_vreg.gather [hbm4b:s6+s2], $0x80, v3, vm0, $0xb8;
	[tilespmem:$0x10100] =	vst v63  }
0x35: {  	v3 =	vld [tilespmem:$0x10];
	_ =	sdelay $0x4  }
0x36: {  	v61 =	vshll.u32 v3, $0x2  }
0x37: {  	v3 =	vand.u32 $0x7, v3;
	v4 =	vand.u32 $0xFFFFFFE0, v61  }
0x38: {  	v3 =	vor.u32 v3, v4  }
0x39: {  	v4 =	vperm.xlane v3, v0;
	_ =	sdelay $0x1  }
0x3a: {  	v4 =	vadd.s32 v1, v4;
	_ =	sdelay $0x1  }
0x3b: {  	v3 =	vperm.xlane v3, v2;
	_ =	sdelay $0x1  }
0x3c: {  	v3 =	vadd.s32 v1, v3  }
0x3d: {  	[tilespmem:s16], [sflag:$0x1] =	stream.indirect_vreg.gather [hbm4b:s3+s2], $0x80, v4, vm0, $0xb8;
	[tilespmem:$0x10100] =	vst v63  }
0x3e: {  	_ = 	snop  }
0x3f: {  	[tilespmem:s17], [sflag:$0x1] =	stream.indirect_vreg.gather [hbm4b:s6+s2], $0x80, v4, vm0, $0xb8;
	[tilespmem:$0x10100] =	vst v63  }
0x40: {  	_ = 	snop  }
0x41: {  	[tilespmem:s18], [sflag:$0x1] =	stream.indirect_vreg.gather [hbm4b:s3+s2], $0x80, v3, vm0, $0xb8;
	[tilespmem:$0x10100] =	vst v63  }
0x42: {  	_ = 	snop  }
0x43: {  	[tilespmem:s19], [sflag:$0x1] =	stream.indirect_vreg.gather [hbm4b:s6+s2], $0x80, v3, vm0, $0xb8;
	[tilespmem:$0x10100] =	vst v63  }
0x44: {  	v3 =	vld [tilespmem:$0x20];
	_ =	sdelay $0x4  }
0x45: {  	v62 =	vshll.u32 v3, $0x2  }
0x46: {  	v3 =	vand.u32 $0x7, v3;
	v4 =	vand.u32 $0xFFFFFFE0, v62  }
0x47: {  	v3 =	vor.u32 v3, v4  }
0x48: {  	v4 =	vperm.xlane v3, v0;
	_ =	sdelay $0x1  }
0x49: {  	v4 =	vadd.s32 v1, v4;
	_ =	sdelay $0x1  }
0x4a: {  	v3 =	vperm.xlane v3, v2;
	_ =	sdelay $0x1  }
0x4b: {  	v3 =	vadd.s32 v1, v3  }
0x4c: {  	[tilespmem:s20], [sflag:$0x1] =	stream.indirect_vreg.gather [hbm4b:s3+s2], $0x80, v4, vm0, $0xb8;
	[tilespmem:$0x10100] =	vst v63  }
0x4d: {  	_ = 	snop  }
0x4e: {  	[tilespmem:s21], [sflag:$0x1] =	stream.indirect_vreg.gather [hbm4b:s6+s2], $0x80, v4, vm0, $0xb8;
	[tilespmem:$0x10100] =	vst v63  }
0x4f: {  	_ = 	snop  }
0x50: {  	[tilespmem:s22], [sflag:$0x1] =	stream.indirect_vreg.gather [hbm4b:s3+s2], $0x80, v3, vm0, $0xb8;
	[tilespmem:$0x10100] =	vst v63  }
0x51: {  	_ = 	snop  }
0x52: {  	[tilespmem:s23], [sflag:$0x1] =	stream.indirect_vreg.gather [hbm4b:s6+s2], $0x80, v3, vm0, $0xb8;
	[tilespmem:$0x10100] =	vst v63  }
0x53: {  	v3 =	vld [tilespmem:$0x30];
	_ =	sdelay $0x4  }
0x54: {  	v63 =	vshll.u32 v3, $0x2  }
0x55: {  	v3 =	vand.u32 $0x7, v3;
	v4 =	vand.u32 $0xFFFFFFE0, v63  }
0x56: {  	v3 =	vor.u32 v3, v4  }
0x57: {  	v4 =	vperm.xlane v3, v0;
	_ =	sdelay $0x1  }
0x58: {  	v4 =	vadd.s32 v1, v4;
	_ =	sdelay $0x1  }
0x59: {  	v3 =	vperm.xlane v3, v2;
	_ =	sdelay $0x1  }
0x5a: {  	v3 =	vadd.s32 v1, v3  }
0x5b: {  	[tilespmem:s24], [sflag:$0x1] =	stream.indirect_vreg.gather [hbm4b:s3+s2], $0x80, v4, vm0, $0xb8;
	[tilespmem:$0x10100] =	vst v63  }
0x5c: {  	_ = 	snop  }
0x5d: {  	[tilespmem:s25], [sflag:$0x1] =	stream.indirect_vreg.gather [hbm4b:s6+s2], $0x80, v4, vm0, $0xb8;
	[tilespmem:$0x10100] =	vst v63  }
0x5e: {  	_ = 	snop  }
0x5f: {  	[tilespmem:s26], [sflag:$0x1] =	stream.indirect_vreg.gather [hbm4b:s3+s2], $0x80, v3, vm0, $0xb8;
	[tilespmem:$0x10100] =	vst v63  }
0x60: {  	s10 =	smov.u32 s0;
	s7 =	simm.s32 $0x0;
	s9 =	rddreg [dreg:$0x16]  }
0x61: {  	[tilespmem:s28], [sflag:$0x1] =	stream.indirect_vreg.gather [hbm4b:s6+s2], $0x80, v3, vm0, $0xb8;
	[tilespmem:$0x10100] =	vst v63  }
.LBB2_2:
0x62: {  	s8 =	rddreg [dreg:$0x2]  }
0x63: {  	s5 =	rddreg [dreg:$0x3];
	s8 =	sadd.s32 s7, s8  }
0x64: {  	[tilespmem:s5], [sflag:$0x3] =	stream.linear.gather [hbm4b:s8+s2], $0x40, $0x38;
	[tilespmem:$0x10100] =	vst v63  }
0x65: {  	_ =	swait.ge [sflag:s11], $0x40  }
0x66: {  	[sflag:s11] =	ssyncset.done $0x0  }
0x67: {  	[sflag:s11] =	ssyncadd.s32 $0xFFFFFFC0  }
0x68: {  	v3 =	vld [tilespmem:$0x80];
	_ =	sdelay $0x4  }
0x69: {  	v4 =	vshll.u32 v3, $0x2  }
0x6a: {  	v3 =	vand.u32 $0x7, v3;
	v4 =	vand.u32 $0xFFFFFFE0, v4  }
0x6b: {  	v3 =	vor.u32 v3, v4  }
0x6c: {  	v4 =	vperm.xlane v3, v0;
	_ =	sdelay $0x1  }
0x6d: {  	v4 =	vadd.s32 v1, v4;
	_ =	sdelay $0x1  }
0x6e: {  	v3 =	vperm.xlane v3, v2;
	_ =	sdelay $0x1  }
0x6f: {  	v3 =	vadd.s32 v1, v3  }
0x70: {  	[tilespmem:s29], [sflag:$0x2] =	stream.indirect_vreg.gather [hbm4b:s3+s2], $0x80, v4, vm0, $0xb8;
	[tilespmem:$0x10100] =	vst v63  }
0x71: {  	s5 =	rddreg [dreg:$0x4]  }
0x72: {  	[tilespmem:s5], [sflag:$0x2] =	stream.indirect_vreg.gather [hbm4b:s6+s2], $0x80, v4, vm0, $0xb8;
	[tilespmem:$0x10100] =	vst v63  }
0x73: {  	s8 =	rddreg [dreg:$0x5]  }
0x74: {  	[tilespmem:s8], [sflag:$0x2] =	stream.indirect_vreg.gather [hbm4b:s3+s2], $0x80, v3, vm0, $0xb8;
	[tilespmem:$0x10100] =	vst v63  }
0x75: {  	s5 =	rddreg [dreg:$0x6]  }
0x76: {  	[tilespmem:s5], [sflag:$0x2] =	stream.indirect_vreg.gather [hbm4b:s6+s2], $0x80, v3, vm0, $0xb8;
	[tilespmem:$0x10100] =	vst v63  }
0x77: {  	v3 =	vld [tilespmem:$0x90];
	_ =	sdelay $0x4  }
0x78: {  	v57 =	vshll.u32 v3, $0x2  }
0x79: {  	v3 =	vand.u32 $0x7, v3;
	v4 =	vand.u32 $0xFFFFFFE0, v57  }
0x7a: {  	v3 =	vor.u32 v3, v4  }
0x7b: {  	v4 =	vperm.xlane v3, v0;
	_ =	sdelay $0x1  }
0x7c: {  	v4 =	vadd.s32 v1, v4;
	_ =	sdelay $0x1  }
0x7d: {  	v3 =	vperm.xlane v3, v2;
	_ =	sdelay $0x1  }
0x7e: {  	s5 =	rddreg [dreg:$0x7];
	v3 =	vadd.s32 v1, v3  }
0x7f: {  	[tilespmem:s5], [sflag:$0x2] =	stream.indirect_vreg.gather [hbm4b:s3+s2], $0x80, v4, vm0, $0xb8;
	[tilespmem:$0x10100] =	vst v63  }
0x80: {  	s8 =	rddreg [dreg:$0x8]  }
0x81: {  	[tilespmem:s8], [sflag:$0x2] =	stream.indirect_vreg.gather [hbm4b:s6+s2], $0x80, v4, vm0, $0xb8;
	[tilespmem:$0x10100] =	vst v63  }
0x82: {  	s5 =	rddreg [dreg:$0x9]  }
0x83: {  	[tilespmem:s5], [sflag:$0x2] =	stream.indirect_vreg.gather [hbm4b:s3+s2], $0x80, v3, vm0, $0xb8;
	[tilespmem:$0x10100] =	vst v63  }
0x84: {  	s8 =	rddreg [dreg:$0xa]  }
0x85: {  	[tilespmem:s8], [sflag:$0x2] =	stream.indirect_vreg.gather [hbm4b:s6+s2], $0x80, v3, vm0, $0xb8;
	[tilespmem:$0x10100] =	vst v63  }
0x86: {  	v3 =	vld [tilespmem:$0xA0];
	_ =	sdelay $0x4  }
0x87: {  	v58 =	vshll.u32 v3, $0x2  }
0x88: {  	v3 =	vand.u32 $0x7, v3;
	v4 =	vand.u32 $0xFFFFFFE0, v58  }
0x89: {  	v3 =	vor.u32 v3, v4  }
0x8a: {  	v4 =	vperm.xlane v3, v0;
	_ =	sdelay $0x1  }
0x8b: {  	v4 =	vadd.s32 v1, v4;
	_ =	sdelay $0x1  }
0x8c: {  	v3 =	vperm.xlane v3, v2;
	_ =	sdelay $0x1  }
0x8d: {  	s5 =	rddreg [dreg:$0xb];
	v3 =	vadd.s32 v1, v3  }
0x8e: {  	[tilespmem:s5], [sflag:$0x2] =	stream.indirect_vreg.gather [hbm4b:s3+s2], $0x80, v4, vm0, $0xb8;
	[tilespmem:$0x10100] =	vst v63  }
0x8f: {  	s8 =	rddreg [dreg:$0xc]  }
0x90: {  	[tilespmem:s8], [sflag:$0x2] =	stream.indirect_vreg.gather [hbm4b:s6+s2], $0x80, v4, vm0, $0xb8;
	[tilespmem:$0x10100] =	vst v63  }
0x91: {  	s5 =	rddreg [dreg:$0xd]  }
0x92: {  	[tilespmem:s5], [sflag:$0x2] =	stream.indirect_vreg.gather [hbm4b:s3+s2], $0x80, v3, vm0, $0xb8;
	[tilespmem:$0x10100] =	vst v63  }
0x93: {  	s8 =	rddreg [dreg:$0xe]  }
0x94: {  	[tilespmem:s8], [sflag:$0x2] =	stream.indirect_vreg.gather [hbm4b:s6+s2], $0x80, v3, vm0, $0xb8;
	[tilespmem:$0x10100] =	vst v63  }
0x95: {  	v3 =	vld [tilespmem:$0xB0];
	_ =	sdelay $0x4  }
0x96: {  	v59 =	vshll.u32 v3, $0x2  }
0x97: {  	v3 =	vand.u32 $0x7, v3;
	v4 =	vand.u32 $0xFFFFFFE0, v59  }
0x98: {  	v3 =	vor.u32 v3, v4  }
0x99: {  	v4 =	vperm.xlane v3, v0;
	_ =	sdelay $0x1  }
0x9a: {  	v4 =	vadd.s32 v1, v4;
	_ =	sdelay $0x1  }
0x9b: {  	v3 =	vperm.xlane v3, v2;
	_ =	sdelay $0x1  }
0x9c: {  	s5 =	rddreg [dreg:$0xf];
	v3 =	vadd.s32 v1, v3  }
0x9d: {  	[tilespmem:s5], [sflag:$0x2] =	stream.indirect_vreg.gather [hbm4b:s3+s2], $0x80, v4, vm0, $0xb8;
	[tilespmem:$0x10100] =	vst v63  }
0x9e: {  	s8 =	rddreg [dreg:$0x10]  }
0x9f: {  	[tilespmem:s8], [sflag:$0x2] =	stream.indirect_vreg.gather [hbm4b:s6+s2], $0x80, v4, vm0, $0xb8;
	[tilespmem:$0x10100] =	vst v63  }
0xa0: {  	s5 =	rddreg [dreg:$0x11]  }
0xa1: {  	[tilespmem:s5], [sflag:$0x2] =	stream.indirect_vreg.gather [hbm4b:s3+s2], $0x80, v3, vm0, $0xb8;
	[tilespmem:$0x10100] =	vst v63  }
0xa2: {  	s8 =	rddreg [dreg:$0x12]  }
0xa3: {  	[tilespmem:s8], [sflag:$0x2] =	stream.indirect_vreg.gather [hbm4b:s6+s2], $0x80, v3, vm0, $0xb8;
	[tilespmem:$0x10100] =	vst v63  }
0xa4: {  	_ =	swait.ge [sflag:s30], $0x8000  }
0xa5: {  	[sflag:s30] =	ssyncset.done $0x0  }
0xa6: {  	[sflag:s30] =	ssyncadd.s32 $0xFFFF8000  }
0xa7: {  	[hbm4b:s9+s2] =	stream.linear.scatter [tilespmem:s12], [sflag:$0x3], $0x8000, $0x38;
	[tilespmem:$0x10100] =	vst v63  }
0xa8: {  	_ =	swait.ge [sflag:s11], $0x8000  }
0xa9: {  	s8 =	sshrl.u32 s10, $0x3;
	[sflag:s11] =	ssyncset.done $0x0  }
0xaa: {  	s5 =	sadd.s32 s4, s8;
	[sflag:s11] =	ssyncadd.s32 $0xFFFF8000  }
0xab: {  	[tilespmem:s2], [sflag:$0x3] =	stream.linear.gather [hbm4b:s5+s2], $0x40, $0x38;
	[tilespmem:$0x10100] =	vst v63  }
0xac: {  	_ =	swait.ge [sflag:s11], $0x40  }
0xad: {  	[sflag:s11] =	ssyncset.done $0x0  }
0xae: {  	[sflag:s11] =	ssyncadd.s32 $0xFFFFFFC0  }
0xaf: {  	v3 =	vld [tilespmem:$0x0];
	_ =	sdelay $0x4  }
0xb0: {  	v60 =	vshll.u32 v3, $0x2  }
0xb1: {  	v3 =	vand.u32 $0x7, v3;
	v4 =	vand.u32 $0xFFFFFFE0, v60  }
0xb2: {  	v3 =	vor.u32 v3, v4  }
0xb3: {  	v4 =	vperm.xlane v3, v0;
	_ =	sdelay $0x1  }
0xb4: {  	v4 =	vadd.s32 v1, v4;
	_ =	sdelay $0x1  }
0xb5: {  	v3 =	vperm.xlane v3, v2;
	_ =	sdelay $0x1  }
0xb6: {  	v3 =	vadd.s32 v1, v3  }
0xb7: {  	[tilespmem:s12], [sflag:$0x1] =	stream.indirect_vreg.gather [hbm4b:s3+s2], $0x80, v4, vm0, $0xb8;
	[tilespmem:$0x10100] =	vst v63  }
0xb8: {  	_ = 	snop  }
0xb9: {  	[tilespmem:s13], [sflag:$0x1] =	stream.indirect_vreg.gather [hbm4b:s6+s2], $0x80, v4, vm0, $0xb8;
	[tilespmem:$0x10100] =	vst v63  }
0xba: {  	_ = 	snop  }
0xbb: {  	[tilespmem:s14], [sflag:$0x1] =	stream.indirect_vreg.gather [hbm4b:s3+s2], $0x80, v3, vm0, $0xb8;
	[tilespmem:$0x10100] =	vst v63  }
0xbc: {  	_ = 	snop  }
0xbd: {  	[tilespmem:s15], [sflag:$0x1] =	stream.indirect_vreg.gather [hbm4b:s6+s2], $0x80, v3, vm0, $0xb8;
	[tilespmem:$0x10100] =	vst v63  }
0xbe: {  	v3 =	vld [tilespmem:$0x10];
	_ =	sdelay $0x4  }
0xbf: {  	v61 =	vshll.u32 v3, $0x2  }
0xc0: {  	v3 =	vand.u32 $0x7, v3;
	v4 =	vand.u32 $0xFFFFFFE0, v61  }
0xc1: {  	v3 =	vor.u32 v3, v4  }
0xc2: {  	v4 =	vperm.xlane v3, v0;
	_ =	sdelay $0x1  }
0xc3: {  	v4 =	vadd.s32 v1, v4;
	_ =	sdelay $0x1  }
0xc4: {  	v3 =	vperm.xlane v3, v2;
	_ =	sdelay $0x1  }
0xc5: {  	v3 =	vadd.s32 v1, v3  }
0xc6: {  	[tilespmem:s16], [sflag:$0x1] =	stream.indirect_vreg.gather [hbm4b:s3+s2], $0x80, v4, vm0, $0xb8;
	[tilespmem:$0x10100] =	vst v63  }
0xc7: {  	_ = 	snop  }
0xc8: {  	[tilespmem:s17], [sflag:$0x1] =	stream.indirect_vreg.gather [hbm4b:s6+s2], $0x80, v4, vm0, $0xb8;
	[tilespmem:$0x10100] =	vst v63  }
0xc9: {  	_ = 	snop  }
0xca: {  	[tilespmem:s18], [sflag:$0x1] =	stream.indirect_vreg.gather [hbm4b:s3+s2], $0x80, v3, vm0, $0xb8;
	[tilespmem:$0x10100] =	vst v63  }
0xcb: {  	_ = 	snop  }
0xcc: {  	[tilespmem:s19], [sflag:$0x1] =	stream.indirect_vreg.gather [hbm4b:s6+s2], $0x80, v3, vm0, $0xb8;
	[tilespmem:$0x10100] =	vst v63  }
0xcd: {  	v3 =	vld [tilespmem:$0x20];
	_ =	sdelay $0x4  }
0xce: {  	v62 =	vshll.u32 v3, $0x2  }
0xcf: {  	v3 =	vand.u32 $0x7, v3;
	v4 =	vand.u32 $0xFFFFFFE0, v62  }
0xd0: {  	v3 =	vor.u32 v3, v4  }
0xd1: {  	v4 =	vperm.xlane v3, v0;
	_ =	sdelay $0x1  }
0xd2: {  	v4 =	vadd.s32 v1, v4;
	_ =	sdelay $0x1  }
0xd3: {  	v3 =	vperm.xlane v3, v2;
	_ =	sdelay $0x1  }
0xd4: {  	v3 =	vadd.s32 v1, v3  }
0xd5: {  	[tilespmem:s20], [sflag:$0x1] =	stream.indirect_vreg.gather [hbm4b:s3+s2], $0x80, v4, vm0, $0xb8;
	[tilespmem:$0x10100] =	vst v63  }
0xd6: {  	_ = 	snop  }
0xd7: {  	[tilespmem:s21], [sflag:$0x1] =	stream.indirect_vreg.gather [hbm4b:s6+s2], $0x80, v4, vm0, $0xb8;
	[tilespmem:$0x10100] =	vst v63  }
0xd8: {  	_ = 	snop  }
0xd9: {  	[tilespmem:s22], [sflag:$0x1] =	stream.indirect_vreg.gather [hbm4b:s3+s2], $0x80, v3, vm0, $0xb8;
	[tilespmem:$0x10100] =	vst v63  }
0xda: {  	_ = 	snop  }
0xdb: {  	[tilespmem:s23], [sflag:$0x1] =	stream.indirect_vreg.gather [hbm4b:s6+s2], $0x80, v3, vm0, $0xb8;
	[tilespmem:$0x10100] =	vst v63  }
0xdc: {  	v3 =	vld [tilespmem:$0x30];
	_ =	sdelay $0x4  }
0xdd: {  	v63 =	vshll.u32 v3, $0x2  }
0xde: {  	v3 =	vand.u32 $0x7, v3;
	v4 =	vand.u32 $0xFFFFFFE0, v63  }
0xdf: {  	v3 =	vor.u32 v3, v4  }
0xe0: {  	v4 =	vperm.xlane v3, v0;
	_ =	sdelay $0x1  }
0xe1: {  	v4 =	vadd.s32 v1, v4;
	_ =	sdelay $0x1  }
0xe2: {  	v3 =	vperm.xlane v3, v2;
	_ =	sdelay $0x1  }
0xe3: {  	v3 =	vadd.s32 v1, v3  }
0xe4: {  	[tilespmem:s24], [sflag:$0x1] =	stream.indirect_vreg.gather [hbm4b:s3+s2], $0x80, v4, vm0, $0xb8;
	[tilespmem:$0x10100] =	vst v63  }
0xe5: {  	_ = 	snop  }
0xe6: {  	[tilespmem:s25], [sflag:$0x1] =	stream.indirect_vreg.gather [hbm4b:s6+s2], $0x80, v4, vm0, $0xb8;
	[tilespmem:$0x10100] =	vst v63  }
0xe7: {  	_ = 	snop  }
0xe8: {  	[tilespmem:s26], [sflag:$0x1] =	stream.indirect_vreg.gather [hbm4b:s3+s2], $0x80, v3, vm0, $0xb8;
	[tilespmem:$0x10100] =	vst v63  }
0xe9: {  	_ = 	snop  }
0xea: {  	[tilespmem:s28], [sflag:$0x1] =	stream.indirect_vreg.gather [hbm4b:s6+s2], $0x80, v3, vm0, $0xb8;
	[tilespmem:$0x10100] =	vst v63  }
0xeb: {  	_ =	swait.ge [sflag:s31], $0x8000  }
0xec: {  	p0 =	sne.s32 s7, $0x260;
	[sflag:s31] =	ssyncset.done $0x0  }
.Ltmp0:
0xed: {  	s8 =	sadd.s32 $0x1000, s9;
	[sflag:s31] =	ssyncadd.s32 $0xFFFF8000;
	(pc) =	sbr.rel @p0 .LBB2_2-.Ltmp0, $4  }
0xee: {  	[hbm4b:s8+s2] =	stream.linear.scatter [tilespmem:s29], [sflag:$0x3], $0x8000, $0x38;
	[tilespmem:$0x10100] =	vst v63  }
0xef: {  	_ =	swait.ge [sflag:s11], $0x8000  }
0xf0: {  	s7 =	sadd.s32 $0x10, s7;
	[sflag:s11] =	ssyncset.done $0x0  }
0xf1: {  	s10 =	sadd.s32 $0x80, s10;
	s9 =	sadd.s32 $0x2000, s9;
	[sflag:s11] =	ssyncadd.s32 $0xFFFF8000  }
0xf2: {  	_ =	swait.ge [sflag:s30], $0x8000  }
0xf3: {  	[sflag:s30] =	ssyncset.done $0x0  }
0xf4: {  	s5 =	rddreg [dreg:$0x14];
	[sflag:s30] =	ssyncadd.s32 $0xFFFF8000  }
0xf5: {  	[hbm4b:s5+s2] =	stream.linear.scatter [tilespmem:s12], [sflag:$0x3], $0x8000, $0x38;
	[tilespmem:$0x10100] =	vst v63  }
0xf6: {  	_ =	swait.ge [sflag:s11], $0x8000  }
0xf7: {  	s1 =	sadd.s32 $0x1, s1;
	s10 =	rddreg [dreg:$0x15]  }
0xf8: {  	p0 =	sne.s32 s1, s10  }
.Ltmp1:
0xf9: {  	_ = 	snop;
	(pc) =	sbr.rel @p0 .LBB2_1-.Ltmp1, $3  }
0xfa: {  	_ =	sdelay $0x1  }
0xfb: {  	[sflag:s11] =	ssyncset.done $0x0  }
0xfc: {  	[sflag:s11] =	ssyncadd.s32 $0xFFFF8000  }
0xfd: {  	_ =	sfence.sel $0x180000  }
0xfe: {  	[bflag:$0x0] =	sbarrier.arrive $0xFFFF  }
0xff: {  	_ =	strace $0x9000004A  }
0x100: {  	s0 =	stileid.u32;
	[bflag:$0x2] =	sbarrier.arrive $0xFFFF  }
0x101: {  	p0 =	sne.s32 s0, $0x0;
	s0 =	rddreg [dreg:$0x1]  }
0x102: {  	s0 =	sadd.s32 @!p0 $0x100000, s0  }
0x103: {  	[sflag:s0] =	ssyncadd.tile.s32 @!p0 $0x1;
	_ =	shalt  }
.Lfunc_end2:
_tile_overlayer_lowered:
.L_overlay_start_2:
0x104: {  	(tag) =	ssettag $0x2  }
0x105: {  	s0 =	rddreg [dreg:$0x0];
	s2 =	stileid.u32  }
0x106: {  	s1 =	rddreg [dreg:$0x1];
	p0 =	sne.s32 s2, $0x0  }
0x107: {  	s3 =	rddreg [dreg:$0x2];
	[bflag:$0x3] =	sbarrier.arrive $0xFFFF;
	s2 =	simm.s32 @!p0 $0x1C03  }
0x108: {  	[timem:s3], [sflag:s2] =	dma.local @!p0 [hbm:s0], s1  }
0x109: {  	s0 =	simm.s32 @!p0 $0x3  }
0x10a: {  	_ =	swait.ge @!p0 [sflag:s0], s1  }
0x10b: {  	s1 =	ssub.s32 @!p0 $0x0, s1;
	[sflag:s0] =	ssyncset.done @!p0 $0x0  }
0x10c: {  	[sflag:s0] =	ssyncadd.s32 @!p0 s1  }
0x10d: {  	[bflag:$0x3] =	sbarrier.arrive $0xFFFF  }
0x10e: {  	_ =	shalt  }

// kernel: kernel.15.cloned.1.call-start
scs
__scs_entry_jumppad:
0x0: {  	(pc) =	sbr.rel $0x88, $3  }
0x1: {  	(tag) =	ssettag $0x0;
	lr =	simm.s32 $0x1  }
0x2: {  	[smem:$0x3F63] =	sst lr;
	_ =	strace $0xD0000000  }
0x3: {  	_ = 	snop  }
0x4: {  	_ = 	snop  }
0x5: {  	_ = 	snop  }
0x6: {  	_ = 	snop  }
0x7: {  	_ = 	snop  }
__scs_overlays_trampoline_lowered:
0x8: {  	[smem:$0x3F72] =	sst s0  }
0x9: {  	[smem:$0x3F73] =	sst s1  }
0xa: {  	[smem:$0x3F74] =	sst s2  }
0xb: {  	[smem:$0x3F75] =	sst s3  }
0xc: {  	[smem:$0x3F76] =	sst s4  }
0xd: {  	[smem:$0x3F77] =	sst s5  }
0xe: {  	[smem:$0x3F78] =	sst s6  }
0xf: {  	[smem:$0x3F79] =	sst s7  }
0x10: {  	[smem:$0x3F7A] =	sst s8  }
0x11: {  	[smem:$0x3F7B] =	sst s9;
	s0 =	simm.s32 @!p0 $0x0  }
0x12: {  	s1 =	sld [smem:$0x3F61];
	s0 =	simm.s32 @p0 $0x1  }
0x13: {  	[smem:$0x3F7C] =	sst s0;
	s0 =	simm.s32 @!p1 $0x0  }
0x14: {  	s2 =	sld [smem:$0x3F60];
	s0 =	simm.s32 @p1 $0x1  }
0x15: {  	[smem:$0x3F7D] =	sst s0;
	s0 =	simm.s32 @!p2 $0x0  }
0x16: {  	s3 =	sld [smem:$0x3FDB];
	s0 =	simm.s32 @p2 $0x1  }
0x17: {  	s4 =	simm.s32 $0x1BF5;
	[smem:$0x3F7F] =	sst s0  }
0x18: {  	s0 =	sld [smem:$0x3F62];
	_ =	swait.ge [sflag:s4], $0x0  }
0x19: {  	s7 =	sld [smem:$0x3F63]  }
0x1a: {  	s8 =	sadd.s32 $0xFFFFE003, lr  }
0x1b: {  	s9 =	sadd.s32 $0xFFFFFEF7, lr;
	s5 =	simm.s32 $0xFFFFFFFF;
	p2 =	slt.u32 s8, $0xFFFFF086  }
0x1c: {  	p1 =	slt.u32 s9, $0xF7A;
	s5 =	simm.s32 @!p2 $0x0  }
0x1d: {  	s5 =	simm.s32 @p1 $0x1;
	p0 =	seq.s32 s7, s2  }
0x1e: {  	s7 =	smul.u32 @!p0 $0xF7A, s2;
	p2 =	seq.s32 @!p0 s5, $0x0  }
0x1f: {  	s9 =	smul.u32 $0xF7A, s1;
	s8 =	simm.s32 @!p0 $0x1BF5;
	p2 =	por !p2, p0  }
0x20: {  	[sflag:s8] =	ssyncset.s32 @!p0 $0xFFFFF086;
	s6 =	sadd.s32 @!p0 s3, s7;
	s7 =	simm.s32 @!p0 $0x108  }
0x21: {  	s3 =	sadd.s32 s3, s9;
	s6 =	sadd.s32 @!p0 $0x88, s6;
	s7 =	simm.s32 @p2 $0x1082  }
0x22: {  	[simem:s7], [sflag:s8] =	dma.local @!p0 [hbm:s6], $0xF7A  }
0x23: {  	s9 =	sor.u32 $0xD0000000, s2;
	s6 =	simm.s32 $0x108;
	_ =	swait.ge @!p0 [sflag:s8], $0x0  }
0x24: {  	s3 =	sadd.s32 $0x88, s3;
	s6 =	simm.s32 @!p1 $0x1082;
	[sflag:s4] =	ssyncset.s32 $0xFFFFF086  }
0x25: {  	[simem:s6], [sflag:s4] =	dma.local [hbm:s3], $0xF7A  }
0x26: {  	[smem:$0x3F63] =	sst s1;
	(tag) =	ssettag s2;
	_ =	strace s9  }
0x27: {  	s1 =	sld [smem:$0x3F73]  }
0x28: {  	s2 =	sld [smem:$0x3F74]  }
0x29: {  	s4 =	sld [smem:$0x3F76]  }
0x2a: {  	p0 =	seq.s32 s5, $0x0;
	s5 =	sld [smem:$0x3F77]  }
0x2b: {  	s6 =	sld [smem:$0x3F78]  }
0x2c: {  	s7 =	sld [smem:$0x3F79]  }
0x2d: {  	s3 =	simm.s32 $0x108;
	s8 =	sld [smem:$0x3F7A]  }
0x2e: {  	s3 =	simm.s32 @!p0 $0x1082;
	s9 =	sld [smem:$0x3F7B]  }
0x2f: {  	lr =	sadd.s32 s0, s3;
	s0 =	sld [smem:$0x3F72]  }
0x30: {  	s3 =	sld [smem:$0x3F75]  }
0x31: {  	[smem:$0x3F7E] =	sst s10  }
0x32: {  	s10 =	sld [smem:$0x3F7C];
	_ =	sdelay $0x3  }
0x33: {  	p0 =	seq.s32 s10, $0x1;
	s10 =	sld [smem:$0x3F7E];
	_ =	sdelay $0x3  }
0x34: {  	[smem:$0x3F7E] =	sst s10  }
0x35: {  	s10 =	sld [smem:$0x3F7D];
	_ =	sdelay $0x3  }
0x36: {  	p1 =	seq.s32 s10, $0x1;
	s10 =	sld [smem:$0x3F7E];
	_ =	sdelay $0x3  }
0x37: {  	[smem:$0x3F7E] =	sst s10  }
0x38: {  	s10 =	sld [smem:$0x3F7F]  }
0x39: {  	_ = 	snop;
	(pc) =	sbr.ind lr, $3  }
0x3a: {  	_ = 	snop  }
0x3b: {  	_ = 	snop  }
0x3c: {  	p2 =	seq.s32 s10, $0x1;
	s10 =	sld [smem:$0x3F7E]  }
0x3d: {  	_ =	shalt  }
0x3e: {  	_ =	shalt  }
0x3f: {  	_ =	shalt  }
0x40: {  	_ =	shalt  }
0x41: {  	_ =	shalt  }
0x42: {  	_ =	shalt  }
0x43: {  	_ =	shalt  }
0x44: {  	_ =	shalt  }
0x45: {  	_ =	shalt  }
0x46: {  	_ =	shalt  }
0x47: {  	_ =	shalt  }
0x48: {  	_ =	shalt  }
0x49: {  	_ =	shalt  }
0x4a: {  	_ =	shalt  }
0x4b: {  	_ =	shalt  }
0x4c: {  	_ =	shalt  }
0x4d: {  	_ =	shalt  }
0x4e: {  	_ =	shalt  }
0x4f: {  	_ =	shalt  }
0x50: {  	_ =	shalt  }
0x51: {  	_ =	shalt  }
0x52: {  	_ =	shalt  }
0x53: {  	_ =	shalt  }
0x54: {  	_ =	shalt  }
0x55: {  	_ =	shalt  }
0x56: {  	_ =	shalt  }
0x57: {  	_ =	shalt  }
0x58: {  	_ =	shalt  }
0x59: {  	_ =	shalt  }
0x5a: {  	_ =	shalt  }
0x5b: {  	_ =	shalt  }
0x5c: {  	_ =	shalt  }
0x5d: {  	_ =	shalt  }
0x5e: {  	_ =	shalt  }
0x5f: {  	_ =	shalt  }
0x60: {  	_ =	shalt  }
0x61: {  	_ =	shalt  }
0x62: {  	_ =	shalt  }
0x63: {  	_ =	shalt  }
0x64: {  	_ =	shalt  }
0x65: {  	_ =	shalt  }
0x66: {  	_ =	shalt  }
0x67: {  	_ =	shalt  }
0x68: {  	_ =	shalt  }
0x69: {  	_ =	shalt  }
0x6a: {  	_ =	shalt  }
0x6b: {  	_ =	shalt  }
0x6c: {  	_ =	shalt  }
0x6d: {  	_ =	shalt  }
0x6e: {  	_ =	shalt  }
0x6f: {  	_ =	shalt  }
0x70: {  	_ =	shalt  }
0x71: {  	_ =	shalt  }
0x72: {  	_ =	shalt  }
0x73: {  	_ =	shalt  }
0x74: {  	_ =	shalt  }
0x75: {  	_ =	shalt  }
0x76: {  	_ =	shalt  }
0x77: {  	_ =	shalt  }
0x78: {  	_ =	shalt  }
0x79: {  	_ =	shalt  }
0x7a: {  	_ =	shalt  }
0x7b: {  	_ =	shalt  }
0x7c: {  	_ =	shalt  }
0x7d: {  	_ =	shalt  }
0x7e: {  	_ =	shalt  }
0x7f: {  	_ =	shalt  }
0x80: {  	_ =	shalt  }
0x81: {  	_ =	shalt  }
0x82: {  	_ =	shalt  }
0x83: {  	_ =	shalt  }
0x84: {  	_ =	shalt  }
0x85: {  	_ =	shalt  }
0x86: {  	_ =	shalt  }
0x87: {  	_ =	shalt  }
.Lfunc_end0:
.L_simem_size_0:
called_computation.2_lowered:
.L_overlay_start_0:
0x88: {  	s2 =	sld [smem:$0x3FD9]  }
0x89: {  	s3 =	sld [smem:$0x3FFE];
	_ =	sdelay $0x1  }
0x8a: {  	s1 =	srdreg.scid  }
0x8b: {  	s0 =	sand.u32 $0x1, s1  }
0x8c: {  	s16 =	sshll.u32 s0, $0xA;
	s2 =	sadd.s32 s3, s2  }
0x8d: {  	s2 =	sadd.s32 s2, s16  }
0x8e: {  	[smem:$0x3F8A] =	sst s2  }
0x8f: {  	_ = 	snop  }
0x90: {  	(tm) =	ssettm $0x1  }
0x91: {  	s17 =	sld [smem:$0x3FFB];
	_ =	sdelay $0x3  }
0x92: {  	_ =	strace s17  }
0x93: {  	s2 =	sld [smem:$0x3FFC];
	_ =	sdelay $0x3  }
0x94: {  	_ =	strace s2  }
0x95: {  	s2 =	sld [smem:$0x3FFD];
	_ =	sdelay $0x3  }
0x96: {  	_ =	strace s2  }
0x97: {  	_ =	strace $0x8FFFFFFF  }
0x98: {  	s18 =	sld [smem:$0x3FDB];
	_ =	sdelay $0x1  }
0x99: {  	s19 =	simm.s32 $_scs_section_size  }
0x9a: {  	s4 =	simm.s32 $_size__tile_overlayer_lowered;
	s5 =	simm.s32 $_tile_overlayer_lowered  }
0x9b: {  	s22 =	simm.s32 $0x1BFF;
	s21 =	sshll.u32 s5, $0x1;
	s2 =	sadd.s32 s19, s18  }
0x9c: {  	s6 =	simm.s32 $0x0;
	s20 =	sshll.u32 s4, $0x1;
	s4 =	sadd.s32 s21, s2  }
0x9d: {  	[timem:s6], [sflag:s22] =	dma.local [hbm:s4], s20  }
0x9e: {  	_ =	swait.ge [sflag:s22], s20  }
0x9f: {  	s3 =	ssub.s32 $0x0, s20;
	[sflag:s22] =	ssyncset.done $0x0  }
0xa0: {  	[sflag:s22] =	ssyncadd.s32 s3;
	_ =	sdelay $0x1  }
0xa1: {  	s23 =	simm.s32 $0x1B8B  }
0xa2: {  	_ =	swait.ge [sflag:s23], $0x1  }
0xa3: {  	[sflag:s23] =	ssyncset.done $0x0  }
0xa4: {  	s25 =	simm.s32 $0x1B8E;
	s24 =	sld [smem:$0x3FFE];
	[sflag:s23] =	ssyncadd.s32 $0xFFFFFFFF  }
0xa5: {  	s26 =	simm.s32 $execute0_lowered;
	[smem:$0x3FD2] =	sst s25  }
0xa6: {  	s4 =	sshll.u32 s26, $0x1;
	_ =	strace $0x8000004C;
	[dreg:$0x1] =	wrdreg $0xFFFFFFFF  }
0xa7: {  	s28 =	simm.s32 $_size_execute0_lowered;
	s2 =	sadd.s32 s2, s4;
	[dreg:$0x0] =	wrdreg $0x0  }
0xa8: {  	s4 =	sshll.u32 s28, $0x1;
	[dreg:$0x2] =	wrdreg s2  }
0xa9: {  	[dreg:$0x3] =	wrdreg s4  }
0xaa: {  	[dreg:$0x4] =	wrdreg $0xC0  }
0xab: {  	_ =	task [dreg:s6], $0x5FFFF  }
0xac: {  	[dreg:$0x1] =	wrdreg $0xFFFFFFFF  }
0xad: {  	[dreg:$0x0] =	wrdreg $0x60  }
0xae: {  	[dreg:$0x2] =	wrdreg s24  }
0xaf: {  	[dreg:$0x3] =	wrdreg $0x9  }
0xb0: {  	_ =	task.clear_ibuf [dreg:s6], $0x4FFFF;
	_ =	strace $0x9000004C  }
0xb1: {  	s29 =	simm.s32 $0x9;
	_ =	strace $0x8000004E  }
0xb2: {  	_ =	swait.ge [sflag:s29], $0x1  }
0xb3: {  	[sflag:s29] =	ssyncadd.s32 $0xFFFFFFFF  }
0xb4: {  	_ =	strace $0x9000004E  }
0xb5: {  	_ =	sfence  }
0xb6: {  	s30 =	sld [smem:$0x0];
	_ =	sdelay $0x2  }
0xb7: {  	s31 =	sshll.u32 s1, $0xD;
	s1 =	sshrl.u32 s1, $0x2  }
0xb8: {  	s3 =	sand.u32 $0x4000, s31;
	s1 =	sadd.s32 s1, s30  }
0xb9: {  	s0 =	sor.u32 s3, s0;
	s1 =	sshll.u32 s1, $0x11  }
0xba: {  	s0 =	sor.u32 s1, s0  }
0xbb: {  	s0 =	sadd.s32 $0x8F2B, s0  }
0xbc: {  	[sflag:s0] =	ssyncadd.remote.s32 $0x1  }
0xbd: {  	_ =	sfence.sel $0xFFFF  }
0xbe: {  	[dreg:$0x0] =	wrdreg $0xFFFFFFFF;
	(pc) =	sbr.abs _section_cstart, $3  }
0xbf: {  	[dreg:$0x1] =	wrdreg $0xFFFFFFFF  }
0xc0: {  	_ =	task.clear_ibuf [dreg:s6], $0x2FFFF;
	_ =	strace $0x9FFFFFFF  }
0xc1: {  	(tm) =	ssettm $0x7FFFFFFF  }
tec
execute0_lowered:
.L_overlay_start_1:
0x0: {  	(tag) =	ssettag $0x1  }
0x1: {  	s0 =	srdreg.scid  }
0x2: {  	s12 =	stileid.u32;
	s1 =	rddreg [dreg:$0x0]  }
0x3: {  	s2 =	simm.s32 $0x0;
	s13 =	simm.s32 $0x9100;
	s14 =	simm.s32 $0x9900  }
0x4: {  	s15 =	simm.s32 $0xA100;
	s16 =	simm.s32 $0xA900;
	s17 =	simm.s32 $0xB100  }
0x5: {  	s18 =	simm.s32 $0xB900;
	s19 =	simm.s32 $0xC100;
	s20 =	simm.s32 $0xC900  }
0x6: {  	s21 =	simm.s32 $0xD100;
	s22 =	simm.s32 $0xD900;
	s23 =	simm.s32 $0xE100  }
0x7: {  	s24 =	simm.s32 $0xE900;
	s28 =	simm.s32 $0x7900;
	[smem:$0x7FF] =	sst s2  }
0x8: {  	s29 =	simm.s32 $0x8100;
	_ =	strace $0x8000004D;
	[dreg:$0x5] =	wrdreg s13  }
0x9: {  	s30 =	simm.s32 $0x1;
	s31 =	simm.s32 $0x2;
	[dreg:$0x6] =	wrdreg s14  }
0xa: {  	s0 =	sand.u32 $0x1, s0;
	s3 =	sshll.u32 s12, $0x1;
	[dreg:$0x7] =	wrdreg s15  }
0xb: {  	s8 =	smul.u32 $0x2780, s12;
	s4 =	sadd.s32 $0xAE00, s1;
	[dreg:$0x8] =	wrdreg s16  }
0xc: {  	s11 =	sadd.s32 $0x106E00, s1;
	s3 =	sor.u32 s0, s3;
	[dreg:$0x9] =	wrdreg s17  }
0xd: {  	s7 =	ssub.s32 $0x2, s0;
	s10 =	smul.u32 $0x13C0, s0;
	[dreg:$0xa] =	wrdreg s18  }
0xe: {  	s0 =	smul.u32 $0x4F000, s0;
	s13 =	simm.s32 $0x900;
	[dreg:$0xb] =	wrdreg s19  }
0xf: {  	s14 =	simm.s32 $0x1100;
	s15 =	simm.s32 $0x1900;
	[dreg:$0xc] =	wrdreg s20  }
0x10: {  	s16 =	simm.s32 $0x2100;
	s17 =	simm.s32 $0x2900;
	[dreg:$0xd] =	wrdreg s21  }
0x11: {  	s18 =	simm.s32 $0x3100;
	s19 =	simm.s32 $0x3900;
	[dreg:$0xe] =	wrdreg s22  }
0x12: {  	s20 =	simm.s32 $0x4100;
	s21 =	simm.s32 $0x4900;
	[dreg:$0xf] =	wrdreg s23  }
0x13: {  	s22 =	simm.s32 $0x5100;
	[dreg:$0x10] =	wrdreg s24;
	s23 =	simm.s32 $0x5900  }
0x14: {  	s24 =	simm.s32 $0x6100;
	s5 =	smul.u32 $0x13C0, s3;
	s9 =	sshrl.u32 s7, $0x1  }
0x15: {  	s6 =	smul.u32 $0x278000, s3;
	s3 =	sadd.s32 $0x68E00, s1;
	s7 =	ssub.s32 s7, s9  }
0x16: {  	s26 =	sadd.s32 s10, s8;
	s10 =	smul.u32 $0x9E000, s12;
	s12 =	simm.s32 $0x8900  }
0x17: {  	s5 =	sshrl.u32 s5, $0x3;
	s25 =	sshrl.u32 s6, $0x3;
	s6 =	sadd.s32 $0x68F00, s1  }
0x18: {  	s8 =	sadd.s32 $0x40, s26;
	s7 =	smax.u32 s7, $0x1;
	[dreg:$0x4] =	wrdreg s12  }
0x19: {  	s12 =	simm.s32 $0x100;
	s5 =	sadd.s32 s4, s5;
	[dreg:$0x15] =	wrdreg s7  }
0x1a: {  	[dreg:$0x13] =	wrdreg s5;
	s5 =	sadd.s32 s11, s25;
	s25 =	simm.s32 $0xF100  }
0x1b: {  	s1 =	sadd.s32 $0x4E000, s5;
	s5 =	sshrl.u32 s8, $0x3;
	[dreg:$0x11] =	wrdreg s25  }
0x1c: {  	s25 =	simm.s32 $0x6900;
	[dreg:$0x14] =	wrdreg s1;
	s5 =	sadd.s32 s5, s4  }
0x1d: {  	s1 =	sadd.s32 s10, s11;
	s11 =	simm.s32 $0x80;
	[dreg:$0x2] =	wrdreg s5  }
0x1e: {  	v2 =	vlaneseq.u32;
	s0 =	sadd.s32 s0, s1;
	[dreg:$0x3] =	wrdreg s11;
	s11 =	simm.s32 $0x3  }
0x1f: {  	vm0 =	vmmov $0xffff;
	v1 =	vshrl.u32 v2, $0x3;
	[dreg:$0x16] =	wrdreg s0;
	s0 =	sadd.s32 $0x80, s26;
	s26 =	simm.s32 $0xF900  }
0x20: {  	v0 =	vand.u32 $0x7, v2;
	v2 =	vor.u32 $0x8, v2;
	v1 =	vmul.u32 $0x8, v1;
	s1 =	simm.s32 $0x0;
	[dreg:$0x12] =	wrdreg s26;
	s26 =	simm.s32 $0x7100  }
.LBB2_1:
0x21: {  	s5 =	rddreg [dreg:$0x13]  }
0x22: {  	[tilespmem:s2], [sflag:$0x3] =	stream.linear.gather [hbm4b:s5+s2], $0x40, $0x38;
	[tilespmem:$0x10100] =	vst v63  }
0x23: {  	_ =	swait.ge [sflag:s11], $0x40  }
0x24: {  	[sflag:s11] =	ssyncset.done $0x0  }
0x25: {  	[sflag:s11] =	ssyncadd.s32 $0xFFFFFFC0  }
0x26: {  	v3 =	vld [tilespmem:$0x0];
	_ =	sdelay $0x4  }
0x27: {  	v4 =	vshll.u32 v3, $0x2  }
0x28: {  	v3 =	vand.u32 $0x7, v3;
	v4 =	vand.u32 $0xFFFFFFE0, v4  }
0x29: {  	v3 =	vor.u32 v3, v4  }
0x2a: {  	v4 =	vperm.xlane v3, v0;
	_ =	sdelay $0x1  }
0x2b: {  	v4 =	vadd.s32 v1, v4;
	_ =	sdelay $0x1  }
0x2c: {  	v3 =	vperm.xlane v3, v2;
	_ =	sdelay $0x1  }
0x2d: {  	v3 =	vadd.s32 v1, v3  }
0x2e: {  	[tilespmem:s12], [sflag:$0x1] =	stream.indirect_vreg.gather [hbm4b:s3+s2], $0x80, v4, vm0, $0xb8;
	[tilespmem:$0x10100] =	vst v63  }
0x2f: {  	_ = 	snop  }
0x30: {  	[tilespmem:s13], [sflag:$0x1] =	stream.indirect_vreg.gather [hbm4b:s6+s2], $0x80, v4, vm0, $0xb8;
	[tilespmem:$0x10100] =	vst v63  }
0x31: {  	_ = 	snop  }
0x32: {  	[tilespmem:s14], [sflag:$0x1] =	stream.indirect_vreg.gather [hbm4b:s3+s2], $0x80, v3, vm0, $0xb8;
	[tilespmem:$0x10100] =	vst v63  }
0x33: {  	_ = 	snop  }
0x34: {  	[tilespmem:s15], [sflag:$0x1] =	stream.indirect_vreg.gather [hbm4b:s6+s2], $0x80, v3, vm0, $0xb8;
	[tilespmem:$0x10100] =	vst v63  }
0x35: {  	v3 =	vld [tilespmem:$0x10];
	_ =	sdelay $0x4  }
0x36: {  	v61 =	vshll.u32 v3, $0x2  }
0x37: {  	v3 =	vand.u32 $0x7, v3;
	v4 =	vand.u32 $0xFFFFFFE0, v61  }
0x38: {  	v3 =	vor.u32 v3, v4  }
0x39: {  	v4 =	vperm.xlane v3, v0;
	_ =	sdelay $0x1  }
0x3a: {  	v4 =	vadd.s32 v1, v4;
	_ =	sdelay $0x1  }
0x3b: {  	v3 =	vperm.xlane v3, v2;
	_ =	sdelay $0x1  }
0x3c: {  	v3 =	vadd.s32 v1, v3  }
0x3d: {  	[tilespmem:s16], [sflag:$0x1] =	stream.indirect_vreg.gather [hbm4b:s3+s2], $0x80, v4, vm0, $0xb8;
	[tilespmem:$0x10100] =	vst v63  }
0x3e: {  	_ = 	snop  }
0x3f: {  	[tilespmem:s17], [sflag:$0x1] =	stream.indirect_vreg.gather [hbm4b:s6+s2], $0x80, v4, vm0, $0xb8;
	[tilespmem:$0x10100] =	vst v63  }
0x40: {  	_ = 	snop  }
0x41: {  	[tilespmem:s18], [sflag:$0x1] =	stream.indirect_vreg.gather [hbm4b:s3+s2], $0x80, v3, vm0, $0xb8;
	[tilespmem:$0x10100] =	vst v63  }
0x42: {  	_ = 	snop  }
0x43: {  	[tilespmem:s19], [sflag:$0x1] =	stream.indirect_vreg.gather [hbm4b:s6+s2], $0x80, v3, vm0, $0xb8;
	[tilespmem:$0x10100] =	vst v63  }
0x44: {  	v3 =	vld [tilespmem:$0x20];
	_ =	sdelay $0x4  }
0x45: {  	v62 =	vshll.u32 v3, $0x2  }
0x46: {  	v3 =	vand.u32 $0x7, v3;
	v4 =	vand.u32 $0xFFFFFFE0, v62  }
0x47: {  	v3 =	vor.u32 v3, v4  }
0x48: {  	v4 =	vperm.xlane v3, v0;
	_ =	sdelay $0x1  }
0x49: {  	v4 =	vadd.s32 v1, v4;
	_ =	sdelay $0x1  }
0x4a: {  	v3 =	vperm.xlane v3, v2;
	_ =	sdelay $0x1  }
0x4b: {  	v3 =	vadd.s32 v1, v3  }
0x4c: {  	[tilespmem:s20], [sflag:$0x1] =	stream.indirect_vreg.gather [hbm4b:s3+s2], $0x80, v4, vm0, $0xb8;
	[tilespmem:$0x10100] =	vst v63  }
0x4d: {  	_ = 	snop  }
0x4e: {  	[tilespmem:s21], [sflag:$0x1] =	stream.indirect_vreg.gather [hbm4b:s6+s2], $0x80, v4, vm0, $0xb8;
	[tilespmem:$0x10100] =	vst v63  }
0x4f: {  	_ = 	snop  }
0x50: {  	[tilespmem:s22], [sflag:$0x1] =	stream.indirect_vreg.gather [hbm4b:s3+s2], $0x80, v3, vm0, $0xb8;
	[tilespmem:$0x10100] =	vst v63  }
0x51: {  	_ = 	snop  }
0x52: {  	[tilespmem:s23], [sflag:$0x1] =	stream.indirect_vreg.gather [hbm4b:s6+s2], $0x80, v3, vm0, $0xb8;
	[tilespmem:$0x10100] =	vst v63  }
0x53: {  	v3 =	vld [tilespmem:$0x30];
	_ =	sdelay $0x4  }
0x54: {  	v63 =	vshll.u32 v3, $0x2  }
0x55: {  	v3 =	vand.u32 $0x7, v3;
	v4 =	vand.u32 $0xFFFFFFE0, v63  }
0x56: {  	v3 =	vor.u32 v3, v4  }
0x57: {  	v4 =	vperm.xlane v3, v0;
	_ =	sdelay $0x1  }
0x58: {  	v4 =	vadd.s32 v1, v4;
	_ =	sdelay $0x1  }
0x59: {  	v3 =	vperm.xlane v3, v2;
	_ =	sdelay $0x1  }
0x5a: {  	v3 =	vadd.s32 v1, v3  }
0x5b: {  	[tilespmem:s24], [sflag:$0x1] =	stream.indirect_vreg.gather [hbm4b:s3+s2], $0x80, v4, vm0, $0xb8;
	[tilespmem:$0x10100] =	vst v63  }
0x5c: {  	_ = 	snop  }
0x5d: {  	[tilespmem:s25], [sflag:$0x1] =	stream.indirect_vreg.gather [hbm4b:s6+s2], $0x80, v4, vm0, $0xb8;
	[tilespmem:$0x10100] =	vst v63  }
0x5e: {  	_ = 	snop  }
0x5f: {  	[tilespmem:s26], [sflag:$0x1] =	stream.indirect_vreg.gather [hbm4b:s3+s2], $0x80, v3, vm0, $0xb8;
	[tilespmem:$0x10100] =	vst v63  }
0x60: {  	s10 =	smov.u32 s0;
	s7 =	simm.s32 $0x0;
	s9 =	rddreg [dreg:$0x16]  }
0x61: {  	[tilespmem:s28], [sflag:$0x1] =	stream.indirect_vreg.gather [hbm4b:s6+s2], $0x80, v3, vm0, $0xb8;
	[tilespmem:$0x10100] =	vst v63  }
.LBB2_2:
0x62: {  	s8 =	rddreg [dreg:$0x2]  }
0x63: {  	s5 =	rddreg [dreg:$0x3];
	s8 =	sadd.s32 s7, s8  }
0x64: {  	[tilespmem:s5], [sflag:$0x3] =	stream.linear.gather [hbm4b:s8+s2], $0x40, $0x38;
	[tilespmem:$0x10100] =	vst v63  }
0x65: {  	_ =	swait.ge [sflag:s11], $0x40  }
0x66: {  	[sflag:s11] =	ssyncset.done $0x0  }
0x67: {  	[sflag:s11] =	ssyncadd.s32 $0xFFFFFFC0  }
0x68: {  	v3 =	vld [tilespmem:$0x80];
	_ =	sdelay $0x4  }
0x69: {  	v4 =	vshll.u32 v3, $0x2  }
0x6a: {  	v3 =	vand.u32 $0x7, v3;
	v4 =	vand.u32 $0xFFFFFFE0, v4  }
0x6b: {  	v3 =	vor.u32 v3, v4  }
0x6c: {  	v4 =	vperm.xlane v3, v0;
	_ =	sdelay $0x1  }
0x6d: {  	v4 =	vadd.s32 v1, v4;
	_ =	sdelay $0x1  }
0x6e: {  	v3 =	vperm.xlane v3, v2;
	_ =	sdelay $0x1  }
0x6f: {  	v3 =	vadd.s32 v1, v3  }
0x70: {  	[tilespmem:s29], [sflag:$0x2] =	stream.indirect_vreg.gather [hbm4b:s3+s2], $0x80, v4, vm0, $0xb8;
	[tilespmem:$0x10100] =	vst v63  }
0x71: {  	s5 =	rddreg [dreg:$0x4]  }
0x72: {  	[tilespmem:s5], [sflag:$0x2] =	stream.indirect_vreg.gather [hbm4b:s6+s2], $0x80, v4, vm0, $0xb8;
	[tilespmem:$0x10100] =	vst v63  }
0x73: {  	s8 =	rddreg [dreg:$0x5]  }
0x74: {  	[tilespmem:s8], [sflag:$0x2] =	stream.indirect_vreg.gather [hbm4b:s3+s2], $0x80, v3, vm0, $0xb8;
	[tilespmem:$0x10100] =	vst v63  }
0x75: {  	s5 =	rddreg [dreg:$0x6]  }
0x76: {  	[tilespmem:s5], [sflag:$0x2] =	stream.indirect_vreg.gather [hbm4b:s6+s2], $0x80, v3, vm0, $0xb8;
	[tilespmem:$0x10100] =	vst v63  }
0x77: {  	v3 =	vld [tilespmem:$0x90];
	_ =	sdelay $0x4  }
0x78: {  	v57 =	vshll.u32 v3, $0x2  }
0x79: {  	v3 =	vand.u32 $0x7, v3;
	v4 =	vand.u32 $0xFFFFFFE0, v57  }
0x7a: {  	v3 =	vor.u32 v3, v4  }
0x7b: {  	v4 =	vperm.xlane v3, v0;
	_ =	sdelay $0x1  }
0x7c: {  	v4 =	vadd.s32 v1, v4;
	_ =	sdelay $0x1  }
0x7d: {  	v3 =	vperm.xlane v3, v2;
	_ =	sdelay $0x1  }
0x7e: {  	s5 =	rddreg [dreg:$0x7];
	v3 =	vadd.s32 v1, v3  }
0x7f: {  	[tilespmem:s5], [sflag:$0x2] =	stream.indirect_vreg.gather [hbm4b:s3+s2], $0x80, v4, vm0, $0xb8;
	[tilespmem:$0x10100] =	vst v63  }
0x80: {  	s8 =	rddreg [dreg:$0x8]  }
0x81: {  	[tilespmem:s8], [sflag:$0x2] =	stream.indirect_vreg.gather [hbm4b:s6+s2], $0x80, v4, vm0, $0xb8;
	[tilespmem:$0x10100] =	vst v63  }
0x82: {  	s5 =	rddreg [dreg:$0x9]  }
0x83: {  	[tilespmem:s5], [sflag:$0x2] =	stream.indirect_vreg.gather [hbm4b:s3+s2], $0x80, v3, vm0, $0xb8;
	[tilespmem:$0x10100] =	vst v63  }
0x84: {  	s8 =	rddreg [dreg:$0xa]  }
0x85: {  	[tilespmem:s8], [sflag:$0x2] =	stream.indirect_vreg.gather [hbm4b:s6+s2], $0x80, v3, vm0, $0xb8;
	[tilespmem:$0x10100] =	vst v63  }
0x86: {  	v3 =	vld [tilespmem:$0xA0];
	_ =	sdelay $0x4  }
0x87: {  	v58 =	vshll.u32 v3, $0x2  }
0x88: {  	v3 =	vand.u32 $0x7, v3;
	v4 =	vand.u32 $0xFFFFFFE0, v58  }
0x89: {  	v3 =	vor.u32 v3, v4  }
0x8a: {  	v4 =	vperm.xlane v3, v0;
	_ =	sdelay $0x1  }
0x8b: {  	v4 =	vadd.s32 v1, v4;
	_ =	sdelay $0x1  }
0x8c: {  	v3 =	vperm.xlane v3, v2;
	_ =	sdelay $0x1  }
0x8d: {  	s5 =	rddreg [dreg:$0xb];
	v3 =	vadd.s32 v1, v3  }
0x8e: {  	[tilespmem:s5], [sflag:$0x2] =	stream.indirect_vreg.gather [hbm4b:s3+s2], $0x80, v4, vm0, $0xb8;
	[tilespmem:$0x10100] =	vst v63  }
0x8f: {  	s8 =	rddreg [dreg:$0xc]  }
0x90: {  	[tilespmem:s8], [sflag:$0x2] =	stream.indirect_vreg.gather [hbm4b:s6+s2], $0x80, v4, vm0, $0xb8;
	[tilespmem:$0x10100] =	vst v63  }
0x91: {  	s5 =	rddreg [dreg:$0xd]  }
0x92: {  	[tilespmem:s5], [sflag:$0x2] =	stream.indirect_vreg.gather [hbm4b:s3+s2], $0x80, v3, vm0, $0xb8;
	[tilespmem:$0x10100] =	vst v63  }
0x93: {  	s8 =	rddreg [dreg:$0xe]  }
0x94: {  	[tilespmem:s8], [sflag:$0x2] =	stream.indirect_vreg.gather [hbm4b:s6+s2], $0x80, v3, vm0, $0xb8;
	[tilespmem:$0x10100] =	vst v63  }
0x95: {  	v3 =	vld [tilespmem:$0xB0];
	_ =	sdelay $0x4  }
0x96: {  	v59 =	vshll.u32 v3, $0x2  }
0x97: {  	v3 =	vand.u32 $0x7, v3;
	v4 =	vand.u32 $0xFFFFFFE0, v59  }
0x98: {  	v3 =	vor.u32 v3, v4  }
0x99: {  	v4 =	vperm.xlane v3, v0;
	_ =	sdelay $0x1  }
0x9a: {  	v4 =	vadd.s32 v1, v4;
	_ =	sdelay $0x1  }
0x9b: {  	v3 =	vperm.xlane v3, v2;
	_ =	sdelay $0x1  }
0x9c: {  	s5 =	rddreg [dreg:$0xf];
	v3 =	vadd.s32 v1, v3  }
0x9d: {  	[tilespmem:s5], [sflag:$0x2] =	stream.indirect_vreg.gather [hbm4b:s3+s2], $0x80, v4, vm0, $0xb8;
	[tilespmem:$0x10100] =	vst v63  }
0x9e: {  	s8 =	rddreg [dreg:$0x10]  }
0x9f: {  	[tilespmem:s8], [sflag:$0x2] =	stream.indirect_vreg.gather [hbm4b:s6+s2], $0x80, v4, vm0, $0xb8;
	[tilespmem:$0x10100] =	vst v63  }
0xa0: {  	s5 =	rddreg [dreg:$0x11]  }
0xa1: {  	[tilespmem:s5], [sflag:$0x2] =	stream.indirect_vreg.gather [hbm4b:s3+s2], $0x80, v3, vm0, $0xb8;
	[tilespmem:$0x10100] =	vst v63  }
0xa2: {  	s8 =	rddreg [dreg:$0x12]  }
0xa3: {  	[tilespmem:s8], [sflag:$0x2] =	stream.indirect_vreg.gather [hbm4b:s6+s2], $0x80, v3, vm0, $0xb8;
	[tilespmem:$0x10100] =	vst v63  }
0xa4: {  	_ =	swait.ge [sflag:s30], $0x8000  }
0xa5: {  	[sflag:s30] =	ssyncset.done $0x0  }
0xa6: {  	[sflag:s30] =	ssyncadd.s32 $0xFFFF8000  }
0xa7: {  	[hbm4b:s9+s2] =	stream.linear.scatter [tilespmem:s12], [sflag:$0x3], $0x8000, $0x38;
	[tilespmem:$0x10100] =	vst v63  }
0xa8: {  	_ =	swait.ge [sflag:s11], $0x8000  }
0xa9: {  	s8 =	sshrl.u32 s10, $0x3;
	[sflag:s11] =	ssyncset.done $0x0  }
0xaa: {  	s5 =	sadd.s32 s4, s8;
	[sflag:s11] =	ssyncadd.s32 $0xFFFF8000  }
0xab: {  	[tilespmem:s2], [sflag:$0x3] =	stream.linear.gather [hbm4b:s5+s2], $0x40, $0x38;
	[tilespmem:$0x10100] =	vst v63  }
0xac: {  	_ =	swait.ge [sflag:s11], $0x40  }
0xad: {  	[sflag:s11] =	ssyncset.done $0x0  }
0xae: {  	[sflag:s11] =	ssyncadd.s32 $0xFFFFFFC0  }
0xaf: {  	v3 =	vld [tilespmem:$0x0];
	_ =	sdelay $0x4  }
0xb0: {  	v60 =	vshll.u32 v3, $0x2  }
0xb1: {  	v3 =	vand.u32 $0x7, v3;
	v4 =	vand.u32 $0xFFFFFFE0, v60  }
0xb2: {  	v3 =	vor.u32 v3, v4  }
0xb3: {  	v4 =	vperm.xlane v3, v0;
	_ =	sdelay $0x1  }
0xb4: {  	v4 =	vadd.s32 v1, v4;
	_ =	sdelay $0x1  }
0xb5: {  	v3 =	vperm.xlane v3, v2;
	_ =	sdelay $0x1  }
0xb6: {  	v3 =	vadd.s32 v1, v3  }
0xb7: {  	[tilespmem:s12], [sflag:$0x1] =	stream.indirect_vreg.gather [hbm4b:s3+s2], $0x80, v4, vm0, $0xb8;
	[tilespmem:$0x10100] =	vst v63  }
0xb8: {  	_ = 	snop  }
0xb9: {  	[tilespmem:s13], [sflag:$0x1] =	stream.indirect_vreg.gather [hbm4b:s6+s2], $0x80, v4, vm0, $0xb8;
	[tilespmem:$0x10100] =	vst v63  }
0xba: {  	_ = 	snop  }
0xbb: {  	[tilespmem:s14], [sflag:$0x1] =	stream.indirect_vreg.gather [hbm4b:s3+s2], $0x80, v3, vm0, $0xb8;
	[tilespmem:$0x10100] =	vst v63  }
0xbc: {  	_ = 	snop  }
0xbd: {  	[tilespmem:s15], [sflag:$0x1] =	stream.indirect_vreg.gather [hbm4b:s6+s2], $0x80, v3, vm0, $0xb8;
	[tilespmem:$0x10100] =	vst v63  }
0xbe: {  	v3 =	vld [tilespmem:$0x10];
	_ =	sdelay $0x4  }
0xbf: {  	v61 =	vshll.u32 v3, $0x2  }
0xc0: {  	v3 =	vand.u32 $0x7, v3;
	v4 =	vand.u32 $0xFFFFFFE0, v61  }
0xc1: {  	v3 =	vor.u32 v3, v4  }
0xc2: {  	v4 =	vperm.xlane v3, v0;
	_ =	sdelay $0x1  }
0xc3: {  	v4 =	vadd.s32 v1, v4;
	_ =	sdelay $0x1  }
0xc4: {  	v3 =	vperm.xlane v3, v2;
	_ =	sdelay $0x1  }
0xc5: {  	v3 =	vadd.s32 v1, v3  }
0xc6: {  	[tilespmem:s16], [sflag:$0x1] =	stream.indirect_vreg.gather [hbm4b:s3+s2], $0x80, v4, vm0, $0xb8;
	[tilespmem:$0x10100] =	vst v63  }
0xc7: {  	_ = 	snop  }
0xc8: {  	[tilespmem:s17], [sflag:$0x1] =	stream.indirect_vreg.gather [hbm4b:s6+s2], $0x80, v4, vm0, $0xb8;
	[tilespmem:$0x10100] =	vst v63  }
0xc9: {  	_ = 	snop  }
0xca: {  	[tilespmem:s18], [sflag:$0x1] =	stream.indirect_vreg.gather [hbm4b:s3+s2], $0x80, v3, vm0, $0xb8;
	[tilespmem:$0x10100] =	vst v63  }
0xcb: {  	_ = 	snop  }
0xcc: {  	[tilespmem:s19], [sflag:$0x1] =	stream.indirect_vreg.gather [hbm4b:s6+s2], $0x80, v3, vm0, $0xb8;
	[tilespmem:$0x10100] =	vst v63  }
0xcd: {  	v3 =	vld [tilespmem:$0x20];
	_ =	sdelay $0x4  }
0xce: {  	v62 =	vshll.u32 v3, $0x2  }
0xcf: {  	v3 =	vand.u32 $0x7, v3;
	v4 =	vand.u32 $0xFFFFFFE0, v62  }
0xd0: {  	v3 =	vor.u32 v3, v4  }
0xd1: {  	v4 =	vperm.xlane v3, v0;
	_ =	sdelay $0x1  }
0xd2: {  	v4 =	vadd.s32 v1, v4;
	_ =	sdelay $0x1  }
0xd3: {  	v3 =	vperm.xlane v3, v2;
	_ =	sdelay $0x1  }
0xd4: {  	v3 =	vadd.s32 v1, v3  }
0xd5: {  	[tilespmem:s20], [sflag:$0x1] =	stream.indirect_vreg.gather [hbm4b:s3+s2], $0x80, v4, vm0, $0xb8;
	[tilespmem:$0x10100] =	vst v63  }
0xd6: {  	_ = 	snop  }
0xd7: {  	[tilespmem:s21], [sflag:$0x1] =	stream.indirect_vreg.gather [hbm4b:s6+s2], $0x80, v4, vm0, $0xb8;
	[tilespmem:$0x10100] =	vst v63  }
0xd8: {  	_ = 	snop  }
0xd9: {  	[tilespmem:s22], [sflag:$0x1] =	stream.indirect_vreg.gather [hbm4b:s3+s2], $0x80, v3, vm0, $0xb8;
	[tilespmem:$0x10100] =	vst v63  }
0xda: {  	_ = 	snop  }
0xdb: {  	[tilespmem:s23], [sflag:$0x1] =	stream.indirect_vreg.gather [hbm4b:s6+s2], $0x80, v3, vm0, $0xb8;
	[tilespmem:$0x10100] =	vst v63  }
0xdc: {  	v3 =	vld [tilespmem:$0x30];
	_ =	sdelay $0x4  }
0xdd: {  	v63 =	vshll.u32 v3, $0x2  }
0xde: {  	v3 =	vand.u32 $0x7, v3;
	v4 =	vand.u32 $0xFFFFFFE0, v63  }
0xdf: {  	v3 =	vor.u32 v3, v4  }
0xe0: {  	v4 =	vperm.xlane v3, v0;
	_ =	sdelay $0x1  }
0xe1: {  	v4 =	vadd.s32 v1, v4;
	_ =	sdelay $0x1  }
0xe2: {  	v3 =	vperm.xlane v3, v2;
	_ =	sdelay $0x1  }
0xe3: {  	v3 =	vadd.s32 v1, v3  }
0xe4: {  	[tilespmem:s24], [sflag:$0x1] =	stream.indirect_vreg.gather [hbm4b:s3+s2], $0x80, v4, vm0, $0xb8;
	[tilespmem:$0x10100] =	vst v63  }
0xe5: {  	_ = 	snop  }
0xe6: {  	[tilespmem:s25], [sflag:$0x1] =	stream.indirect_vreg.gather [hbm4b:s6+s2], $0x80, v4, vm0, $0xb8;
	[tilespmem:$0x10100] =	vst v63  }
0xe7: {  	_ = 	snop  }
0xe8: {  	[tilespmem:s26], [sflag:$0x1] =	stream.indirect_vreg.gather [hbm4b:s3+s2], $0x80, v3, vm0, $0xb8;
	[tilespmem:$0x10100] =	vst v63  }
0xe9: {  	_ = 	snop  }
0xea: {  	[tilespmem:s28], [sflag:$0x1] =	stream.indirect_vreg.gather [hbm4b:s6+s2], $0x80, v3, vm0, $0xb8;
	[tilespmem:$0x10100] =	vst v63  }
0xeb: {  	_ =	swait.ge [sflag:s31], $0x8000  }
0xec: {  	p0 =	sne.s32 s7, $0x260;
	[sflag:s31] =	ssyncset.done $0x0  }
.Ltmp0:
0xed: {  	s8 =	sadd.s32 $0x1000, s9;
	[sflag:s31] =	ssyncadd.s32 $0xFFFF8000;
	(pc) =	sbr.rel @p0 .LBB2_2-.Ltmp0, $4  }
0xee: {  	[hbm4b:s8+s2] =	stream.linear.scatter [tilespmem:s29], [sflag:$0x3], $0x8000, $0x38;
	[tilespmem:$0x10100] =	vst v63  }
0xef: {  	_ =	swait.ge [sflag:s11], $0x8000  }
0xf0: {  	s7 =	sadd.s32 $0x10, s7;
	[sflag:s11] =	ssyncset.done $0x0  }
0xf1: {  	s10 =	sadd.s32 $0x80, s10;
	s9 =	sadd.s32 $0x2000, s9;
	[sflag:s11] =	ssyncadd.s32 $0xFFFF8000  }
0xf2: {  	_ =	swait.ge [sflag:s30], $0x8000  }
0xf3: {  	[sflag:s30] =	ssyncset.done $0x0  }
0xf4: {  	s5 =	rddreg [dreg:$0x14];
	[sflag:s30] =	ssyncadd.s32 $0xFFFF8000  }
0xf5: {  	[hbm4b:s5+s2] =	stream.linear.scatter [tilespmem:s12], [sflag:$0x3], $0x8000, $0x38;
	[tilespmem:$0x10100] =	vst v63  }
0xf6: {  	_ =	swait.ge [sflag:s11], $0x8000  }
0xf7: {  	s1 =	sadd.s32 $0x1, s1;
	s10 =	rddreg [dreg:$0x15]  }
0xf8: {  	p0 =	sne.s32 s1, s10  }
.Ltmp1:
0xf9: {  	_ = 	snop;
	(pc) =	sbr.rel @p0 .LBB2_1-.Ltmp1, $3  }
0xfa: {  	_ =	sdelay $0x1  }
0xfb: {  	[sflag:s11] =	ssyncset.done $0x0  }
0xfc: {  	[sflag:s11] =	ssyncadd.s32 $0xFFFF8000  }
0xfd: {  	_ =	sfence.sel $0x180000  }
0xfe: {  	[bflag:$0x0] =	sbarrier.arrive $0xFFFF  }
0xff: {  	_ =	strace $0x9000004D  }
0x100: {  	s0 =	stileid.u32;
	[bflag:$0x2] =	sbarrier.arrive $0xFFFF  }
0x101: {  	p0 =	sne.s32 s0, $0x0;
	s0 =	rddreg [dreg:$0x1]  }
0x102: {  	s0 =	sadd.s32 @!p0 $0x100000, s0  }
0x103: {  	[sflag:s0] =	ssyncadd.tile.s32 @!p0 $0x1;
	_ =	shalt  }
.Lfunc_end2:
_tile_overlayer_lowered:
.L_overlay_start_2:
0x104: {  	(tag) =	ssettag $0x2  }
0x105: {  	s0 =	rddreg [dreg:$0x0];
	s2 =	stileid.u32  }
0x106: {  	s1 =	rddreg [dreg:$0x1];
	p0 =	sne.s32 s2, $0x0  }
0x107: {  	s3 =	rddreg [dreg:$0x2];
	[bflag:$0x3] =	sbarrier.arrive $0xFFFF;
	s2 =	simm.s32 @!p0 $0x1C03  }
0x108: {  	[timem:s3], [sflag:s2] =	dma.local @!p0 [hbm:s0], s1  }
0x109: {  	s0 =	simm.s32 @!p0 $0x3  }
0x10a: {  	_ =	swait.ge @!p0 [sflag:s0], s1  }
0x10b: {  	s1 =	ssub.s32 @!p0 $0x0, s1;
	[sflag:s0] =	ssyncset.done @!p0 $0x0  }
0x10c: {  	[sflag:s0] =	ssyncadd.s32 @!p0 s1  }
0x10d: {  	[bflag:$0x3] =	sbarrier.arrive $0xFFFF  }
0x10e: {  	_ =	shalt  }

// kernel: kernel.9.cloned.1.call-start
scs
__scs_entry_jumppad:
0x0: {  	(pc) =	sbr.rel $0x88, $3  }
0x1: {  	(tag) =	ssettag $0x0;
	lr =	simm.s32 $0x1  }
0x2: {  	[smem:$0x3F63] =	sst lr;
	_ =	strace $0xD0000000  }
0x3: {  	_ = 	snop  }
0x4: {  	_ = 	snop  }
0x5: {  	_ = 	snop  }
0x6: {  	_ = 	snop  }
0x7: {  	_ = 	snop  }
__scs_overlays_trampoline_lowered:
0x8: {  	[smem:$0x3F72] =	sst s0  }
0x9: {  	[smem:$0x3F73] =	sst s1  }
0xa: {  	[smem:$0x3F74] =	sst s2  }
0xb: {  	[smem:$0x3F75] =	sst s3  }
0xc: {  	[smem:$0x3F76] =	sst s4  }
0xd: {  	[smem:$0x3F77] =	sst s5  }
0xe: {  	[smem:$0x3F78] =	sst s6  }
0xf: {  	[smem:$0x3F79] =	sst s7  }
0x10: {  	[smem:$0x3F7A] =	sst s8  }
0x11: {  	[smem:$0x3F7B] =	sst s9;
	s0 =	simm.s32 @!p0 $0x0  }
0x12: {  	s1 =	sld [smem:$0x3F61];
	s0 =	simm.s32 @p0 $0x1  }
0x13: {  	[smem:$0x3F7C] =	sst s0;
	s0 =	simm.s32 @!p1 $0x0  }
0x14: {  	s2 =	sld [smem:$0x3F60];
	s0 =	simm.s32 @p1 $0x1  }
0x15: {  	[smem:$0x3F7D] =	sst s0;
	s0 =	simm.s32 @!p2 $0x0  }
0x16: {  	s3 =	sld [smem:$0x3FDB];
	s0 =	simm.s32 @p2 $0x1  }
0x17: {  	s4 =	simm.s32 $0x1BF5;
	[smem:$0x3F7F] =	sst s0  }
0x18: {  	s0 =	sld [smem:$0x3F62];
	_ =	swait.ge [sflag:s4], $0x0  }
0x19: {  	s7 =	sld [smem:$0x3F63]  }
0x1a: {  	s8 =	sadd.s32 $0xFFFFE003, lr  }
0x1b: {  	s9 =	sadd.s32 $0xFFFFFEF7, lr;
	s5 =	simm.s32 $0xFFFFFFFF;
	p2 =	slt.u32 s8, $0xFFFFF086  }
0x1c: {  	p1 =	slt.u32 s9, $0xF7A;
	s5 =	simm.s32 @!p2 $0x0  }
0x1d: {  	s5 =	simm.s32 @p1 $0x1;
	p0 =	seq.s32 s7, s2  }
0x1e: {  	s7 =	smul.u32 @!p0 $0xF7A, s2;
	p2 =	seq.s32 @!p0 s5, $0x0  }
0x1f: {  	s9 =	smul.u32 $0xF7A, s1;
	s8 =	simm.s32 @!p0 $0x1BF5;
	p2 =	por !p2, p0  }
0x20: {  	[sflag:s8] =	ssyncset.s32 @!p0 $0xFFFFF086;
	s6 =	sadd.s32 @!p0 s3, s7;
	s7 =	simm.s32 @!p0 $0x108  }
0x21: {  	s3 =	sadd.s32 s3, s9;
	s6 =	sadd.s32 @!p0 $0x88, s6;
	s7 =	simm.s32 @p2 $0x1082  }
0x22: {  	[simem:s7], [sflag:s8] =	dma.local @!p0 [hbm:s6], $0xF7A  }
0x23: {  	s9 =	sor.u32 $0xD0000000, s2;
	s6 =	simm.s32 $0x108;
	_ =	swait.ge @!p0 [sflag:s8], $0x0  }
0x24: {  	s3 =	sadd.s32 $0x88, s3;
	s6 =	simm.s32 @!p1 $0x1082;
	[sflag:s4] =	ssyncset.s32 $0xFFFFF086  }
0x25: {  	[simem:s6], [sflag:s4] =	dma.local [hbm:s3], $0xF7A  }
0x26: {  	[smem:$0x3F63] =	sst s1;
	(tag) =	ssettag s2;
	_ =	strace s9  }
0x27: {  	s1 =	sld [smem:$0x3F73]  }
0x28: {  	s2 =	sld [smem:$0x3F74]  }
0x29: {  	s4 =	sld [smem:$0x3F76]  }
0x2a: {  	p0 =	seq.s32 s5, $0x0;
	s5 =	sld [smem:$0x3F77]  }
0x2b: {  	s6 =	sld [smem:$0x3F78]  }
0x2c: {  	s7 =	sld [smem:$0x3F79]  }
0x2d: {  	s3 =	simm.s32 $0x108;
	s8 =	sld [smem:$0x3F7A]  }
0x2e: {  	s3 =	simm.s32 @!p0 $0x1082;
	s9 =	sld [smem:$0x3F7B]  }
0x2f: {  	lr =	sadd.s32 s0, s3;
	s0 =	sld [smem:$0x3F72]  }
0x30: {  	s3 =	sld [smem:$0x3F75]  }
0x31: {  	[smem:$0x3F7E] =	sst s10  }
0x32: {  	s10 =	sld [smem:$0x3F7C];
	_ =	sdelay $0x3  }
0x33: {  	p0 =	seq.s32 s10, $0x1;
	s10 =	sld [smem:$0x3F7E];
	_ =	sdelay $0x3  }
0x34: {  	[smem:$0x3F7E] =	sst s10  }
0x35: {  	s10 =	sld [smem:$0x3F7D];
	_ =	sdelay $0x3  }
0x36: {  	p1 =	seq.s32 s10, $0x1;
	s10 =	sld [smem:$0x3F7E];
	_ =	sdelay $0x3  }
0x37: {  	[smem:$0x3F7E] =	sst s10  }
0x38: {  	s10 =	sld [smem:$0x3F7F]  }
0x39: {  	_ = 	snop;
	(pc) =	sbr.ind lr, $3  }
0x3a: {  	_ = 	snop  }
0x3b: {  	_ = 	snop  }
0x3c: {  	p2 =	seq.s32 s10, $0x1;
	s10 =	sld [smem:$0x3F7E]  }
0x3d: {  	_ =	shalt  }
0x3e: {  	_ =	shalt  }
0x3f: {  	_ =	shalt  }
0x40: {  	_ =	shalt  }
0x41: {  	_ =	shalt  }
0x42: {  	_ =	shalt  }
0x43: {  	_ =	shalt  }
0x44: {  	_ =	shalt  }
0x45: {  	_ =	shalt  }
0x46: {  	_ =	shalt  }
0x47: {  	_ =	shalt  }
0x48: {  	_ =	shalt  }
0x49: {  	_ =	shalt  }
0x4a: {  	_ =	shalt  }
0x4b: {  	_ =	shalt  }
0x4c: {  	_ =	shalt  }
0x4d: {  	_ =	shalt  }
0x4e: {  	_ =	shalt  }
0x4f: {  	_ =	shalt  }
0x50: {  	_ =	shalt  }
0x51: {  	_ =	shalt  }
0x52: {  	_ =	shalt  }
0x53: {  	_ =	shalt  }
0x54: {  	_ =	shalt  }
0x55: {  	_ =	shalt  }
0x56: {  	_ =	shalt  }
0x57: {  	_ =	shalt  }
0x58: {  	_ =	shalt  }
0x59: {  	_ =	shalt  }
0x5a: {  	_ =	shalt  }
0x5b: {  	_ =	shalt  }
0x5c: {  	_ =	shalt  }
0x5d: {  	_ =	shalt  }
0x5e: {  	_ =	shalt  }
0x5f: {  	_ =	shalt  }
0x60: {  	_ =	shalt  }
0x61: {  	_ =	shalt  }
0x62: {  	_ =	shalt  }
0x63: {  	_ =	shalt  }
0x64: {  	_ =	shalt  }
0x65: {  	_ =	shalt  }
0x66: {  	_ =	shalt  }
0x67: {  	_ =	shalt  }
0x68: {  	_ =	shalt  }
0x69: {  	_ =	shalt  }
0x6a: {  	_ =	shalt  }
0x6b: {  	_ =	shalt  }
0x6c: {  	_ =	shalt  }
0x6d: {  	_ =	shalt  }
0x6e: {  	_ =	shalt  }
0x6f: {  	_ =	shalt  }
0x70: {  	_ =	shalt  }
0x71: {  	_ =	shalt  }
0x72: {  	_ =	shalt  }
0x73: {  	_ =	shalt  }
0x74: {  	_ =	shalt  }
0x75: {  	_ =	shalt  }
0x76: {  	_ =	shalt  }
0x77: {  	_ =	shalt  }
0x78: {  	_ =	shalt  }
0x79: {  	_ =	shalt  }
0x7a: {  	_ =	shalt  }
0x7b: {  	_ =	shalt  }
0x7c: {  	_ =	shalt  }
0x7d: {  	_ =	shalt  }
0x7e: {  	_ =	shalt  }
0x7f: {  	_ =	shalt  }
0x80: {  	_ =	shalt  }
0x81: {  	_ =	shalt  }
0x82: {  	_ =	shalt  }
0x83: {  	_ =	shalt  }
0x84: {  	_ =	shalt  }
0x85: {  	_ =	shalt  }
0x86: {  	_ =	shalt  }
0x87: {  	_ =	shalt  }
.Lfunc_end0:
.L_simem_size_0:
called_computation_lowered:
.L_overlay_start_0:
0x88: {  	s2 =	sld [smem:$0x3FD9]  }
0x89: {  	s3 =	sld [smem:$0x3FFE];
	_ =	sdelay $0x1  }
0x8a: {  	s1 =	srdreg.scid  }
0x8b: {  	s0 =	sand.u32 $0x1, s1  }
0x8c: {  	s17 =	sshll.u32 s0, $0xA;
	s2 =	sadd.s32 s3, s2  }
0x8d: {  	s2 =	sadd.s32 s2, s17  }
0x8e: {  	[smem:$0x3F8A] =	sst s2  }
0x8f: {  	_ = 	snop  }
0x90: {  	s2 =	sld [smem:$0x3FD0];
	(tm) =	ssettm $0x1  }
0x91: {  	s18 =	sld [smem:$0x3FFB];
	_ =	sdelay $0x3  }
0x92: {  	_ =	strace s18  }
0x93: {  	s3 =	sld [smem:$0x3FFC];
	_ =	sdelay $0x3  }
0x94: {  	_ =	strace s3  }
0x95: {  	s3 =	sld [smem:$0x3FFD];
	_ =	sdelay $0x3  }
0x96: {  	_ =	strace s3  }
0x97: {  	_ =	strace $0x8FFFFFFF  }
0x98: {  	s19 =	sld [smem:$0x3FDB];
	_ =	sdelay $0x1  }
0x99: {  	s4 =	simm.s32 $_scs_section_size  }
0x9a: {  	s5 =	simm.s32 $_size__tile_overlayer_lowered;
	s6 =	simm.s32 $_tile_overlayer_lowered  }
0x9b: {  	s22 =	simm.s32 $0x1BFF;
	s21 =	sshll.u32 s6, $0x1;
	s3 =	sadd.s32 s4, s19  }
0x9c: {  	s7 =	simm.s32 $0x0;
	s20 =	sshll.u32 s5, $0x1;
	s5 =	sadd.s32 s21, s3  }
0x9d: {  	[timem:s7], [sflag:s22] =	dma.local [hbm:s5], s20  }
0x9e: {  	_ =	swait.ge [sflag:s22], s20  }
0x9f: {  	s4 =	ssub.s32 $0x0, s20;
	[sflag:s22] =	ssyncset.done $0x0  }
0xa0: {  	[sflag:s22] =	ssyncadd.s32 s4;
	_ =	sdelay $0x1  }
0xa1: {  	s23 =	simm.s32 $0x1B8B  }
0xa2: {  	_ =	swait.ge [sflag:s23], $0x1  }
0xa3: {  	[sflag:s23] =	ssyncset.done $0x0  }
0xa4: {  	s25 =	simm.s32 $0x1B8E;
	s24 =	sld [smem:$0x3FFE];
	[sflag:s23] =	ssyncadd.s32 $0xFFFFFFFF  }
0xa5: {  	s26 =	simm.s32 $execute0_lowered;
	[smem:$0x3FD2] =	sst s25  }
0xa6: {  	s5 =	sshll.u32 s26, $0x1;
	_ =	strace $0x80000046;
	[dreg:$0x1] =	wrdreg $0xFFFFFFFF  }
0xa7: {  	s28 =	simm.s32 $_size_execute0_lowered;
	s3 =	sadd.s32 s3, s5;
	[dreg:$0x0] =	wrdreg $0x0  }
0xa8: {  	s5 =	sshll.u32 s28, $0x1;
	[dreg:$0x2] =	wrdreg s3  }
0xa9: {  	[dreg:$0x3] =	wrdreg s5  }
0xaa: {  	[dreg:$0x4] =	wrdreg $0xC0  }
0xab: {  	_ =	task [dreg:s7], $0x5FFFF  }
0xac: {  	[dreg:$0x1] =	wrdreg $0xFFFFFFFF  }
0xad: {  	[dreg:$0x0] =	wrdreg $0x60  }
0xae: {  	[dreg:$0x2] =	wrdreg s24  }
0xaf: {  	[dreg:$0x3] =	wrdreg s2  }
0xb0: {  	[dreg:$0x4] =	wrdreg $0x9  }
0xb1: {  	_ =	task.clear_ibuf [dreg:s7], $0x5FFFF;
	_ =	strace $0x90000046  }
0xb2: {  	s29 =	simm.s32 $0x9;
	_ =	strace $0x80000048  }
0xb3: {  	_ =	swait.ge [sflag:s29], $0x1  }
0xb4: {  	[sflag:s29] =	ssyncadd.s32 $0xFFFFFFFF  }
0xb5: {  	_ =	strace $0x90000048  }
0xb6: {  	_ =	sfence  }
0xb7: {  	s30 =	sld [smem:$0x0];
	_ =	sdelay $0x2  }
0xb8: {  	s31 =	sshll.u32 s1, $0xD;
	s1 =	sshrl.u32 s1, $0x2  }
0xb9: {  	s3 =	sand.u32 $0x4000, s31;
	s1 =	sadd.s32 s1, s30  }
0xba: {  	s0 =	sor.u32 s3, s0;
	s1 =	sshll.u32 s1, $0x11  }
0xbb: {  	s0 =	sor.u32 s1, s0  }
0xbc: {  	s0 =	sadd.s32 $0x8F2B, s0  }
0xbd: {  	[sflag:s0] =	ssyncadd.remote.s32 $0x1  }
0xbe: {  	_ =	sfence.sel $0xFFFF  }
0xbf: {  	[dreg:$0x0] =	wrdreg $0xFFFFFFFF;
	(pc) =	sbr.abs _section_cstart, $3  }
0xc0: {  	[dreg:$0x1] =	wrdreg $0xFFFFFFFF  }
0xc1: {  	_ =	task.clear_ibuf [dreg:s7], $0x2FFFF;
	_ =	strace $0x9FFFFFFF  }
0xc2: {  	(tm) =	ssettm $0x7FFFFFFF  }
0xc3: {  	_ =	shalt  }
tec
execute0_lowered:
.L_overlay_start_1:
0x0: {  	(tag) =	ssettag $0x1  }
0x1: {  	s9 =	rddreg [dreg:$0x0]  }
0x2: {  	s1 =	rddreg [dreg:$0x1]  }
0x3: {  	s0 =	rddreg [dreg:$0x2];
	s2 =	simm.s32 $0x0  }
0x4: {  	s8 =	srdreg.scid;
	s4 =	stileid.u32;
	s16 =	simm.s32 $0x7680  }
0x5: {  	s17 =	simm.s32 $0x7B80;
	s18 =	simm.s32 $0x8080;
	s19 =	simm.s32 $0x8580  }
0x6: {  	s20 =	simm.s32 $0x0;
	[smem:$0x7FF] =	sst s2;
	s3 =	sadd.s32 $0xA800, s9  }
0x7: {  	s5 =	sadd.s32 $0xA200, s9;
	s6 =	sadd.s32 $0x9C00, s9;
	s7 =	sadd.s32 $0xAE00, s9  }
0x8: {  	s10 =	sand.u32 $0x1, s8;
	s8 =	sadd.s32 $0xFE00, s9;
	s12 =	smul.u32 $0x2780, s4  }
0x9: {  	s14 =	sshll.u32 s4, $0x1;
	s9 =	sadd.s32 $0x14E00, s9;
	_ =	strace $0x80000047  }
0xa: {  	s11 =	ssub.s32 $0x2, s10;
	s15 =	smul.u32 $0x13C0, s10;
	s10 =	sor.u32 s10, s14  }
0xb: {  	s14 =	simm.s32 $0x2780;
	s13 =	sshrl.u32 s11, $0x1;
	s10 =	smul.u32 $0x13C0, s10  }
0xc: {  	s11 =	ssub.s32 s11, s13;
	s12 =	sadd.s32 s15, s12;
	s13 =	simm.s32 $0x1  }
0xd: {  	s15 =	simm.s32 $0x4F00;
	s11 =	smax.u32 s11, $0x1;
	s12 =	sshrl.u32 s12, $0x4  }
.LBB2_1:
0xe: {  	[tilespmem:s2], [sflag:$0x1] =	stream.linear.gather [hbm4b:s3+s2], $0x2780, $0x38;
	[tilespmem:$0x8A80] =	vst v63  }
0xf: {  	_ =	swait.ge [sflag:s13], $0x2780  }
0x10: {  	[sflag:s13] =	ssyncset.done $0x0  }
0x11: {  	[sflag:s13] =	ssyncadd.s32 $0xFFFFD880  }
0x12: {  	[tilespmem:s14], [sflag:$0x1] =	stream.linear.gather [hbm4b:s5+s2], $0x2780, $0x38;
	[tilespmem:$0x8A80] =	vst v63  }
0x13: {  	_ =	swait.ge [sflag:s13], $0x2780  }
0x14: {  	[sflag:s13] =	ssyncset.done $0x0  }
0x15: {  	[sflag:s13] =	ssyncadd.s32 $0xFFFFD880  }
0x16: {  	[tilespmem:s15], [sflag:$0x1] =	stream.linear.gather [hbm4b:s6+s2], $0x2780, $0x38;
	[tilespmem:$0x8A80] =	vst v63  }
0x17: {  	_ =	swait.ge [sflag:s13], $0x2780  }
0x18: {  	[sflag:s13] =	ssyncset.done $0x0  }
0x19: {  	s21 =	smov.u32 s12;
	s22 =	simm.s32 $0x0;
	[sflag:s13] =	ssyncadd.s32 $0xFFFFD880  }
.LBB2_2:
0x1a: {  	s23 =	smul.u32 $0x4F0, s22;
	_ =	sdelay $0x1  }
0x1b: {  	s23 =	sadd.s32 s10, s23  }
0x1c: {  	s23 =	sshrl.u32 s23, $0x3  }
0x1d: {  	s25 =	simm.s32 $0x0;
	s24 =	sadd.s32 s7, s23  }
0x1e: {  	[tilespmem:s16], [sflag:$0x1] =	stream.linear.gather [hbm4b:s24+s25], $0x4F0, $0x38;
	[tilespmem:$0x8A80] =	vst v63  }
0x1f: {  	_ =	swait.ge [sflag:s13], $0x4F0  }
0x20: {  	[sflag:s13] =	ssyncset.done $0x0  }
0x21: {  	s24 =	simm.s32 $0x0;
	[sflag:s13] =	ssyncadd.s32 $0xFFFFFB10  }
0x22: {  	v0 =	vld [tilespmem:s24+$0x7680];
	_ =	sdelay $0x1  }
0x23: {  	v1 =	vmov s21;
	_ =	sdelay $0x4  }
0x24: {  	v2 =	vld.idx.msk [tilespmem:v1+s2+$0x0], $0xffff  }
0x25: {  	v3 =	vld.idx.msk [tilespmem:v0+s2+$0x0], $0xffff;
	_ =	sdelay $0x4  }
0x26: {  	v2 =	vsub.f32 v3, v2;
	_ =	sdelay $0x1  }
0x27: {  	[tilespmem:s24+$0x7B80] =	vst v2  }
0x28: {  	v2 =	vld.idx.msk [tilespmem:v0+s14+$0x0], $0xffff  }
0x29: {  	v3 =	vld.idx.msk [tilespmem:v1+s14+$0x0], $0xffff;
	_ =	sdelay $0x4  }
0x2a: {  	v2 =	vsub.f32 v2, v3;
	_ =	sdelay $0x1  }
0x2b: {  	[tilespmem:s24+$0x8080] =	vst v2  }
0x2c: {  	v2 =	vld.idx.msk [tilespmem:v0+s15+$0x0], $0xffff  }
0x2d: {  	s28 =	simm.s32 $0x10;
	v3 =	vld.idx.msk [tilespmem:v1+s15+$0x0], $0xffff  }
0x2e: {  	v0 =	vld [tilespmem:s28+$0x7680]  }
0x2f: {  	s25 =	sadd.s32 $0x1, s21  }
0x30: {  	s26 =	simm.s32 $0x80;
	v1 =	vmov s25  }
.LBB2_3:
0x31: {  	_ = 	snop  }
0x32: {  	p0 =	sne.s32 s26, $0x1380;
	v2 =	vsub.f32 v2, v3;
	s29 =	smov.u32 s26;
	s26 =	sadd.s32 $0x40, s26  }
0x33: {  	_ = 	snop  }
0x34: {  	[tilespmem:s24+$0x8580] =	vst v2;
	s24 =	smov.u32 s28  }
0x35: {  	v2 =	vld.idx.msk [tilespmem:v1+s2+$0x0], $0xffff  }
0x36: {  	v3 =	vld.idx.msk [tilespmem:v0+s2+$0x0], $0xffff;
	_ =	sdelay $0x5  }
0x37: {  	v2 =	vsub.f32 v3, v2;
	_ =	sdelay $0x1  }
0x38: {  	[tilespmem:s24+$0x7B80] =	vst v2  }
0x39: {  	v2 =	vld.idx.msk [tilespmem:v0+s14+$0x0], $0xffff  }
0x3a: {  	v3 =	vld.idx.msk [tilespmem:v1+s14+$0x0], $0xffff;
	_ =	sdelay $0x5  }
0x3b: {  	v2 =	vsub.f32 v2, v3;
	_ =	sdelay $0x1  }
0x3c: {  	[tilespmem:s24+$0x8080] =	vst v2  }
0x3d: {  	v2 =	vld.idx.msk [tilespmem:v0+s15+$0x0], $0xffff  }
.Ltmp0:
0x3e: {  	v3 =	vld.idx.msk [tilespmem:v1+s15+$0x0], $0xffff;
	(pc) =	sbr.rel @p0 .LBB2_3-.Ltmp0, $4  }
0x3f: {  	s28 =	sshra.s32 s29, $0x2  }
0x40: {  	v0 =	vld [tilespmem:s28+$0x7680]  }
0x41: {  	s25 =	sadd.s32 $0x1, s25  }
0x42: {  	v1 =	vmov s25  }
0x43: {  	_ =	sdelay $0x1  }
0x44: {  	v2 =	vsub.f32 v2, v3;
	_ =	sdelay $0x1  }
0x45: {  	[tilespmem:s24+$0x8580] =	vst v2  }
0x46: {  	v2 =	vld.idx.msk [tilespmem:v1+s2+$0x0], $0xffff  }
0x47: {  	v60 =	vld.idx.msk [tilespmem:v0+s2+$0x0], $0xffff;
	_ =	sdelay $0x4  }
0x48: {  	v2 =	vsub.f32 v60, v2;
	_ =	sdelay $0x1  }
0x49: {  	[tilespmem:s28+$0x7B80] =	vst v2  }
0x4a: {  	v2 =	vld.idx.msk [tilespmem:v0+s14+$0x0], $0xffff  }
0x4b: {  	v61 =	vld.idx.msk [tilespmem:v1+s14+$0x0], $0xffff;
	_ =	sdelay $0x4  }
0x4c: {  	v2 =	vsub.f32 v2, v61;
	_ =	sdelay $0x1  }
0x4d: {  	[tilespmem:s28+$0x8080] =	vst v2  }
0x4e: {  	v62 =	vld.idx.msk [tilespmem:v0+s15+$0x0], $0xffff  }
0x4f: {  	v63 =	vld.idx.msk [tilespmem:v1+s15+$0x0], $0xffff;
	_ =	sdelay $0x4  }
0x50: {  	v0 =	vsub.f32 v62, v63;
	_ =	sdelay $0x1  }
0x51: {  	s29 =	sadd.s32 s1, s23;
	[tilespmem:s28+$0x8580] =	vst v0  }
0x52: {  	[hbm4b:s29+s2] =	stream.linear.scatter [tilespmem:s17], [sflag:$0x1], $0x4F0, $0x38;
	[tilespmem:$0x8A80] =	vst v63  }
0x53: {  	_ =	swait.ge [sflag:s13], $0x4F0  }
0x54: {  	[sflag:s13] =	ssyncset.done $0x0  }
0x55: {  	s30 =	sadd.s32 s8, s23;
	[sflag:s13] =	ssyncadd.s32 $0xFFFFFB10  }
0x56: {  	[hbm4b:s30+s2] =	stream.linear.scatter [tilespmem:s18], [sflag:$0x1], $0x4F0, $0x38;
	[tilespmem:$0x8A80] =	vst v63  }
0x57: {  	s22 =	sadd.s32 $0x1, s22;
	_ =	swait.ge [sflag:s13], $0x4F0  }
0x58: {  	p0 =	sne.s32 s22, $0x4;
	[sflag:s13] =	ssyncset.done $0x0  }
.Ltmp1:
0x59: {  	s31 =	sadd.s32 s9, s23;
	[sflag:s13] =	ssyncadd.s32 $0xFFFFFB10;
	(pc) =	sbr.rel @p0 .LBB2_2-.Ltmp1, $4  }
0x5a: {  	[hbm4b:s31+s2] =	stream.linear.scatter [tilespmem:s19], [sflag:$0x1], $0x4F0, $0x38;
	[tilespmem:$0x8A80] =	vst v63  }
0x5b: {  	_ =	swait.ge [sflag:s13], $0x4F0  }
0x5c: {  	[sflag:s13] =	ssyncset.done $0x0  }
0x5d: {  	s21 =	sadd.s32 $0x4F, s21;
	[sflag:s13] =	ssyncadd.s32 $0xFFFFFB10  }
0x5e: {  	s20 =	sadd.s32 $0x1, s20  }
0x5f: {  	p0 =	sne.s32 s20, s11  }
.Ltmp2:
0x60: {  	_ = 	snop;
	(pc) =	sbr.rel @p0 .LBB2_1-.Ltmp2, $1  }
0x61: {  	_ =	sdelay $0x3  }
0x62: {  	_ =	sfence.sel $0x180000  }
0x63: {  	[bflag:$0x0] =	sbarrier.arrive $0xFFFF  }
0x64: {  	p0 =	sne.s32 s4, $0x0;
	_ =	strace $0x90000047  }
0x65: {  	s0 =	sadd.s32 @!p0 $0x100000, s0;
	[bflag:$0x2] =	sbarrier.arrive $0xFFFF  }
0x66: {  	[sflag:s0] =	ssyncadd.tile.s32 @!p0 $0x1;
	_ =	shalt  }
.Lfunc_end2:
_tile_overlayer_lowered:
.L_overlay_start_2:
0x67: {  	(tag) =	ssettag $0x2  }
0x68: {  	s0 =	rddreg [dreg:$0x0];
	s2 =	stileid.u32  }
0x69: {  	s1 =	rddreg [dreg:$0x1];
	p0 =	sne.s32 s2, $0x0  }
0x6a: {  	s3 =	rddreg [dreg:$0x2];
	[bflag:$0x3] =	sbarrier.arrive $0xFFFF;
	s2 =	simm.s32 @!p0 $0x1C01  }
0x6b: {  	[timem:s3], [sflag:s2] =	dma.local @!p0 [hbm:s0], s1  }
0x6c: {  	s0 =	simm.s32 @!p0 $0x1  }
0x6d: {  	_ =	swait.ge @!p0 [sflag:s0], s1  }
0x6e: {  	s1 =	ssub.s32 @!p0 $0x0, s1;
	[sflag:s0] =	ssyncset.done @!p0 $0x0  }
0x6f: {  	[sflag:s0] =	ssyncadd.s32 @!p0 s1  }
0x70: {  	[bflag:$0x3] =	sbarrier.arrive $0xFFFF  }
0x71: {  	_ =	shalt  }

</sc_bundles>
